<compile_context>
chip_gen: v7x
topology: tpu7x:2x2x1
jax: 0.10.2.dev20260603
libtpu: 0.0.44.dev20260713+nightly
codegen_flags: <defaults>
</compile_context>

<pallas_src>
import functools

import jax
import jax.numpy as jnp
from jax import lax
from jax.experimental import pallas as pl
from jax.experimental.pallas import tpu as pltpu
from jax.experimental.pallas import tpu_sc as plsc

N = 10000
E = 320000
D = 128
G = 64
NC, NS, L = 2, 16, 16
NW = NC * NS
EPW = E // NW
CH = 80
NCH = EPW // CH
ROWS_PT = 632
NPAD = NS * ROWS_PT
BR = NPAD // 8

_SC_MESH = plsc.VectorSubcoreMesh(
    core_axis_name="c", subcore_axis_name="s", num_cores=NC, num_subcores=NS)


def _make_edge_kernel(with_count):
    out_type = [jax.ShapeDtypeStruct((NC, NPAD, D), jnp.float32)]
    if with_count:
        out_type.append(jax.ShapeDtypeStruct((NC, NPAD, D), jnp.float32))

    def body(hj_hbm, bg_hbm, src_hbm, dst_hbm, zero_hbm, *rest):
        if with_count:
            out_hbm, cnt_hbm = rest[0], rest[1]
            rest = rest[2:]
        else:
            out_hbm = rest[0]
            rest = rest[1:]
        sidx, didx, hjb, bgb, msgb, aggsh, sem1, sem2 = rest
        c = lax.axis_index("c")
        s = lax.axis_index("s")
        wid = c * NS + s
        base = wid * EPW
        my_rows = pl.ds(s * ROWS_PT, ROWS_PT)

        def fill_msg_ones(e, carry):
            for q in range(D // L):
                msgb[e, pl.ds(q * L, L)] = jnp.ones((L,), jnp.float32)
            return carry

        if with_count:
            pltpu.sync_copy(zero_hbm, aggsh.at[my_rows])
            lax.fori_loop(0, CH, fill_msg_ones, 0)
            plsc.subcore_barrier()

            def cnt_body(k, carry):
                pltpu.sync_copy(dst_hbm.at[pl.ds(base + k * CH, CH)], didx)
                pltpu.sync_copy(msgb, aggsh.at[didx], add=True)
                return carry
            lax.fori_loop(0, NCH, cnt_body, 0)
            plsc.subcore_barrier()
            pltpu.sync_copy(aggsh.at[my_rows], cnt_hbm.at[c, my_rows])
            plsc.subcore_barrier()

        pltpu.sync_copy(zero_hbm, aggsh.at[my_rows])
        plsc.subcore_barrier()

        def chunk_body(k, carry):
            off = base + k * CH
            pltpu.sync_copy(src_hbm.at[pl.ds(off, CH)], sidx)
            pltpu.sync_copy(dst_hbm.at[pl.ds(off, CH)], didx)
            cp1 = pltpu.async_copy(hj_hbm.at[sidx], hjb, sem1)
            cp2 = pltpu.async_copy(bg_hbm.at[didx], bgb, sem2)
            cp1.wait()
            cp2.wait()

            def edge_body(e, inner):
                for q in range(D // L):
                    hv = hjb[e, pl.ds(q * L, L)]
                    bv = bgb[e, pl.ds(q * L, L)]
                    gv = bgb[e, pl.ds(D + q * L, L)]
                    msgb[e, pl.ds(q * L, L)] = jnp.maximum(gv * hv + bv, 0.0)
                return inner
            lax.fori_loop(0, CH, edge_body, 0)

            pltpu.sync_copy(msgb, aggsh.at[didx], add=True)
            return carry

        lax.fori_loop(0, NCH, chunk_body, 0)
        plsc.subcore_barrier()
        pltpu.sync_copy(aggsh.at[my_rows], out_hbm.at[c, my_rows])

    return pl.kernel(
        body,
        mesh=_SC_MESH,
        out_type=out_type,
        scratch_types=[
            pltpu.VMEM((CH,), jnp.int32),
            pltpu.VMEM((CH,), jnp.int32),
            pltpu.VMEM((CH, D), jnp.float32),
            pltpu.VMEM((CH, 2 * D), jnp.float32),
            pltpu.VMEM((CH, D), jnp.float32),
            pltpu.VMEM_SHARED((NPAD, D), jnp.float32),
            pltpu.SemaphoreType.DMA,
            pltpu.SemaphoreType.DMA,
        ],
    )


_edge_kernel0 = _make_edge_kernel(True)
_edge_kernel = _make_edge_kernel(False)


def _split_store(t, hj_ref, bg_ref, skip_ref):
    hj_ref[...] = t[:, :D]
    bg_ref[...] = t[:, D:3 * D]
    skip_ref[...] = t[:, 3 * D:]


def _dense0_body(h_ref, w_ref, b_ref, hj_ref, bg_ref, skip_ref):
    t = jnp.dot(h_ref[...], w_ref[...],
                preferred_element_type=jnp.float32) + b_ref[...]
    _split_store(t, hj_ref, bg_ref, skip_ref)


def _combine_h(p_ref, cnt_ref, skip_ref):
    agg = p_ref[0] + p_ref[1]
    cnt = jnp.maximum(cnt_ref[0][:, :1] + cnt_ref[1][:, :1], 1.0)
    return jax.nn.relu(skip_ref[...] + agg / cnt)


def _update_body(p_ref, cnt_ref, skip_ref, g_ref, b_ref, w_ref, bc_ref,
                 hj_ref, bg_ref, skip_out_ref):
    h = _combine_h(p_ref, cnt_ref, skip_ref)
    mu = jnp.mean(h, axis=-1, keepdims=True)
    dlt = h - mu
    var = jnp.mean(dlt * dlt, axis=-1, keepdims=True)
    hn = dlt * lax.rsqrt(var + 1e-5) * g_ref[...] + b_ref[...]
    t = jnp.dot(hn, w_ref[...],
                preferred_element_type=jnp.float32) + bc_ref[...]
    _split_store(t, hj_ref, bg_ref, skip_out_ref)


def _pool_body(p_ref, cnt_ref, skip_ref, batch_ref, wp_ref, bp_ref, out_ref):
    agg = p_ref[0] + p_ref[1]
    cnt = jnp.maximum(cnt_ref[0][:, :1] + cnt_ref[1][:, :1], 1.0)
    h = jax.nn.relu(skip_ref[...] + agg / cnt)
    bv = batch_ref[...]
    gids = lax.broadcasted_iota(jnp.int32, (G, NPAD), 0)
    mask = (bv == gids).astype(jnp.float32)
    ssum = jnp.dot(mask, h, preferred_element_type=jnp.float32)
    cg = jnp.sum(mask, axis=1, keepdims=True)
    pooled = ssum / jnp.maximum(cg, 1.0)
    out_ref[...] = jnp.dot(pooled, wp_ref[...],
                           preferred_element_type=jnp.float32) + bp_ref[...]


_row_spec = lambda w: pl.BlockSpec((BR, w), lambda i: (i, 0))
_full = lambda shape: pl.BlockSpec(shape, lambda i: tuple(0 for _ in shape))

_dense0 = pl.pallas_call(
    _dense0_body,
    grid=(8,),
    in_specs=[_row_spec(D), _full((D, 4 * D)), _full((1, 4 * D))],
    out_specs=[_row_spec(D), _row_spec(2 * D), _row_spec(D)],
    out_shape=[jax.ShapeDtypeStruct((NPAD, D), jnp.float32),
               jax.ShapeDtypeStruct((NPAD, 2 * D), jnp.float32),
               jax.ShapeDtypeStruct((NPAD, D), jnp.float32)],
)

_update = pl.pallas_call(
    _update_body,
    grid=(8,),
    in_specs=[pl.BlockSpec((NC, BR, D), lambda i: (0, i, 0)),
              pl.BlockSpec((NC, BR, D), lambda i: (0, i, 0)),
              _row_spec(D), _full((1, D)), _full((1, D)),
              _full((D, 4 * D)), _full((1, 4 * D))],
    out_specs=[_row_spec(D), _row_spec(2 * D), _row_spec(D)],
    out_shape=[jax.ShapeDtypeStruct((NPAD, D), jnp.float32),
               jax.ShapeDtypeStruct((NPAD, 2 * D), jnp.float32),
               jax.ShapeDtypeStruct((NPAD, D), jnp.float32)],
)

_pool = pl.pallas_call(
    _pool_body,
    in_specs=[pl.BlockSpec((NC, NPAD, D), lambda: (0, 0, 0)),
              pl.BlockSpec((NC, NPAD, D), lambda: (0, 0, 0)),
              pl.BlockSpec((NPAD, D), lambda: (0, 0)),
              pl.BlockSpec((1, NPAD), lambda: (0, 0)),
              pl.BlockSpec((D, 1), lambda: (0, 0)),
              pl.BlockSpec((1, 1), lambda: (0, 0))],
    out_specs=pl.BlockSpec((G, 1), lambda: (0, 0)),
    out_shape=jax.ShapeDtypeStruct((G, 1), jnp.float32),
)


def kernel(x, edge_index, batch, params):
    src = edge_index[0]
    dst = edge_index[1]
    xp = jnp.zeros((NPAD, D), jnp.float32).at[:N].set(x.astype(jnp.float32))
    batchf = jnp.full((1, NPAD), G, jnp.int32)
    batchf = batchf.at[0, :N].set(batch.astype(jnp.int32))
    zero_init = jnp.zeros((ROWS_PT, D), jnp.float32)

    skip = None
    p = None
    cnt = None
    for l in range(3):
        wcat = jnp.concatenate(
            [params['W_lin_%d' % l].T, params['W_film_%d' % l].T,
             params['W_skip_%d' % l].T], axis=1)
        bcat = jnp.concatenate(
            [jnp.zeros((D,), jnp.float32), params['b_film_%d' % l],
             params['b_skip_%d' % l]])[None, :]
        if l == 0:
            hj, bg, skip = _dense0(xp, wcat, bcat)
            p, cnt = jax.tree.leaves(_edge_kernel0(hj, bg, src, dst, zero_init))
        else:
            lng = params['ln%d_g' % (l - 1)][None, :]
            lnb = params['ln%d_b' % (l - 1)][None, :]
            hj, bg, skip = _update(p, cnt, skip, lng, lnb, wcat, bcat)
            p = jax.tree.leaves(_edge_kernel(hj, bg, src, dst, zero_init))[0]

    wpt = params['W_post'].T
    bp = params['b_post'][None, :]
    return _pool(p, cnt, skip, batchf, wpt, bp)

# --- scband reference (transcript-rebuilt; emitter-appended) ---
"""Pipeline reference for scband-fi-lmv7-reg-31430570672568 (READ-ONLY COPY).

The authoritative reference and input builder live on the scoring server;
editing this copy changes nothing except your own understanding.
"""

import jax, jax.numpy as jnp
import numpy as np

N = 10000
E = 320000
D = 128
NUM_GRAPHS = 64
NUM_LAYERS = 3


def setup_inputs(seed: int = 0) -> dict:
    key = jax.random.key(seed)
    ks = jax.random.split(key, 40)
    x = jax.random.normal(ks[0], (N, D), dtype=jnp.float32)
    edge_index = jax.random.randint(ks[1], (2, E), 0, N)
    batch = jnp.sort(jax.random.randint(ks[2], (N,), 0, NUM_GRAPHS))
    params = {}
    ki = 3
    for l in range(NUM_LAYERS):
        s = 1.0 / np.sqrt(D)
        params['W_lin_%d' % l] = jax.random.normal(ks[ki], (D, D), dtype=jnp.float32) * s; ki += 1
        params['W_skip_%d' % l] = jax.random.normal(ks[ki], (D, D), dtype=jnp.float32) * s; ki += 1
        params['b_skip_%d' % l] = jnp.zeros((D,), dtype=jnp.float32)
        params['W_film_%d' % l] = jax.random.normal(ks[ki], (2 * D, D), dtype=jnp.float32) * s; ki += 1
        params['b_film_%d' % l] = jnp.zeros((2 * D,), dtype=jnp.float32)
    for l in range(NUM_LAYERS - 1):
        params['ln%d_g' % l] = jnp.ones((D,), dtype=jnp.float32)
        params['ln%d_b' % l] = jnp.zeros((D,), dtype=jnp.float32)
    params['W_post'] = jax.random.normal(ks[ki], (1, D), dtype=jnp.float32) * (1.0 / np.sqrt(D)); ki += 1
    params['b_post'] = jnp.zeros((1,), dtype=jnp.float32)
    return {'x': x, 'edge_index': edge_index, 'batch': batch, 'params': params}


def _film_conv(h, src, dst, W_lin, W_skip, b_skip, W_film, b_film):
    # FiLM graph conv: per-destination-node (beta, gamma) modulate transformed source features
    film = h @ W_film.T + b_film
    beta, gamma = jnp.split(film, 2, axis=-1)
    hj = h @ W_lin.T
    msg = jax.nn.relu(gamma[dst] * hj[src] + beta[dst])
    agg = jax.ops.segment_sum(msg, dst, num_segments=N)
    cnt = jax.ops.segment_sum(jnp.ones((dst.shape[0], 1), msg.dtype), dst, num_segments=N)
    agg = agg / jnp.clip(cnt, 1.0)
    return h @ W_skip.T + b_skip + agg


def _layer_norm(x, g, b):
    mu = x.mean(-1, keepdims=True)
    var = x.var(-1, keepdims=True)
    return (x - mu) / jnp.sqrt(var + 1e-5) * g + b


def reference(x, edge_index, batch, params):
    src = edge_index[0]
    dst = edge_index[1]
    h = x.astype(jnp.float32)
    for l in range(NUM_LAYERS):
        h = _film_conv(h, src, dst, params['W_lin_%d' % l], params['W_skip_%d' % l], params['b_skip_%d' % l], params['W_film_%d' % l], params['b_film_%d' % l])
        h = jax.nn.relu(h)
        if l != NUM_LAYERS - 1:
            h = _layer_norm(h, params['ln%d_g' % l], params['ln%d_b' % l])
    s = jax.ops.segment_sum(h, batch, num_segments=NUM_GRAPHS)
    c = jax.ops.segment_sum(jnp.ones((N, 1), h.dtype), batch, num_segments=NUM_GRAPHS)
    pooled = s / jnp.clip(c, 1.0)
    return pooled @ params['W_post'].T + params['b_post']

if __name__ == "__main__":
    import jax
    _d = setup_inputs()
    print(jax.jit(kernel)(*tuple(_d.values())))

</pallas_src>

<mosaic_0001>
#map = affine_map<(d0, d1) -> (0, 0)>
#map1 = affine_map<(d0, d1) -> (0)>
#map2 = affine_map<(d0, d1) -> (0, 0, 0)>
module attributes {stable_mosaic.version = 14 : i64} {
  func.func @body(%arg0: i32, %arg1: i32, %arg2: memref<10112x128xf32, #tpu.memory_space<hbm>>, %arg3: memref<10112x256xf32, #tpu.memory_space<hbm>>, %arg4: memref<320000xi32, #tpu.memory_space<hbm>>, %arg5: memref<320000xi32, #tpu.memory_space<hbm>>, %arg6: memref<632x128xf32, #tpu.memory_space<hbm>>, %arg7: memref<2x10112x128xf32, #tpu.memory_space<hbm>>, %arg8: memref<2x10112x128xf32, #tpu.memory_space<hbm>>, %arg9: memref<80xi32, #tpu.memory_space<vmem>>, %arg10: memref<80xi32, #tpu.memory_space<vmem>>, %arg11: memref<80x128xf32, #tpu.memory_space<vmem>>, %arg12: memref<80x256xf32, #tpu.memory_space<vmem>>, %arg13: memref<80x128xf32, #tpu.memory_space<vmem>>, %arg14: memref<10112x128xf32, #tpu.memory_space<vmem_shared>>, %arg15: memref<!tpu.dma_semaphore, #tpu.memory_space<semaphore_mem>>, %arg16: memref<!tpu.dma_semaphore, #tpu.memory_space<semaphore_mem>>) attributes {dimension_semantics = [#tpu.dimension_semantics<core_parallel>, #tpu.dimension_semantics<subcore_parallel>], iteration_bounds = array<i64: 2, 16>, scalar_prefetch = 0 : i64, scratch_operands = 8 : i64, tpu.core_type = #tpu.core_type<sc_vector_subcore>, window_params = [{transform_indices = #map}, {transform_indices = #map}, {transform_indices = #map1}, {transform_indices = #map1}, {transform_indices = #map}, {transform_indices = #map2}, {transform_indices = #map2}]} {
    %mul3A = arith.constant 16 : i32
    %mul3A_0 = arith.muli %arg0, %mul3A : i32
    %add3A = arith.addi %mul3A_0, %arg1 : i32
    %mul3A_1 = arith.constant 10000 : i32
    %mul3A_2 = arith.muli %add3A, %mul3A_1 : i32
    %mul3A_3 = arith.constant 632 : i32
    %mul3A_4 = arith.muli %arg1, %mul3A_3 : i32
    "tpu.region"() ({
      %run_scoped3A = tpu.sem_alloc : memref<!tpu.dma_semaphore, #tpu.memory_space<semaphore_mem>>
      %dma_start3A = arith.constant 0 : i32
      %dma_start3A_26 = tpu.memref_slice %arg14[%mul3A_4, %dma_start3A] : memref<10112x128xf32, #tpu.memory_space<vmem_shared>> -> memref<632x128xf32, #tpu.memory_space<vmem_shared>>
      tpu.enqueue_dma source(%arg6 : memref<632x128xf32, #tpu.memory_space<hbm>>) target(%dma_start3A_26 : memref<632x128xf32, #tpu.memory_space<vmem_shared>>) target_semaphore(%run_scoped3A : memref<!tpu.dma_semaphore, #tpu.memory_space<semaphore_mem>>)
      %dma_wait3A = arith.constant 0 : i32
      %dma_wait3A_27 = tpu.memref_slice %arg14[%mul3A_4, %dma_wait3A] : memref<10112x128xf32, #tpu.memory_space<vmem_shared>> -> memref<632x128xf32, #tpu.memory_space<vmem_shared>>
      tpu.wait_dma2 semaphore(%run_scoped3A : memref<!tpu.dma_semaphore, #tpu.memory_space<semaphore_mem>>) src(%arg6 : memref<632x128xf32, #tpu.memory_space<hbm>>) dst(%dma_wait3A_27 : memref<632x128xf32, #tpu.memory_space<vmem_shared>>)
      tpu.yield
    }) : () -> ()
    %scan3A = arith.constant 0 : i32
    %scan3A_5 = arith.constant 0 : i32
    %scan3A_6 = arith.constant 80 : i32
    %scan3A_7 = arith.addi %scan3A_5, %scan3A_6 : i32
    %scan3A_8 = arith.constant 1 : i32
    scf.for %scan3A_26 = %scan3A_5 to %scan3A_7 step %scan3A_8  : i32 {
      %broadcast_in_dim3A = arith.constant 1.000000e+00 : f32
      %broadcast_in_dim3A_27 = vector.broadcast %broadcast_in_dim3A : f32 to vector<16xf32>
      %swap3A = arith.index_cast %scan3A_26 : i32 to index
      %swap3A_28 = arith.constant 0 : index
      %swap3A_29 = tpu.vector_load %arg13[%swap3A, %swap3A_28] {strides = array<i32>} : memref<80x128xf32, #tpu.memory_space<vmem>>, vector<1x16xf32>,
      %swap3A_30 = vector.shape_cast %swap3A_29 : vector<1x16xf32> to vector<16xf32>
      %swap3A_31 = vector.shape_cast %broadcast_in_dim3A_27 : vector<16xf32> to vector<1x16xf32>
      tpu.vector_store %arg13[%swap3A, %swap3A_28], %swap3A_31 {strides = array<i32>} : memref<80x128xf32, #tpu.memory_space<vmem>>, vector<1x16xf32>,
      %broadcast_in_dim3A_32 = arith.constant 1.000000e+00 : f32
      %broadcast_in_dim3A_33 = vector.broadcast %broadcast_in_dim3A_32 : f32 to vector<16xf32>
      %swap3A_34 = arith.index_cast %scan3A_26 : i32 to index
      %swap3A_35 = arith.constant 16 : index
      %swap3A_36 = tpu.vector_load %arg13[%swap3A_34, %swap3A_35] {strides = array<i32>} : memref<80x128xf32, #tpu.memory_space<vmem>>, vector<1x16xf32>,
      %swap3A_37 = vector.shape_cast %swap3A_36 : vector<1x16xf32> to vector<16xf32>
      %swap3A_38 = vector.shape_cast %broadcast_in_dim3A_33 : vector<16xf32> to vector<1x16xf32>
      tpu.vector_store %arg13[%swap3A_34, %swap3A_35], %swap3A_38 {strides = array<i32>} : memref<80x128xf32, #tpu.memory_space<vmem>>, vector<1x16xf32>,
      %broadcast_in_dim3A_39 = arith.constant 1.000000e+00 : f32
      %broadcast_in_dim3A_40 = vector.broadcast %broadcast_in_dim3A_39 : f32 to vector<16xf32>
      %swap3A_41 = arith.index_cast %scan3A_26 : i32 to index
      %swap3A_42 = arith.constant 32 : index
      %swap3A_43 = tpu.vector_load %arg13[%swap3A_41, %swap3A_42] {strides = array<i32>} : memref<80x128xf32, #tpu.memory_space<vmem>>, vector<1x16xf32>,
      %swap3A_44 = vector.shape_cast %swap3A_43 : vector<1x16xf32> to vector<16xf32>
      %swap3A_45 = vector.shape_cast %broadcast_in_dim3A_40 : vector<16xf32> to vector<1x16xf32>
      tpu.vector_store %arg13[%swap3A_41, %swap3A_42], %swap3A_45 {strides = array<i32>} : memref<80x128xf32, #tpu.memory_space<vmem>>, vector<1x16xf32>,
      %broadcast_in_dim3A_46 = arith.constant 1.000000e+00 : f32
      %broadcast_in_dim3A_47 = vector.broadcast %broadcast_in_dim3A_46 : f32 to vector<16xf32>
      %swap3A_48 = arith.index_cast %scan3A_26 : i32 to index
      %swap3A_49 = arith.constant 48 : index
      %swap3A_50 = tpu.vector_load %arg13[%swap3A_48, %swap3A_49] {strides = array<i32>} : memref<80x128xf32, #tpu.memory_space<vmem>>, vector<1x16xf32>,
      %swap3A_51 = vector.shape_cast %swap3A_50 : vector<1x16xf32> to vector<16xf32>
      %swap3A_52 = vector.shape_cast %broadcast_in_dim3A_47 : vector<16xf32> to vector<1x16xf32>
      tpu.vector_store %arg13[%swap3A_48, %swap3A_49], %swap3A_52 {strides = array<i32>} : memref<80x128xf32, #tpu.memory_space<vmem>>, vector<1x16xf32>,
      %broadcast_in_dim3A_53 = arith.constant 1.000000e+00 : f32
      %broadcast_in_dim3A_54 = vector.broadcast %broadcast_in_dim3A_53 : f32 to vector<16xf32>
      %swap3A_55 = arith.index_cast %scan3A_26 : i32 to index
      %swap3A_56 = arith.constant 64 : index
      %swap3A_57 = tpu.vector_load %arg13[%swap3A_55, %swap3A_56] {strides = array<i32>} : memref<80x128xf32, #tpu.memory_space<vmem>>, vector<1x16xf32>,
      %swap3A_58 = vector.shape_cast %swap3A_57 : vector<1x16xf32> to vector<16xf32>
      %swap3A_59 = vector.shape_cast %broadcast_in_dim3A_54 : vector<16xf32> to vector<1x16xf32>
      tpu.vector_store %arg13[%swap3A_55, %swap3A_56], %swap3A_59 {strides = array<i32>} : memref<80x128xf32, #tpu.memory_space<vmem>>, vector<1x16xf32>,
      %broadcast_in_dim3A_60 = arith.constant 1.000000e+00 : f32
      %broadcast_in_dim3A_61 = vector.broadcast %broadcast_in_dim3A_60 : f32 to vector<16xf32>
      %swap3A_62 = arith.index_cast %scan3A_26 : i32 to index
      %swap3A_63 = arith.constant 80 : index
      %swap3A_64 = tpu.vector_load %arg13[%swap3A_62, %swap3A_63] {strides = array<i32>} : memref<80x128xf32, #tpu.memory_space<vmem>>, vector<1x16xf32>,
      %swap3A_65 = vector.shape_cast %swap3A_64 : vector<1x16xf32> to vector<16xf32>
      %swap3A_66 = vector.shape_cast %broadcast_in_dim3A_61 : vector<16xf32> to vector<1x16xf32>
      tpu.vector_store %arg13[%swap3A_62, %swap3A_63], %swap3A_66 {strides = array<i32>} : memref<80x128xf32, #tpu.memory_space<vmem>>, vector<1x16xf32>,
      %broadcast_in_dim3A_67 = arith.constant 1.000000e+00 : f32
      %broadcast_in_dim3A_68 = vector.broadcast %broadcast_in_dim3A_67 : f32 to vector<16xf32>
      %swap3A_69 = arith.index_cast %scan3A_26 : i32 to index
      %swap3A_70 = arith.constant 96 : index
      %swap3A_71 = tpu.vector_load %arg13[%swap3A_69, %swap3A_70] {strides = array<i32>} : memref<80x128xf32, #tpu.memory_space<vmem>>, vector<1x16xf32>,
      %swap3A_72 = vector.shape_cast %swap3A_71 : vector<1x16xf32> to vector<16xf32>
      %swap3A_73 = vector.shape_cast %broadcast_in_dim3A_68 : vector<16xf32> to vector<1x16xf32>
      tpu.vector_store %arg13[%swap3A_69, %swap3A_70], %swap3A_73 {strides = array<i32>} : memref<80x128xf32, #tpu.memory_space<vmem>>, vector<1x16xf32>,
      %broadcast_in_dim3A_74 = arith.constant 1.000000e+00 : f32
      %broadcast_in_dim3A_75 = vector.broadcast %broadcast_in_dim3A_74 : f32 to vector<16xf32>
      %swap3A_76 = arith.index_cast %scan3A_26 : i32 to index
      %swap3A_77 = arith.constant 112 : index
      %swap3A_78 = tpu.vector_load %arg13[%swap3A_76, %swap3A_77] {strides = array<i32>} : memref<80x128xf32, #tpu.memory_space<vmem>>, vector<1x16xf32>,
      %swap3A_79 = vector.shape_cast %swap3A_78 : vector<1x16xf32> to vector<16xf32>
      %swap3A_80 = vector.shape_cast %broadcast_in_dim3A_75 : vector<16xf32> to vector<1x16xf32>
      tpu.vector_store %arg13[%swap3A_76, %swap3A_77], %swap3A_80 {strides = array<i32>} : memref<80x128xf32, #tpu.memory_space<vmem>>, vector<1x16xf32>,
    }
    %scan3A_9 = arith.constant 80 : i32
    %barrier3A = arith.constant 0 : index
    tpu.barrier barrier_id(%barrier3A)
    %scan3A_10 = arith.constant 0 : i32
    %scan3A_11 = arith.constant 0 : i32
    %scan3A_12 = arith.constant 125 : i32
    %scan3A_13 = arith.addi %scan3A_11, %scan3A_12 : i32
    %scan3A_14 = arith.constant 1 : i32
    scf.for %scan3A_26 = %scan3A_11 to %scan3A_13 step %scan3A_14  : i32 {
      %mul3A_27 = arith.constant 80 : i32
      %mul3A_28 = arith.muli %scan3A_26, %mul3A_27 : i32
      %add3A_29 = arith.addi %mul3A_2, %mul3A_28 : i32
      "tpu.region"() ({
        %run_scoped3A = tpu.sem_alloc : memref<!tpu.dma_semaphore, #tpu.memory_space<semaphore_mem>>
        %dma_start3A = tpu.memref_slice %arg5[%add3A_29] : memref<320000xi32, #tpu.memory_space<hbm>> -> memref<80xi32, #tpu.memory_space<hbm>>
        %dma_start3A_30 = tpu.memref_slice %arg5[%add3A_29] : memref<320000xi32, #tpu.memory_space<hbm>> -> memref<80xi32, #tpu.memory_space<hbm>>
        tpu.enqueue_dma source(%dma_start3A_30 : memref<80xi32, #tpu.memory_space<hbm>>) target(%arg10 : memref<80xi32, #tpu.memory_space<vmem>>) target_semaphore(%run_scoped3A : memref<!tpu.dma_semaphore, #tpu.memory_space<semaphore_mem>>)
        %dma_wait3A = tpu.memref_slice %arg5[%add3A_29] : memref<320000xi32, #tpu.memory_space<hbm>> -> memref<80xi32, #tpu.memory_space<hbm>>
        %dma_wait3A_31 = tpu.memref_slice %arg5[%add3A_29] : memref<320000xi32, #tpu.memory_space<hbm>> -> memref<80xi32, #tpu.memory_space<hbm>>
        tpu.wait_dma2 semaphore(%run_scoped3A : memref<!tpu.dma_semaphore, #tpu.memory_space<semaphore_mem>>) src(%dma_wait3A_31 : memref<80xi32, #tpu.memory_space<hbm>>) dst(%arg10 : memref<80xi32, #tpu.memory_space<vmem>>)
        tpu.yield
      }) : () -> ()
      "tpu.region"() ({
        %run_scoped3A = tpu.sem_alloc : memref<!tpu.dma_semaphore, #tpu.memory_space<semaphore_mem>>
        %dma_start3A = arith.constant 0 : i32
        %dma_start3A_30 = arith.constant 0 : i32
        %dma_start3A_31 = tpu.memref_slice %arg14[%dma_start3A, %dma_start3A_30] : memref<10112x128xf32, #tpu.memory_space<vmem_shared>> -> memref<10112x128xf32, #tpu.memory_space<vmem_shared>>
        tpu.enqueue_indirect_dma source(%arg13 : memref<80x128xf32, #tpu.memory_space<vmem>>) target(%dma_start3A_31 : memref<10112x128xf32, #tpu.memory_space<vmem_shared>>) offsets(%arg10 : memref<80xi32, #tpu.memory_space<vmem>>) semaphore(%run_scoped3A : memref<!tpu.dma_semaphore, #tpu.memory_space<semaphore_mem>>) {add = true}
        %dma_wait3A = arith.constant 0 : i32
        %dma_wait3A_32 = arith.constant 0 : i32
        %dma_wait3A_33 = tpu.memref_slice %arg14[%dma_wait3A, %dma_wait3A_32] : memref<10112x128xf32, #tpu.memory_space<vmem_shared>> -> memref<10112x128xf32, #tpu.memory_space<vmem_shared>>
        tpu.wait_indirect_dma semaphore(%run_scoped3A : memref<!tpu.dma_semaphore, #tpu.memory_space<semaphore_mem>>) src(%arg13 : memref<80x128xf32, #tpu.memory_space<vmem>>) dst(%dma_wait3A_33 : memref<10112x128xf32, #tpu.memory_space<vmem_shared>>)
        tpu.yield
      }) : () -> ()
    }
    %scan3A_15 = arith.constant 125 : i32
    %barrier3A_16 = arith.constant 0 : index
    tpu.barrier barrier_id(%barrier3A_16)
    "tpu.region"() ({
      %run_scoped3A = tpu.sem_alloc : memref<!tpu.dma_semaphore, #tpu.memory_space<semaphore_mem>>
      %dma_start3A = arith.constant 0 : i32
      %dma_start3A_26 = tpu.memref_slice %arg8[%arg0, %mul3A_4, %dma_start3A] : memref<2x10112x128xf32, #tpu.memory_space<hbm>> -> memref<1x632x128xf32, #tpu.memory_space<hbm>>
      %dma_start3A_27 = tpu.memref_squeeze %dma_start3A_26 : memref<1x632x128xf32, #tpu.memory_space<hbm>> -> memref<632x128xf32, #tpu.memory_space<hbm>>
      %dma_start3A_28 = arith.constant 0 : i32
      %dma_start3A_29 = tpu.memref_slice %arg14[%mul3A_4, %dma_start3A_28] : memref<10112x128xf32, #tpu.memory_space<vmem_shared>> -> memref<632x128xf32, #tpu.memory_space<vmem_shared>>
      tpu.enqueue_dma source(%dma_start3A_29 : memref<632x128xf32, #tpu.memory_space<vmem_shared>>) target(%dma_start3A_27 : memref<632x128xf32, #tpu.memory_space<hbm>>) target_semaphore(%run_scoped3A : memref<!tpu.dma_semaphore, #tpu.memory_space<semaphore_mem>>)
      %dma_wait3A = arith.constant 0 : i32
      %dma_wait3A_30 = tpu.memref_slice %arg8[%arg0, %mul3A_4, %dma_wait3A] : memref<2x10112x128xf32, #tpu.memory_space<hbm>> -> memref<1x632x128xf32, #tpu.memory_space<hbm>>
      %dma_wait3A_31 = tpu.memref_squeeze %dma_wait3A_30 : memref<1x632x128xf32, #tpu.memory_space<hbm>> -> memref<632x128xf32, #tpu.memory_space<hbm>>
      %dma_wait3A_32 = arith.constant 0 : i32
      %dma_wait3A_33 = tpu.memref_slice %arg14[%mul3A_4, %dma_wait3A_32] : memref<10112x128xf32, #tpu.memory_space<vmem_shared>> -> memref<632x128xf32, #tpu.memory_space<vmem_shared>>
      tpu.wait_dma2 semaphore(%run_scoped3A : memref<!tpu.dma_semaphore, #tpu.memory_space<semaphore_mem>>) src(%dma_wait3A_33 : memref<632x128xf32, #tpu.memory_space<vmem_shared>>) dst(%dma_wait3A_31 : memref<632x128xf32, #tpu.memory_space<hbm>>)
      tpu.yield
    }) : () -> ()
    %barrier3A_17 = arith.constant 0 : index
    tpu.barrier barrier_id(%barrier3A_17)
    "tpu.region"() ({
      %run_scoped3A = tpu.sem_alloc : memref<!tpu.dma_semaphore, #tpu.memory_space<semaphore_mem>>
      %dma_start3A = arith.constant 0 : i32
      %dma_start3A_26 = tpu.memref_slice %arg14[%mul3A_4, %dma_start3A] : memref<10112x128xf32, #tpu.memory_space<vmem_shared>> -> memref<632x128xf32, #tpu.memory_space<vmem_shared>>
      tpu.enqueue_dma source(%arg6 : memref<632x128xf32, #tpu.memory_space<hbm>>) target(%dma_start3A_26 : memref<632x128xf32, #tpu.memory_space<vmem_shared>>) target_semaphore(%run_scoped3A : memref<!tpu.dma_semaphore, #tpu.memory_space<semaphore_mem>>)
      %dma_wait3A = arith.constant 0 : i32
      %dma_wait3A_27 = tpu.memref_slice %arg14[%mul3A_4, %dma_wait3A] : memref<10112x128xf32, #tpu.memory_space<vmem_shared>> -> memref<632x128xf32, #tpu.memory_space<vmem_shared>>
      tpu.wait_dma2 semaphore(%run_scoped3A : memref<!tpu.dma_semaphore, #tpu.memory_space<semaphore_mem>>) src(%arg6 : memref<632x128xf32, #tpu.memory_space<hbm>>) dst(%dma_wait3A_27 : memref<632x128xf32, #tpu.memory_space<vmem_shared>>)
      tpu.yield
    }) : () -> ()
    %barrier3A_18 = arith.constant 0 : index
    tpu.barrier barrier_id(%barrier3A_18)
    %scan3A_19 = arith.constant 0 : i32
    %scan3A_20 = arith.constant 0 : i32
    %scan3A_21 = arith.constant 125 : i32
    %scan3A_22 = arith.addi %scan3A_20, %scan3A_21 : i32
    %scan3A_23 = arith.constant 1 : i32
    scf.for %scan3A_26 = %scan3A_20 to %scan3A_22 step %scan3A_23  : i32 {
      %mul3A_27 = arith.constant 80 : i32
      %mul3A_28 = arith.muli %scan3A_26, %mul3A_27 : i32
      %add3A_29 = arith.addi %mul3A_2, %mul3A_28 : i32
      "tpu.region"() ({
        %run_scoped3A = tpu.sem_alloc : memref<!tpu.dma_semaphore, #tpu.memory_space<semaphore_mem>>
        %dma_start3A_46 = tpu.memref_slice %arg4[%add3A_29] : memref<320000xi32, #tpu.memory_space<hbm>> -> memref<80xi32, #tpu.memory_space<hbm>>
        %dma_start3A_47 = tpu.memref_slice %arg4[%add3A_29] : memref<320000xi32, #tpu.memory_space<hbm>> -> memref<80xi32, #tpu.memory_space<hbm>>
        tpu.enqueue_dma source(%dma_start3A_47 : memref<80xi32, #tpu.memory_space<hbm>>) target(%arg9 : memref<80xi32, #tpu.memory_space<vmem>>) target_semaphore(%run_scoped3A : memref<!tpu.dma_semaphore, #tpu.memory_space<semaphore_mem>>)
        %dma_wait3A_48 = tpu.memref_slice %arg4[%add3A_29] : memref<320000xi32, #tpu.memory_space<hbm>> -> memref<80xi32, #tpu.memory_space<hbm>>
        %dma_wait3A_49 = tpu.memref_slice %arg4[%add3A_29] : memref<320000xi32, #tpu.memory_space<hbm>> -> memref<80xi32, #tpu.memory_space<hbm>>
        tpu.wait_dma2 semaphore(%run_scoped3A : memref<!tpu.dma_semaphore, #tpu.memory_space<semaphore_mem>>) src(%dma_wait3A_49 : memref<80xi32, #tpu.memory_space<hbm>>) dst(%arg9 : memref<80xi32, #tpu.memory_space<vmem>>)
        tpu.yield
      }) : () -> ()
      "tpu.region"() ({
        %run_scoped3A = tpu.sem_alloc : memref<!tpu.dma_semaphore, #tpu.memory_space<semaphore_mem>>
        %dma_start3A_46 = tpu.memref_slice %arg5[%add3A_29] : memref<320000xi32, #tpu.memory_space<hbm>> -> memref<80xi32, #tpu.memory_space<hbm>>
        %dma_start3A_47 = tpu.memref_slice %arg5[%add3A_29] : memref<320000xi32, #tpu.memory_space<hbm>> -> memref<80xi32, #tpu.memory_space<hbm>>
        tpu.enqueue_dma source(%dma_start3A_47 : memref<80xi32, #tpu.memory_space<hbm>>) target(%arg10 : memref<80xi32, #tpu.memory_space<vmem>>) target_semaphore(%run_scoped3A : memref<!tpu.dma_semaphore, #tpu.memory_space<semaphore_mem>>)
        %dma_wait3A_48 = tpu.memref_slice %arg5[%add3A_29] : memref<320000xi32, #tpu.memory_space<hbm>> -> memref<80xi32, #tpu.memory_space<hbm>>
        %dma_wait3A_49 = tpu.memref_slice %arg5[%add3A_29] : memref<320000xi32, #tpu.memory_space<hbm>> -> memref<80xi32, #tpu.memory_space<hbm>>
        tpu.wait_dma2 semaphore(%run_scoped3A : memref<!tpu.dma_semaphore, #tpu.memory_space<semaphore_mem>>) src(%dma_wait3A_49 : memref<80xi32, #tpu.memory_space<hbm>>) dst(%arg10 : memref<80xi32, #tpu.memory_space<vmem>>)
        tpu.yield
      }) : () -> ()
      %dma_start3A = arith.constant 0 : i32
      %dma_start3A_30 = arith.constant 0 : i32
      %dma_start3A_31 = tpu.memref_slice %arg2[%dma_start3A, %dma_start3A_30] : memref<10112x128xf32, #tpu.memory_space<hbm>> -> memref<10112x128xf32, #tpu.memory_space<hbm>>
      tpu.enqueue_indirect_dma source(%dma_start3A_31 : memref<10112x128xf32, #tpu.memory_space<hbm>>) target(%arg11 : memref<80x128xf32, #tpu.memory_space<vmem>>) offsets(%arg9 : memref<80xi32, #tpu.memory_space<vmem>>) semaphore(%arg15 : memref<!tpu.dma_semaphore, #tpu.memory_space<semaphore_mem>>)
      %dma_start3A_32 = arith.constant 0 : i32
      %dma_start3A_33 = arith.constant 0 : i32
      %dma_start3A_34 = tpu.memref_slice %arg3[%dma_start3A_32, %dma_start3A_33] : memref<10112x256xf32, #tpu.memory_space<hbm>> -> memref<10112x256xf32, #tpu.memory_space<hbm>>
      tpu.enqueue_indirect_dma source(%dma_start3A_34 : memref<10112x256xf32, #tpu.memory_space<hbm>>) target(%arg12 : memref<80x256xf32, #tpu.memory_space<vmem>>) offsets(%arg10 : memref<80xi32, #tpu.memory_space<vmem>>) semaphore(%arg16 : memref<!tpu.dma_semaphore, #tpu.memory_space<semaphore_mem>>)
      %dma_wait3A = arith.constant 0 : i32
      %dma_wait3A_35 = arith.constant 0 : i32
      %dma_wait3A_36 = tpu.memref_slice %arg2[%dma_wait3A, %dma_wait3A_35] : memref<10112x128xf32, #tpu.memory_space<hbm>> -> memref<10112x128xf32, #tpu.memory_space<hbm>>
      tpu.wait_indirect_dma semaphore(%arg15 : memref<!tpu.dma_semaphore, #tpu.memory_space<semaphore_mem>>) src(%dma_wait3A_36 : memref<10112x128xf32, #tpu.memory_space<hbm>>) dst(%arg11 : memref<80x128xf32, #tpu.memory_space<vmem>>)
      %dma_wait3A_37 = arith.constant 0 : i32
      %dma_wait3A_38 = arith.constant 0 : i32
      %dma_wait3A_39 = tpu.memref_slice %arg3[%dma_wait3A_37, %dma_wait3A_38] : memref<10112x256xf32, #tpu.memory_space<hbm>> -> memref<10112x256xf32, #tpu.memory_space<hbm>>
      tpu.wait_indirect_dma semaphore(%arg16 : memref<!tpu.dma_semaphore, #tpu.memory_space<semaphore_mem>>) src(%dma_wait3A_39 : memref<10112x256xf32, #tpu.memory_space<hbm>>) dst(%arg12 : memref<80x256xf32, #tpu.memory_space<vmem>>)
      %scan3A_40 = arith.constant 0 : i32
      %scan3A_41 = arith.constant 0 : i32
      %scan3A_42 = arith.constant 80 : i32
      %scan3A_43 = arith.addi %scan3A_41, %scan3A_42 : i32
      %scan3A_44 = arith.constant 1 : i32
      scf.for %scan3A_46 = %scan3A_41 to %scan3A_43 step %scan3A_44  : i32 {
        %get3A = arith.index_cast %scan3A_46 : i32 to index
        %get3A_47 = arith.constant 0 : index
        %get3A_48 = tpu.vector_load %arg11[%get3A, %get3A_47] {strides = array<i32>} : memref<80x128xf32, #tpu.memory_space<vmem>>, vector<1x16xf32>,
        %get3A_49 = vector.shape_cast %get3A_48 : vector<1x16xf32> to vector<16xf32>
        %get3A_50 = arith.index_cast %scan3A_46 : i32 to index
        %get3A_51 = arith.constant 0 : index
        %get3A_52 = tpu.vector_load %arg12[%get3A_50, %get3A_51] {strides = array<i32>} : memref<80x256xf32, #tpu.memory_space<vmem>>, vector<1x16xf32>,
        %get3A_53 = vector.shape_cast %get3A_52 : vector<1x16xf32> to vector<16xf32>
        %get3A_54 = arith.index_cast %scan3A_46 : i32 to index
        %get3A_55 = arith.constant 128 : index
        %get3A_56 = tpu.vector_load %arg12[%get3A_54, %get3A_55] {strides = array<i32>} : memref<80x256xf32, #tpu.memory_space<vmem>>, vector<1x16xf32>,
        %get3A_57 = vector.shape_cast %get3A_56 : vector<1x16xf32> to vector<16xf32>
        %mul3A_58 = arith.mulf %get3A_57, %get3A_49 : vector<16xf32>
        %add3A_59 = arith.addf %mul3A_58, %get3A_53 : vector<16xf32>
        %max3A = arith.constant 0.000000e+00 : f32
        %max3A_60 = vector.broadcast %max3A : f32 to vector<16xf32>
        %max3A_61 = arith.maximumf %add3A_59, %max3A_60 : vector<16xf32>
        %swap3A = arith.index_cast %scan3A_46 : i32 to index
        %swap3A_62 = arith.constant 0 : index
        %swap3A_63 = tpu.vector_load %arg13[%swap3A, %swap3A_62] {strides = array<i32>} : memref<80x128xf32, #tpu.memory_space<vmem>>, vector<1x16xf32>,
        %swap3A_64 = vector.shape_cast %swap3A_63 : vector<1x16xf32> to vector<16xf32>
        %swap3A_65 = vector.shape_cast %max3A_61 : vector<16xf32> to vector<1x16xf32>
        tpu.vector_store %arg13[%swap3A, %swap3A_62], %swap3A_65 {strides = array<i32>} : memref<80x128xf32, #tpu.memory_space<vmem>>, vector<1x16xf32>,
        %get3A_66 = arith.index_cast %scan3A_46 : i32 to index
        %get3A_67 = arith.constant 16 : index
        %get3A_68 = tpu.vector_load %arg11[%get3A_66, %get3A_67] {strides = array<i32>} : memref<80x128xf32, #tpu.memory_space<vmem>>, vector<1x16xf32>,
        %get3A_69 = vector.shape_cast %get3A_68 : vector<1x16xf32> to vector<16xf32>
        %get3A_70 = arith.index_cast %scan3A_46 : i32 to index
        %get3A_71 = arith.constant 16 : index
        %get3A_72 = tpu.vector_load %arg12[%get3A_70, %get3A_71] {strides = array<i32>} : memref<80x256xf32, #tpu.memory_space<vmem>>, vector<1x16xf32>,
        %get3A_73 = vector.shape_cast %get3A_72 : vector<1x16xf32> to vector<16xf32>
        %get3A_74 = arith.index_cast %scan3A_46 : i32 to index
        %get3A_75 = arith.constant 144 : index
        %get3A_76 = tpu.vector_load %arg12[%get3A_74, %get3A_75] {strides = array<i32>} : memref<80x256xf32, #tpu.memory_space<vmem>>, vector<1x16xf32>,
        %get3A_77 = vector.shape_cast %get3A_76 : vector<1x16xf32> to vector<16xf32>
        %mul3A_78 = arith.mulf %get3A_77, %get3A_69 : vector<16xf32>
        %add3A_79 = arith.addf %mul3A_78, %get3A_73 : vector<16xf32>
        %max3A_80 = arith.constant 0.000000e+00 : f32
        %max3A_81 = vector.broadcast %max3A_80 : f32 to vector<16xf32>
        %max3A_82 = arith.maximumf %add3A_79, %max3A_81 : vector<16xf32>
        %swap3A_83 = arith.index_cast %scan3A_46 : i32 to index
        %swap3A_84 = arith.constant 16 : index
        %swap3A_85 = tpu.vector_load %arg13[%swap3A_83, %swap3A_84] {strides = array<i32>} : memref<80x128xf32, #tpu.memory_space<vmem>>, vector<1x16xf32>,
        %swap3A_86 = vector.shape_cast %swap3A_85 : vector<1x16xf32> to vector<16xf32>
        %swap3A_87 = vector.shape_cast %max3A_82 : vector<16xf32> to vector<1x16xf32>
        tpu.vector_store %arg13[%swap3A_83, %swap3A_84], %swap3A_87 {strides = array<i32>} : memref<80x128xf32, #tpu.memory_space<vmem>>, vector<1x16xf32>,
        %get3A_88 = arith.index_cast %scan3A_46 : i32 to index
        %get3A_89 = arith.constant 32 : index
        %get3A_90 = tpu.vector_load %arg11[%get3A_88, %get3A_89] {strides = array<i32>} : memref<80x128xf32, #tpu.memory_space<vmem>>, vector<1x16xf32>,
        %get3A_91 = vector.shape_cast %get3A_90 : vector<1x16xf32> to vector<16xf32>
        %get3A_92 = arith.index_cast %scan3A_46 : i32 to index
        %get3A_93 = arith.constant 32 : index
        %get3A_94 = tpu.vector_load %arg12[%get3A_92, %get3A_93] {strides = array<i32>} : memref<80x256xf32, #tpu.memory_space<vmem>>, vector<1x16xf32>,
        %get3A_95 = vector.shape_cast %get3A_94 : vector<1x16xf32> to vector<16xf32>
        %get3A_96 = arith.index_cast %scan3A_46 : i32 to index
        %get3A_97 = arith.constant 160 : index
        %get3A_98 = tpu.vector_load %arg12[%get3A_96, %get3A_97] {strides = array<i32>} : memref<80x256xf32, #tpu.memory_space<vmem>>, vector<1x16xf32>,
        %get3A_99 = vector.shape_cast %get3A_98 : vector<1x16xf32> to vector<16xf32>
        %mul3A_100 = arith.mulf %get3A_99, %get3A_91 : vector<16xf32>
        %add3A_101 = arith.addf %mul3A_100, %get3A_95 : vector<16xf32>
        %max3A_102 = arith.constant 0.000000e+00 : f32
        %max3A_103 = vector.broadcast %max3A_102 : f32 to vector<16xf32>
        %max3A_104 = arith.maximumf %add3A_101, %max3A_103 : vector<16xf32>
        %swap3A_105 = arith.index_cast %scan3A_46 : i32 to index
        %swap3A_106 = arith.constant 32 : index
        %swap3A_107 = tpu.vector_load %arg13[%swap3A_105, %swap3A_106] {strides = array<i32>} : memref<80x128xf32, #tpu.memory_space<vmem>>, vector<1x16xf32>,
        %swap3A_108 = vector.shape_cast %swap3A_107 : vector<1x16xf32> to vector<16xf32>
        %swap3A_109 = vector.shape_cast %max3A_104 : vector<16xf32> to vector<1x16xf32>
        tpu.vector_store %arg13[%swap3A_105, %swap3A_106], %swap3A_109 {strides = array<i32>} : memref<80x128xf32, #tpu.memory_space<vmem>>, vector<1x16xf32>,
        %get3A_110 = arith.index_cast %scan3A_46 : i32 to index
        %get3A_111 = arith.constant 48 : index
        %get3A_112 = tpu.vector_load %arg11[%get3A_110, %get3A_111] {strides = array<i32>} : memref<80x128xf32, #tpu.memory_space<vmem>>, vector<1x16xf32>,
        %get3A_113 = vector.shape_cast %get3A_112 : vector<1x16xf32> to vector<16xf32>
        %get3A_114 = arith.index_cast %scan3A_46 : i32 to index
        %get3A_115 = arith.constant 48 : index
        %get3A_116 = tpu.vector_load %arg12[%get3A_114, %get3A_115] {strides = array<i32>} : memref<80x256xf32, #tpu.memory_space<vmem>>, vector<1x16xf32>,
        %get3A_117 = vector.shape_cast %get3A_116 : vector<1x16xf32> to vector<16xf32>
        %get3A_118 = arith.index_cast %scan3A_46 : i32 to index
        %get3A_119 = arith.constant 176 : index
        %get3A_120 = tpu.vector_load %arg12[%get3A_118, %get3A_119] {strides = array<i32>} : memref<80x256xf32, #tpu.memory_space<vmem>>, vector<1x16xf32>,
        %get3A_121 = vector.shape_cast %get3A_120 : vector<1x16xf32> to vector<16xf32>
        %mul3A_122 = arith.mulf %get3A_121, %get3A_113 : vector<16xf32>
        %add3A_123 = arith.addf %mul3A_122, %get3A_117 : vector<16xf32>
        %max3A_124 = arith.constant 0.000000e+00 : f32
        %max3A_125 = vector.broadcast %max3A_124 : f32 to vector<16xf32>
        %max3A_126 = arith.maximumf %add3A_123, %max3A_125 : vector<16xf32>
        %swap3A_127 = arith.index_cast %scan3A_46 : i32 to index
        %swap3A_128 = arith.constant 48 : index
        %swap3A_129 = tpu.vector_load %arg13[%swap3A_127, %swap3A_128] {strides = array<i32>} : memref<80x128xf32, #tpu.memory_space<vmem>>, vector<1x16xf32>,
        %swap3A_130 = vector.shape_cast %swap3A_129 : vector<1x16xf32> to vector<16xf32>
        %swap3A_131 = vector.shape_cast %max3A_126 : vector<16xf32> to vector<1x16xf32>
        tpu.vector_store %arg13[%swap3A_127, %swap3A_128], %swap3A_131 {strides = array<i32>} : memref<80x128xf32, #tpu.memory_space<vmem>>, vector<1x16xf32>,
        %get3A_132 = arith.index_cast %scan3A_46 : i32 to index
        %get3A_133 = arith.constant 64 : index
        %get3A_134 = tpu.vector_load %arg11[%get3A_132, %get3A_133] {strides = array<i32>} : memref<80x128xf32, #tpu.memory_space<vmem>>, vector<1x16xf32>,
        %get3A_135 = vector.shape_cast %get3A_134 : vector<1x16xf32> to vector<16xf32>
        %get3A_136 = arith.index_cast %scan3A_46 : i32 to index
        %get3A_137 = arith.constant 64 : index
        %get3A_138 = tpu.vector_load %arg12[%get3A_136, %get3A_137] {strides = array<i32>} : memref<80x256xf32, #tpu.memory_space<vmem>>, vector<1x16xf32>,
        %get3A_139 = vector.shape_cast %get3A_138 : vector<1x16xf32> to vector<16xf32>
        %get3A_140 = arith.index_cast %scan3A_46 : i32 to index
        %get3A_141 = arith.constant 192 : index
        %get3A_142 = tpu.vector_load %arg12[%get3A_140, %get3A_141] {strides = array<i32>} : memref<80x256xf32, #tpu.memory_space<vmem>>, vector<1x16xf32>,
        %get3A_143 = vector.shape_cast %get3A_142 : vector<1x16xf32> to vector<16xf32>
        %mul3A_144 = arith.mulf %get3A_143, %get3A_135 : vector<16xf32>
        %add3A_145 = arith.addf %mul3A_144, %get3A_139 : vector<16xf32>
        %max3A_146 = arith.constant 0.000000e+00 : f32
        %max3A_147 = vector.broadcast %max3A_146 : f32 to vector<16xf32>
        %max3A_148 = arith.maximumf %add3A_145, %max3A_147 : vector<16xf32>
        %swap3A_149 = arith.index_cast %scan3A_46 : i32 to index
        %swap3A_150 = arith.constant 64 : index
        %swap3A_151 = tpu.vector_load %arg13[%swap3A_149, %swap3A_150] {strides = array<i32>} : memref<80x128xf32, #tpu.memory_space<vmem>>, vector<1x16xf32>,
        %swap3A_152 = vector.shape_cast %swap3A_151 : vector<1x16xf32> to vector<16xf32>
        %swap3A_153 = vector.shape_cast %max3A_148 : vector<16xf32> to vector<1x16xf32>
        tpu.vector_store %arg13[%swap3A_149, %swap3A_150], %swap3A_153 {strides = array<i32>} : memref<80x128xf32, #tpu.memory_space<vmem>>, vector<1x16xf32>,
        %get3A_154 = arith.index_cast %scan3A_46 : i32 to index
        %get3A_155 = arith.constant 80 : index
        %get3A_156 = tpu.vector_load %arg11[%get3A_154, %get3A_155] {strides = array<i32>} : memref<80x128xf32, #tpu.memory_space<vmem>>, vector<1x16xf32>,
        %get3A_157 = vector.shape_cast %get3A_156 : vector<1x16xf32> to vector<16xf32>
        %get3A_158 = arith.index_cast %scan3A_46 : i32 to index
        %get3A_159 = arith.constant 80 : index
        %get3A_160 = tpu.vector_load %arg12[%get3A_158, %get3A_159] {strides = array<i32>} : memref<80x256xf32, #tpu.memory_space<vmem>>, vector<1x16xf32>,
        %get3A_161 = vector.shape_cast %get3A_160 : vector<1x16xf32> to vector<16xf32>
        %get3A_162 = arith.index_cast %scan3A_46 : i32 to index
        %get3A_163 = arith.constant 208 : index
        %get3A_164 = tpu.vector_load %arg12[%get3A_162, %get3A_163] {strides = array<i32>} : memref<80x256xf32, #tpu.memory_space<vmem>>, vector<1x16xf32>,
        %get3A_165 = vector.shape_cast %get3A_164 : vector<1x16xf32> to vector<16xf32>
        %mul3A_166 = arith.mulf %get3A_165, %get3A_157 : vector<16xf32>
        %add3A_167 = arith.addf %mul3A_166, %get3A_161 : vector<16xf32>
        %max3A_168 = arith.constant 0.000000e+00 : f32
        %max3A_169 = vector.broadcast %max3A_168 : f32 to vector<16xf32>
        %max3A_170 = arith.maximumf %add3A_167, %max3A_169 : vector<16xf32>
        %swap3A_171 = arith.index_cast %scan3A_46 : i32 to index
        %swap3A_172 = arith.constant 80 : index
        %swap3A_173 = tpu.vector_load %arg13[%swap3A_171, %swap3A_172] {strides = array<i32>} : memref<80x128xf32, #tpu.memory_space<vmem>>, vector<1x16xf32>,
        %swap3A_174 = vector.shape_cast %swap3A_173 : vector<1x16xf32> to vector<16xf32>
        %swap3A_175 = vector.shape_cast %max3A_170 : vector<16xf32> to vector<1x16xf32>
        tpu.vector_store %arg13[%swap3A_171, %swap3A_172], %swap3A_175 {strides = array<i32>} : memref<80x128xf32, #tpu.memory_space<vmem>>, vector<1x16xf32>,
        %get3A_176 = arith.index_cast %scan3A_46 : i32 to index
        %get3A_177 = arith.constant 96 : index
        %get3A_178 = tpu.vector_load %arg11[%get3A_176, %get3A_177] {strides = array<i32>} : memref<80x128xf32, #tpu.memory_space<vmem>>, vector<1x16xf32>,
        %get3A_179 = vector.shape_cast %get3A_178 : vector<1x16xf32> to vector<16xf32>
        %get3A_180 = arith.index_cast %scan3A_46 : i32 to index
        %get3A_181 = arith.constant 96 : index
        %get3A_182 = tpu.vector_load %arg12[%get3A_180, %get3A_181] {strides = array<i32>} : memref<80x256xf32, #tpu.memory_space<vmem>>, vector<1x16xf32>,
        %get3A_183 = vector.shape_cast %get3A_182 : vector<1x16xf32> to vector<16xf32>
        %get3A_184 = arith.index_cast %scan3A_46 : i32 to index
        %get3A_185 = arith.constant 224 : index
        %get3A_186 = tpu.vector_load %arg12[%get3A_184, %get3A_185] {strides = array<i32>} : memref<80x256xf32, #tpu.memory_space<vmem>>, vector<1x16xf32>,
        %get3A_187 = vector.shape_cast %get3A_186 : vector<1x16xf32> to vector<16xf32>
        %mul3A_188 = arith.mulf %get3A_187, %get3A_179 : vector<16xf32>
        %add3A_189 = arith.addf %mul3A_188, %get3A_183 : vector<16xf32>
        %max3A_190 = arith.constant 0.000000e+00 : f32
        %max3A_191 = vector.broadcast %max3A_190 : f32 to vector<16xf32>
        %max3A_192 = arith.maximumf %add3A_189, %max3A_191 : vector<16xf32>
        %swap3A_193 = arith.index_cast %scan3A_46 : i32 to index
        %swap3A_194 = arith.constant 96 : index
        %swap3A_195 = tpu.vector_load %arg13[%swap3A_193, %swap3A_194] {strides = array<i32>} : memref<80x128xf32, #tpu.memory_space<vmem>>, vector<1x16xf32>,
        %swap3A_196 = vector.shape_cast %swap3A_195 : vector<1x16xf32> to vector<16xf32>
        %swap3A_197 = vector.shape_cast %max3A_192 : vector<16xf32> to vector<1x16xf32>
        tpu.vector_store %arg13[%swap3A_193, %swap3A_194], %swap3A_197 {strides = array<i32>} : memref<80x128xf32, #tpu.memory_space<vmem>>, vector<1x16xf32>,
        %get3A_198 = arith.index_cast %scan3A_46 : i32 to index
        %get3A_199 = arith.constant 112 : index
        %get3A_200 = tpu.vector_load %arg11[%get3A_198, %get3A_199] {strides = array<i32>} : memref<80x128xf32, #tpu.memory_space<vmem>>, vector<1x16xf32>,
        %get3A_201 = vector.shape_cast %get3A_200 : vector<1x16xf32> to vector<16xf32>
        %get3A_202 = arith.index_cast %scan3A_46 : i32 to index
        %get3A_203 = arith.constant 112 : index
        %get3A_204 = tpu.vector_load %arg12[%get3A_202, %get3A_203] {strides = array<i32>} : memref<80x256xf32, #tpu.memory_space<vmem>>, vector<1x16xf32>,
        %get3A_205 = vector.shape_cast %get3A_204 : vector<1x16xf32> to vector<16xf32>
        %get3A_206 = arith.index_cast %scan3A_46 : i32 to index
        %get3A_207 = arith.constant 240 : index
        %get3A_208 = tpu.vector_load %arg12[%get3A_206, %get3A_207] {strides = array<i32>} : memref<80x256xf32, #tpu.memory_space<vmem>>, vector<1x16xf32>,
        %get3A_209 = vector.shape_cast %get3A_208 : vector<1x16xf32> to vector<16xf32>
        %mul3A_210 = arith.mulf %get3A_209, %get3A_201 : vector<16xf32>
        %add3A_211 = arith.addf %mul3A_210, %get3A_205 : vector<16xf32>
        %max3A_212 = arith.constant 0.000000e+00 : f32
        %max3A_213 = vector.broadcast %max3A_212 : f32 to vector<16xf32>
        %max3A_214 = arith.maximumf %add3A_211, %max3A_213 : vector<16xf32>
        %swap3A_215 = arith.index_cast %scan3A_46 : i32 to index
        %swap3A_216 = arith.constant 112 : index
        %swap3A_217 = tpu.vector_load %arg13[%swap3A_215, %swap3A_216] {strides = array<i32>} : memref<80x128xf32, #tpu.memory_space<vmem>>, vector<1x16xf32>,
        %swap3A_218 = vector.shape_cast %swap3A_217 : vector<1x16xf32> to vector<16xf32>
        %swap3A_219 = vector.shape_cast %max3A_214 : vector<16xf32> to vector<1x16xf32>
        tpu.vector_store %arg13[%swap3A_215, %swap3A_216], %swap3A_219 {strides = array<i32>} : memref<80x128xf32, #tpu.memory_space<vmem>>, vector<1x16xf32>,
      }
      %scan3A_45 = arith.constant 80 : i32
      "tpu.region"() ({
        %run_scoped3A = tpu.sem_alloc : memref<!tpu.dma_semaphore, #tpu.memory_space<semaphore_mem>>
        %dma_start3A_46 = arith.constant 0 : i32
        %dma_start3A_47 = arith.constant 0 : i32
        %dma_start3A_48 = tpu.memref_slice %arg14[%dma_start3A_46, %dma_start3A_47] : memref<10112x128xf32, #tpu.memory_space<vmem_shared>> -> memref<10112x128xf32, #tpu.memory_space<vmem_shared>>
        tpu.enqueue_indirect_dma source(%arg13 : memref<80x128xf32, #tpu.memory_space<vmem>>) target(%dma_start3A_48 : memref<10112x128xf32, #tpu.memory_space<vmem_shared>>) offsets(%arg10 : memref<80xi32, #tpu.memory_space<vmem>>) semaphore(%run_scoped3A : memref<!tpu.dma_semaphore, #tpu.memory_space<semaphore_mem>>) {add = true}
        %dma_wait3A_49 = arith.constant 0 : i32
        %dma_wait3A_50 = arith.constant 0 : i32
        %dma_wait3A_51 = tpu.memref_slice %arg14[%dma_wait3A_49, %dma_wait3A_50] : memref<10112x128xf32, #tpu.memory_space<vmem_shared>> -> memref<10112x128xf32, #tpu.memory_space<vmem_shared>>
        tpu.wait_indirect_dma semaphore(%run_scoped3A : memref<!tpu.dma_semaphore, #tpu.memory_space<semaphore_mem>>) src(%arg13 : memref<80x128xf32, #tpu.memory_space<vmem>>) dst(%dma_wait3A_51 : memref<10112x128xf32, #tpu.memory_space<vmem_shared>>)
        tpu.yield
      }) : () -> ()
    }
    %scan3A_24 = arith.constant 125 : i32
    %barrier3A_25 = arith.constant 0 : index
    tpu.barrier barrier_id(%barrier3A_25)
    "tpu.region"() ({
      %run_scoped3A = tpu.sem_alloc : memref<!tpu.dma_semaphore, #tpu.memory_space<semaphore_mem>>
      %dma_start3A = arith.constant 0 : i32
      %dma_start3A_26 = tpu.memref_slice %arg7[%arg0, %mul3A_4, %dma_start3A] : memref<2x10112x128xf32, #tpu.memory_space<hbm>> -> memref<1x632x128xf32, #tpu.memory_space<hbm>>
      %dma_start3A_27 = tpu.memref_squeeze %dma_start3A_26 : memref<1x632x128xf32, #tpu.memory_space<hbm>> -> memref<632x128xf32, #tpu.memory_space<hbm>>
      %dma_start3A_28 = arith.constant 0 : i32
      %dma_start3A_29 = tpu.memref_slice %arg14[%mul3A_4, %dma_start3A_28] : memref<10112x128xf32, #tpu.memory_space<vmem_shared>> -> memref<632x128xf32, #tpu.memory_space<vmem_shared>>
      tpu.enqueue_dma source(%dma_start3A_29 : memref<632x128xf32, #tpu.memory_space<vmem_shared>>) target(%dma_start3A_27 : memref<632x128xf32, #tpu.memory_space<hbm>>) target_semaphore(%run_scoped3A : memref<!tpu.dma_semaphore, #tpu.memory_space<semaphore_mem>>)
      %dma_wait3A = arith.constant 0 : i32
      %dma_wait3A_30 = tpu.memref_slice %arg7[%arg0, %mul3A_4, %dma_wait3A] : memref<2x10112x128xf32, #tpu.memory_space<hbm>> -> memref<1x632x128xf32, #tpu.memory_space<hbm>>
      %dma_wait3A_31 = tpu.memref_squeeze %dma_wait3A_30 : memref<1x632x128xf32, #tpu.memory_space<hbm>> -> memref<632x128xf32, #tpu.memory_space<hbm>>
      %dma_wait3A_32 = arith.constant 0 : i32
      %dma_wait3A_33 = tpu.memref_slice %arg14[%mul3A_4, %dma_wait3A_32] : memref<10112x128xf32, #tpu.memory_space<vmem_shared>> -> memref<632x128xf32, #tpu.memory_space<vmem_shared>>
      tpu.wait_dma2 semaphore(%run_scoped3A : memref<!tpu.dma_semaphore, #tpu.memory_space<semaphore_mem>>) src(%dma_wait3A_33 : memref<632x128xf32, #tpu.memory_space<vmem_shared>>) dst(%dma_wait3A_31 : memref<632x128xf32, #tpu.memory_space<hbm>>)
      tpu.yield
    }) : () -> ()
    return
  }
}

#map = affine_map<(d0, d1) -> (0, 0)>
#map1 = affine_map<(d0, d1) -> (0)>
#map2 = affine_map<(d0, d1) -> (0, 0, 0)>
module attributes {stable_mosaic.version = 14 : i64} {
  func.func @body(%arg0: i32, %arg1: i32, %arg2: memref<10112x128xf32, #tpu.memory_space<hbm>>, %arg3: memref<10112x256xf32, #tpu.memory_space<hbm>>, %arg4: memref<320000xi32, #tpu.memory_space<hbm>>, %arg5: memref<320000xi32, #tpu.memory_space<hbm>>, %arg6: memref<632x128xf32, #tpu.memory_space<hbm>>, %arg7: memref<2x10112x128xf32, #tpu.memory_space<hbm>>, %arg8: memref<80xi32, #tpu.memory_space<vmem>>, %arg9: memref<80xi32, #tpu.memory_space<vmem>>, %arg10: memref<80x128xf32, #tpu.memory_space<vmem>>, %arg11: memref<80x256xf32, #tpu.memory_space<vmem>>, %arg12: memref<80x128xf32, #tpu.memory_space<vmem>>, %arg13: memref<10112x128xf32, #tpu.memory_space<vmem_shared>>, %arg14: memref<!tpu.dma_semaphore, #tpu.memory_space<semaphore_mem>>, %arg15: memref<!tpu.dma_semaphore, #tpu.memory_space<semaphore_mem>>) attributes {dimension_semantics = [#tpu.dimension_semantics<core_parallel>, #tpu.dimension_semantics<subcore_parallel>], iteration_bounds = array<i64: 2, 16>, scalar_prefetch = 0 : i64, scratch_operands = 8 : i64, tpu.core_type = #tpu.core_type<sc_vector_subcore>, window_params = [{transform_indices = #map}, {transform_indices = #map}, {transform_indices = #map1}, {transform_indices = #map1}, {transform_indices = #map}, {transform_indices = #map2}]} {
    %mul3A = arith.constant 16 : i32
    %mul3A_0 = arith.muli %arg0, %mul3A : i32
    %add3A = arith.addi %mul3A_0, %arg1 : i32
    %mul3A_1 = arith.constant 10000 : i32
    %mul3A_2 = arith.muli %add3A, %mul3A_1 : i32
    %mul3A_3 = arith.constant 632 : i32
    %mul3A_4 = arith.muli %arg1, %mul3A_3 : i32
    "tpu.region"() ({
      %run_scoped3A = tpu.sem_alloc : memref<!tpu.dma_semaphore, #tpu.memory_space<semaphore_mem>>
      %dma_start3A = arith.constant 0 : i32
      %dma_start3A_11 = tpu.memref_slice %arg13[%mul3A_4, %dma_start3A] : memref<10112x128xf32, #tpu.memory_space<vmem_shared>> -> memref<632x128xf32, #tpu.memory_space<vmem_shared>>
      tpu.enqueue_dma source(%arg6 : memref<632x128xf32, #tpu.memory_space<hbm>>) target(%dma_start3A_11 : memref<632x128xf32, #tpu.memory_space<vmem_shared>>) target_semaphore(%run_scoped3A : memref<!tpu.dma_semaphore, #tpu.memory_space<semaphore_mem>>)
      %dma_wait3A = arith.constant 0 : i32
      %dma_wait3A_12 = tpu.memref_slice %arg13[%mul3A_4, %dma_wait3A] : memref<10112x128xf32, #tpu.memory_space<vmem_shared>> -> memref<632x128xf32, #tpu.memory_space<vmem_shared>>
      tpu.wait_dma2 semaphore(%run_scoped3A : memref<!tpu.dma_semaphore, #tpu.memory_space<semaphore_mem>>) src(%arg6 : memref<632x128xf32, #tpu.memory_space<hbm>>) dst(%dma_wait3A_12 : memref<632x128xf32, #tpu.memory_space<vmem_shared>>)
      tpu.yield
    }) : () -> ()
    %barrier3A = arith.constant 0 : index
    tpu.barrier barrier_id(%barrier3A)
    %scan3A = arith.constant 0 : i32
    %scan3A_5 = arith.constant 0 : i32
    %scan3A_6 = arith.constant 125 : i32
    %scan3A_7 = arith.addi %scan3A_5, %scan3A_6 : i32
    %scan3A_8 = arith.constant 1 : i32
    scf.for %scan3A_11 = %scan3A_5 to %scan3A_7 step %scan3A_8  : i32 {
      %mul3A_12 = arith.constant 80 : i32
      %mul3A_13 = arith.muli %scan3A_11, %mul3A_12 : i32
      %add3A_14 = arith.addi %mul3A_2, %mul3A_13 : i32
      "tpu.region"() ({
        %run_scoped3A = tpu.sem_alloc : memref<!tpu.dma_semaphore, #tpu.memory_space<semaphore_mem>>
        %dma_start3A_31 = tpu.memref_slice %arg4[%add3A_14] : memref<320000xi32, #tpu.memory_space<hbm>> -> memref<80xi32, #tpu.memory_space<hbm>>
        %dma_start3A_32 = tpu.memref_slice %arg4[%add3A_14] : memref<320000xi32, #tpu.memory_space<hbm>> -> memref<80xi32, #tpu.memory_space<hbm>>
        tpu.enqueue_dma source(%dma_start3A_32 : memref<80xi32, #tpu.memory_space<hbm>>) target(%arg8 : memref<80xi32, #tpu.memory_space<vmem>>) target_semaphore(%run_scoped3A : memref<!tpu.dma_semaphore, #tpu.memory_space<semaphore_mem>>)
        %dma_wait3A_33 = tpu.memref_slice %arg4[%add3A_14] : memref<320000xi32, #tpu.memory_space<hbm>> -> memref<80xi32, #tpu.memory_space<hbm>>
        %dma_wait3A_34 = tpu.memref_slice %arg4[%add3A_14] : memref<320000xi32, #tpu.memory_space<hbm>> -> memref<80xi32, #tpu.memory_space<hbm>>
        tpu.wait_dma2 semaphore(%run_scoped3A : memref<!tpu.dma_semaphore, #tpu.memory_space<semaphore_mem>>) src(%dma_wait3A_34 : memref<80xi32, #tpu.memory_space<hbm>>) dst(%arg8 : memref<80xi32, #tpu.memory_space<vmem>>)
        tpu.yield
      }) : () -> ()
      "tpu.region"() ({
        %run_scoped3A = tpu.sem_alloc : memref<!tpu.dma_semaphore, #tpu.memory_space<semaphore_mem>>
        %dma_start3A_31 = tpu.memref_slice %arg5[%add3A_14] : memref<320000xi32, #tpu.memory_space<hbm>> -> memref<80xi32, #tpu.memory_space<hbm>>
        %dma_start3A_32 = tpu.memref_slice %arg5[%add3A_14] : memref<320000xi32, #tpu.memory_space<hbm>> -> memref<80xi32, #tpu.memory_space<hbm>>
        tpu.enqueue_dma source(%dma_start3A_32 : memref<80xi32, #tpu.memory_space<hbm>>) target(%arg9 : memref<80xi32, #tpu.memory_space<vmem>>) target_semaphore(%run_scoped3A : memref<!tpu.dma_semaphore, #tpu.memory_space<semaphore_mem>>)
        %dma_wait3A_33 = tpu.memref_slice %arg5[%add3A_14] : memref<320000xi32, #tpu.memory_space<hbm>> -> memref<80xi32, #tpu.memory_space<hbm>>
        %dma_wait3A_34 = tpu.memref_slice %arg5[%add3A_14] : memref<320000xi32, #tpu.memory_space<hbm>> -> memref<80xi32, #tpu.memory_space<hbm>>
        tpu.wait_dma2 semaphore(%run_scoped3A : memref<!tpu.dma_semaphore, #tpu.memory_space<semaphore_mem>>) src(%dma_wait3A_34 : memref<80xi32, #tpu.memory_space<hbm>>) dst(%arg9 : memref<80xi32, #tpu.memory_space<vmem>>)
        tpu.yield
      }) : () -> ()
      %dma_start3A = arith.constant 0 : i32
      %dma_start3A_15 = arith.constant 0 : i32
      %dma_start3A_16 = tpu.memref_slice %arg2[%dma_start3A, %dma_start3A_15] : memref<10112x128xf32, #tpu.memory_space<hbm>> -> memref<10112x128xf32, #tpu.memory_space<hbm>>
      tpu.enqueue_indirect_dma source(%dma_start3A_16 : memref<10112x128xf32, #tpu.memory_space<hbm>>) target(%arg10 : memref<80x128xf32, #tpu.memory_space<vmem>>) offsets(%arg8 : memref<80xi32, #tpu.memory_space<vmem>>) semaphore(%arg14 : memref<!tpu.dma_semaphore, #tpu.memory_space<semaphore_mem>>)
      %dma_start3A_17 = arith.constant 0 : i32
      %dma_start3A_18 = arith.constant 0 : i32
      %dma_start3A_19 = tpu.memref_slice %arg3[%dma_start3A_17, %dma_start3A_18] : memref<10112x256xf32, #tpu.memory_space<hbm>> -> memref<10112x256xf32, #tpu.memory_space<hbm>>
      tpu.enqueue_indirect_dma source(%dma_start3A_19 : memref<10112x256xf32, #tpu.memory_space<hbm>>) target(%arg11 : memref<80x256xf32, #tpu.memory_space<vmem>>) offsets(%arg9 : memref<80xi32, #tpu.memory_space<vmem>>) semaphore(%arg15 : memref<!tpu.dma_semaphore, #tpu.memory_space<semaphore_mem>>)
      %dma_wait3A = arith.constant 0 : i32
      %dma_wait3A_20 = arith.constant 0 : i32
      %dma_wait3A_21 = tpu.memref_slice %arg2[%dma_wait3A, %dma_wait3A_20] : memref<10112x128xf32, #tpu.memory_space<hbm>> -> memref<10112x128xf32, #tpu.memory_space<hbm>>
      tpu.wait_indirect_dma semaphore(%arg14 : memref<!tpu.dma_semaphore, #tpu.memory_space<semaphore_mem>>) src(%dma_wait3A_21 : memref<10112x128xf32, #tpu.memory_space<hbm>>) dst(%arg10 : memref<80x128xf32, #tpu.memory_space<vmem>>)
      %dma_wait3A_22 = arith.constant 0 : i32
      %dma_wait3A_23 = arith.constant 0 : i32
      %dma_wait3A_24 = tpu.memref_slice %arg3[%dma_wait3A_22, %dma_wait3A_23] : memref<10112x256xf32, #tpu.memory_space<hbm>> -> memref<10112x256xf32, #tpu.memory_space<hbm>>
      tpu.wait_indirect_dma semaphore(%arg15 : memref<!tpu.dma_semaphore, #tpu.memory_space<semaphore_mem>>) src(%dma_wait3A_24 : memref<10112x256xf32, #tpu.memory_space<hbm>>) dst(%arg11 : memref<80x256xf32, #tpu.memory_space<vmem>>)
      %scan3A_25 = arith.constant 0 : i32
      %scan3A_26 = arith.constant 0 : i32
      %scan3A_27 = arith.constant 80 : i32
      %scan3A_28 = arith.addi %scan3A_26, %scan3A_27 : i32
      %scan3A_29 = arith.constant 1 : i32
      scf.for %scan3A_31 = %scan3A_26 to %scan3A_28 step %scan3A_29  : i32 {
        %get3A = arith.index_cast %scan3A_31 : i32 to index
        %get3A_32 = arith.constant 0 : index
        %get3A_33 = tpu.vector_load %arg10[%get3A, %get3A_32] {strides = array<i32>} : memref<80x128xf32, #tpu.memory_space<vmem>>, vector<1x16xf32>,
        %get3A_34 = vector.shape_cast %get3A_33 : vector<1x16xf32> to vector<16xf32>
        %get3A_35 = arith.index_cast %scan3A_31 : i32 to index
        %get3A_36 = arith.constant 0 : index
        %get3A_37 = tpu.vector_load %arg11[%get3A_35, %get3A_36] {strides = array<i32>} : memref<80x256xf32, #tpu.memory_space<vmem>>, vector<1x16xf32>,
        %get3A_38 = vector.shape_cast %get3A_37 : vector<1x16xf32> to vector<16xf32>
        %get3A_39 = arith.index_cast %scan3A_31 : i32 to index
        %get3A_40 = arith.constant 128 : index
        %get3A_41 = tpu.vector_load %arg11[%get3A_39, %get3A_40] {strides = array<i32>} : memref<80x256xf32, #tpu.memory_space<vmem>>, vector<1x16xf32>,
        %get3A_42 = vector.shape_cast %get3A_41 : vector<1x16xf32> to vector<16xf32>
        %mul3A_43 = arith.mulf %get3A_42, %get3A_34 : vector<16xf32>
        %add3A_44 = arith.addf %mul3A_43, %get3A_38 : vector<16xf32>
        %max3A = arith.constant 0.000000e+00 : f32
        %max3A_45 = vector.broadcast %max3A : f32 to vector<16xf32>
        %max3A_46 = arith.maximumf %add3A_44, %max3A_45 : vector<16xf32>
        %swap3A = arith.index_cast %scan3A_31 : i32 to index
        %swap3A_47 = arith.constant 0 : index
        %swap3A_48 = tpu.vector_load %arg12[%swap3A, %swap3A_47] {strides = array<i32>} : memref<80x128xf32, #tpu.memory_space<vmem>>, vector<1x16xf32>,
        %swap3A_49 = vector.shape_cast %swap3A_48 : vector<1x16xf32> to vector<16xf32>
        %swap3A_50 = vector.shape_cast %max3A_46 : vector<16xf32> to vector<1x16xf32>
        tpu.vector_store %arg12[%swap3A, %swap3A_47], %swap3A_50 {strides = array<i32>} : memref<80x128xf32, #tpu.memory_space<vmem>>, vector<1x16xf32>,
        %get3A_51 = arith.index_cast %scan3A_31 : i32 to index
        %get3A_52 = arith.constant 16 : index
        %get3A_53 = tpu.vector_load %arg10[%get3A_51, %get3A_52] {strides = array<i32>} : memref<80x128xf32, #tpu.memory_space<vmem>>, vector<1x16xf32>,
        %get3A_54 = vector.shape_cast %get3A_53 : vector<1x16xf32> to vector<16xf32>
        %get3A_55 = arith.index_cast %scan3A_31 : i32 to index
        %get3A_56 = arith.constant 16 : index
        %get3A_57 = tpu.vector_load %arg11[%get3A_55, %get3A_56] {strides = array<i32>} : memref<80x256xf32, #tpu.memory_space<vmem>>, vector<1x16xf32>,
        %get3A_58 = vector.shape_cast %get3A_57 : vector<1x16xf32> to vector<16xf32>
        %get3A_59 = arith.index_cast %scan3A_31 : i32 to index
        %get3A_60 = arith.constant 144 : index
        %get3A_61 = tpu.vector_load %arg11[%get3A_59, %get3A_60] {strides = array<i32>} : memref<80x256xf32, #tpu.memory_space<vmem>>, vector<1x16xf32>,
        %get3A_62 = vector.shape_cast %get3A_61 : vector<1x16xf32> to vector<16xf32>
        %mul3A_63 = arith.mulf %get3A_62, %get3A_54 : vector<16xf32>
        %add3A_64 = arith.addf %mul3A_63, %get3A_58 : vector<16xf32>
        %max3A_65 = arith.constant 0.000000e+00 : f32
        %max3A_66 = vector.broadcast %max3A_65 : f32 to vector<16xf32>
        %max3A_67 = arith.maximumf %add3A_64, %max3A_66 : vector<16xf32>
        %swap3A_68 = arith.index_cast %scan3A_31 : i32 to index
        %swap3A_69 = arith.constant 16 : index
        %swap3A_70 = tpu.vector_load %arg12[%swap3A_68, %swap3A_69] {strides = array<i32>} : memref<80x128xf32, #tpu.memory_space<vmem>>, vector<1x16xf32>,
        %swap3A_71 = vector.shape_cast %swap3A_70 : vector<1x16xf32> to vector<16xf32>
        %swap3A_72 = vector.shape_cast %max3A_67 : vector<16xf32> to vector<1x16xf32>
        tpu.vector_store %arg12[%swap3A_68, %swap3A_69], %swap3A_72 {strides = array<i32>} : memref<80x128xf32, #tpu.memory_space<vmem>>, vector<1x16xf32>,
        %get3A_73 = arith.index_cast %scan3A_31 : i32 to index
        %get3A_74 = arith.constant 32 : index
        %get3A_75 = tpu.vector_load %arg10[%get3A_73, %get3A_74] {strides = array<i32>} : memref<80x128xf32, #tpu.memory_space<vmem>>, vector<1x16xf32>,
        %get3A_76 = vector.shape_cast %get3A_75 : vector<1x16xf32> to vector<16xf32>
        %get3A_77 = arith.index_cast %scan3A_31 : i32 to index
        %get3A_78 = arith.constant 32 : index
        %get3A_79 = tpu.vector_load %arg11[%get3A_77, %get3A_78] {strides = array<i32>} : memref<80x256xf32, #tpu.memory_space<vmem>>, vector<1x16xf32>,
        %get3A_80 = vector.shape_cast %get3A_79 : vector<1x16xf32> to vector<16xf32>
        %get3A_81 = arith.index_cast %scan3A_31 : i32 to index
        %get3A_82 = arith.constant 160 : index
        %get3A_83 = tpu.vector_load %arg11[%get3A_81, %get3A_82] {strides = array<i32>} : memref<80x256xf32, #tpu.memory_space<vmem>>, vector<1x16xf32>,
        %get3A_84 = vector.shape_cast %get3A_83 : vector<1x16xf32> to vector<16xf32>
        %mul3A_85 = arith.mulf %get3A_84, %get3A_76 : vector<16xf32>
        %add3A_86 = arith.addf %mul3A_85, %get3A_80 : vector<16xf32>
        %max3A_87 = arith.constant 0.000000e+00 : f32
        %max3A_88 = vector.broadcast %max3A_87 : f32 to vector<16xf32>
        %max3A_89 = arith.maximumf %add3A_86, %max3A_88 : vector<16xf32>
        %swap3A_90 = arith.index_cast %scan3A_31 : i32 to index
        %swap3A_91 = arith.constant 32 : index
        %swap3A_92 = tpu.vector_load %arg12[%swap3A_90, %swap3A_91] {strides = array<i32>} : memref<80x128xf32, #tpu.memory_space<vmem>>, vector<1x16xf32>,
        %swap3A_93 = vector.shape_cast %swap3A_92 : vector<1x16xf32> to vector<16xf32>
        %swap3A_94 = vector.shape_cast %max3A_89 : vector<16xf32> to vector<1x16xf32>
        tpu.vector_store %arg12[%swap3A_90, %swap3A_91], %swap3A_94 {strides = array<i32>} : memref<80x128xf32, #tpu.memory_space<vmem>>, vector<1x16xf32>,
        %get3A_95 = arith.index_cast %scan3A_31 : i32 to index
        %get3A_96 = arith.constant 48 : index
        %get3A_97 = tpu.vector_load %arg10[%get3A_95, %get3A_96] {strides = array<i32>} : memref<80x128xf32, #tpu.memory_space<vmem>>, vector<1x16xf32>,
        %get3A_98 = vector.shape_cast %get3A_97 : vector<1x16xf32> to vector<16xf32>
        %get3A_99 = arith.index_cast %scan3A_31 : i32 to index
        %get3A_100 = arith.constant 48 : index
        %get3A_101 = tpu.vector_load %arg11[%get3A_99, %get3A_100] {strides = array<i32>} : memref<80x256xf32, #tpu.memory_space<vmem>>, vector<1x16xf32>,
        %get3A_102 = vector.shape_cast %get3A_101 : vector<1x16xf32> to vector<16xf32>
        %get3A_103 = arith.index_cast %scan3A_31 : i32 to index
        %get3A_104 = arith.constant 176 : index
        %get3A_105 = tpu.vector_load %arg11[%get3A_103, %get3A_104] {strides = array<i32>} : memref<80x256xf32, #tpu.memory_space<vmem>>, vector<1x16xf32>,
        %get3A_106 = vector.shape_cast %get3A_105 : vector<1x16xf32> to vector<16xf32>
        %mul3A_107 = arith.mulf %get3A_106, %get3A_98 : vector<16xf32>
        %add3A_108 = arith.addf %mul3A_107, %get3A_102 : vector<16xf32>
        %max3A_109 = arith.constant 0.000000e+00 : f32
        %max3A_110 = vector.broadcast %max3A_109 : f32 to vector<16xf32>
        %max3A_111 = arith.maximumf %add3A_108, %max3A_110 : vector<16xf32>
        %swap3A_112 = arith.index_cast %scan3A_31 : i32 to index
        %swap3A_113 = arith.constant 48 : index
        %swap3A_114 = tpu.vector_load %arg12[%swap3A_112, %swap3A_113] {strides = array<i32>} : memref<80x128xf32, #tpu.memory_space<vmem>>, vector<1x16xf32>,
        %swap3A_115 = vector.shape_cast %swap3A_114 : vector<1x16xf32> to vector<16xf32>
        %swap3A_116 = vector.shape_cast %max3A_111 : vector<16xf32> to vector<1x16xf32>
        tpu.vector_store %arg12[%swap3A_112, %swap3A_113], %swap3A_116 {strides = array<i32>} : memref<80x128xf32, #tpu.memory_space<vmem>>, vector<1x16xf32>,
        %get3A_117 = arith.index_cast %scan3A_31 : i32 to index
        %get3A_118 = arith.constant 64 : index
        %get3A_119 = tpu.vector_load %arg10[%get3A_117, %get3A_118] {strides = array<i32>} : memref<80x128xf32, #tpu.memory_space<vmem>>, vector<1x16xf32>,
        %get3A_120 = vector.shape_cast %get3A_119 : vector<1x16xf32> to vector<16xf32>
        %get3A_121 = arith.index_cast %scan3A_31 : i32 to index
        %get3A_122 = arith.constant 64 : index
        %get3A_123 = tpu.vector_load %arg11[%get3A_121, %get3A_122] {strides = array<i32>} : memref<80x256xf32, #tpu.memory_space<vmem>>, vector<1x16xf32>,
        %get3A_124 = vector.shape_cast %get3A_123 : vector<1x16xf32> to vector<16xf32>
        %get3A_125 = arith.index_cast %scan3A_31 : i32 to index
        %get3A_126 = arith.constant 192 : index
        %get3A_127 = tpu.vector_load %arg11[%get3A_125, %get3A_126] {strides = array<i32>} : memref<80x256xf32, #tpu.memory_space<vmem>>, vector<1x16xf32>,
        %get3A_128 = vector.shape_cast %get3A_127 : vector<1x16xf32> to vector<16xf32>
        %mul3A_129 = arith.mulf %get3A_128, %get3A_120 : vector<16xf32>
        %add3A_130 = arith.addf %mul3A_129, %get3A_124 : vector<16xf32>
        %max3A_131 = arith.constant 0.000000e+00 : f32
        %max3A_132 = vector.broadcast %max3A_131 : f32 to vector<16xf32>
        %max3A_133 = arith.maximumf %add3A_130, %max3A_132 : vector<16xf32>
        %swap3A_134 = arith.index_cast %scan3A_31 : i32 to index
        %swap3A_135 = arith.constant 64 : index
        %swap3A_136 = tpu.vector_load %arg12[%swap3A_134, %swap3A_135] {strides = array<i32>} : memref<80x128xf32, #tpu.memory_space<vmem>>, vector<1x16xf32>,
        %swap3A_137 = vector.shape_cast %swap3A_136 : vector<1x16xf32> to vector<16xf32>
        %swap3A_138 = vector.shape_cast %max3A_133 : vector<16xf32> to vector<1x16xf32>
        tpu.vector_store %arg12[%swap3A_134, %swap3A_135], %swap3A_138 {strides = array<i32>} : memref<80x128xf32, #tpu.memory_space<vmem>>, vector<1x16xf32>,
        %get3A_139 = arith.index_cast %scan3A_31 : i32 to index
        %get3A_140 = arith.constant 80 : index
        %get3A_141 = tpu.vector_load %arg10[%get3A_139, %get3A_140] {strides = array<i32>} : memref<80x128xf32, #tpu.memory_space<vmem>>, vector<1x16xf32>,
        %get3A_142 = vector.shape_cast %get3A_141 : vector<1x16xf32> to vector<16xf32>
        %get3A_143 = arith.index_cast %scan3A_31 : i32 to index
        %get3A_144 = arith.constant 80 : index
        %get3A_145 = tpu.vector_load %arg11[%get3A_143, %get3A_144] {strides = array<i32>} : memref<80x256xf32, #tpu.memory_space<vmem>>, vector<1x16xf32>,
        %get3A_146 = vector.shape_cast %get3A_145 : vector<1x16xf32> to vector<16xf32>
        %get3A_147 = arith.index_cast %scan3A_31 : i32 to index
        %get3A_148 = arith.constant 208 : index
        %get3A_149 = tpu.vector_load %arg11[%get3A_147, %get3A_148] {strides = array<i32>} : memref<80x256xf32, #tpu.memory_space<vmem>>, vector<1x16xf32>,
        %get3A_150 = vector.shape_cast %get3A_149 : vector<1x16xf32> to vector<16xf32>
        %mul3A_151 = arith.mulf %get3A_150, %get3A_142 : vector<16xf32>
        %add3A_152 = arith.addf %mul3A_151, %get3A_146 : vector<16xf32>
        %max3A_153 = arith.constant 0.000000e+00 : f32
        %max3A_154 = vector.broadcast %max3A_153 : f32 to vector<16xf32>
        %max3A_155 = arith.maximumf %add3A_152, %max3A_154 : vector<16xf32>
        %swap3A_156 = arith.index_cast %scan3A_31 : i32 to index
        %swap3A_157 = arith.constant 80 : index
        %swap3A_158 = tpu.vector_load %arg12[%swap3A_156, %swap3A_157] {strides = array<i32>} : memref<80x128xf32, #tpu.memory_space<vmem>>, vector<1x16xf32>,
        %swap3A_159 = vector.shape_cast %swap3A_158 : vector<1x16xf32> to vector<16xf32>
        %swap3A_160 = vector.shape_cast %max3A_155 : vector<16xf32> to vector<1x16xf32>
        tpu.vector_store %arg12[%swap3A_156, %swap3A_157], %swap3A_160 {strides = array<i32>} : memref<80x128xf32, #tpu.memory_space<vmem>>, vector<1x16xf32>,
        %get3A_161 = arith.index_cast %scan3A_31 : i32 to index
        %get3A_162 = arith.constant 96 : index
        %get3A_163 = tpu.vector_load %arg10[%get3A_161, %get3A_162] {strides = array<i32>} : memref<80x128xf32, #tpu.memory_space<vmem>>, vector<1x16xf32>,
        %get3A_164 = vector.shape_cast %get3A_163 : vector<1x16xf32> to vector<16xf32>
        %get3A_165 = arith.index_cast %scan3A_31 : i32 to index
        %get3A_166 = arith.constant 96 : index
        %get3A_167 = tpu.vector_load %arg11[%get3A_165, %get3A_166] {strides = array<i32>} : memref<80x256xf32, #tpu.memory_space<vmem>>, vector<1x16xf32>,
        %get3A_168 = vector.shape_cast %get3A_167 : vector<1x16xf32> to vector<16xf32>
        %get3A_169 = arith.index_cast %scan3A_31 : i32 to index
        %get3A_170 = arith.constant 224 : index
        %get3A_171 = tpu.vector_load %arg11[%get3A_169, %get3A_170] {strides = array<i32>} : memref<80x256xf32, #tpu.memory_space<vmem>>, vector<1x16xf32>,
        %get3A_172 = vector.shape_cast %get3A_171 : vector<1x16xf32> to vector<16xf32>
        %mul3A_173 = arith.mulf %get3A_172, %get3A_164 : vector<16xf32>
        %add3A_174 = arith.addf %mul3A_173, %get3A_168 : vector<16xf32>
        %max3A_175 = arith.constant 0.000000e+00 : f32
        %max3A_176 = vector.broadcast %max3A_175 : f32 to vector<16xf32>
        %max3A_177 = arith.maximumf %add3A_174, %max3A_176 : vector<16xf32>
        %swap3A_178 = arith.index_cast %scan3A_31 : i32 to index
        %swap3A_179 = arith.constant 96 : index
        %swap3A_180 = tpu.vector_load %arg12[%swap3A_178, %swap3A_179] {strides = array<i32>} : memref<80x128xf32, #tpu.memory_space<vmem>>, vector<1x16xf32>,
        %swap3A_181 = vector.shape_cast %swap3A_180 : vector<1x16xf32> to vector<16xf32>
        %swap3A_182 = vector.shape_cast %max3A_177 : vector<16xf32> to vector<1x16xf32>
        tpu.vector_store %arg12[%swap3A_178, %swap3A_179], %swap3A_182 {strides = array<i32>} : memref<80x128xf32, #tpu.memory_space<vmem>>, vector<1x16xf32>,
        %get3A_183 = arith.index_cast %scan3A_31 : i32 to index
        %get3A_184 = arith.constant 112 : index
        %get3A_185 = tpu.vector_load %arg10[%get3A_183, %get3A_184] {strides = array<i32>} : memref<80x128xf32, #tpu.memory_space<vmem>>, vector<1x16xf32>,
        %get3A_186 = vector.shape_cast %get3A_185 : vector<1x16xf32> to vector<16xf32>
        %get3A_187 = arith.index_cast %scan3A_31 : i32 to index
        %get3A_188 = arith.constant 112 : index
        %get3A_189 = tpu.vector_load %arg11[%get3A_187, %get3A_188] {strides = array<i32>} : memref<80x256xf32, #tpu.memory_space<vmem>>, vector<1x16xf32>,
        %get3A_190 = vector.shape_cast %get3A_189 : vector<1x16xf32> to vector<16xf32>
        %get3A_191 = arith.index_cast %scan3A_31 : i32 to index
        %get3A_192 = arith.constant 240 : index
        %get3A_193 = tpu.vector_load %arg11[%get3A_191, %get3A_192] {strides = array<i32>} : memref<80x256xf32, #tpu.memory_space<vmem>>, vector<1x16xf32>,
        %get3A_194 = vector.shape_cast %get3A_193 : vector<1x16xf32> to vector<16xf32>
        %mul3A_195 = arith.mulf %get3A_194, %get3A_186 : vector<16xf32>
        %add3A_196 = arith.addf %mul3A_195, %get3A_190 : vector<16xf32>
        %max3A_197 = arith.constant 0.000000e+00 : f32
        %max3A_198 = vector.broadcast %max3A_197 : f32 to vector<16xf32>
        %max3A_199 = arith.maximumf %add3A_196, %max3A_198 : vector<16xf32>
        %swap3A_200 = arith.index_cast %scan3A_31 : i32 to index
        %swap3A_201 = arith.constant 112 : index
        %swap3A_202 = tpu.vector_load %arg12[%swap3A_200, %swap3A_201] {strides = array<i32>} : memref<80x128xf32, #tpu.memory_space<vmem>>, vector<1x16xf32>,
        %swap3A_203 = vector.shape_cast %swap3A_202 : vector<1x16xf32> to vector<16xf32>
        %swap3A_204 = vector.shape_cast %max3A_199 : vector<16xf32> to vector<1x16xf32>
        tpu.vector_store %arg12[%swap3A_200, %swap3A_201], %swap3A_204 {strides = array<i32>} : memref<80x128xf32, #tpu.memory_space<vmem>>, vector<1x16xf32>,
      }
      %scan3A_30 = arith.constant 80 : i32
      "tpu.region"() ({
        %run_scoped3A = tpu.sem_alloc : memref<!tpu.dma_semaphore, #tpu.memory_space<semaphore_mem>>
        %dma_start3A_31 = arith.constant 0 : i32
        %dma_start3A_32 = arith.constant 0 : i32
        %dma_start3A_33 = tpu.memref_slice %arg13[%dma_start3A_31, %dma_start3A_32] : memref<10112x128xf32, #tpu.memory_space<vmem_shared>> -> memref<10112x128xf32, #tpu.memory_space<vmem_shared>>
        tpu.enqueue_indirect_dma source(%arg12 : memref<80x128xf32, #tpu.memory_space<vmem>>) target(%dma_start3A_33 : memref<10112x128xf32, #tpu.memory_space<vmem_shared>>) offsets(%arg9 : memref<80xi32, #tpu.memory_space<vmem>>) semaphore(%run_scoped3A : memref<!tpu.dma_semaphore, #tpu.memory_space<semaphore_mem>>) {add = true}
        %dma_wait3A_34 = arith.constant 0 : i32
        %dma_wait3A_35 = arith.constant 0 : i32
        %dma_wait3A_36 = tpu.memref_slice %arg13[%dma_wait3A_34, %dma_wait3A_35] : memref<10112x128xf32, #tpu.memory_space<vmem_shared>> -> memref<10112x128xf32, #tpu.memory_space<vmem_shared>>
        tpu.wait_indirect_dma semaphore(%run_scoped3A : memref<!tpu.dma_semaphore, #tpu.memory_space<semaphore_mem>>) src(%arg12 : memref<80x128xf32, #tpu.memory_space<vmem>>) dst(%dma_wait3A_36 : memref<10112x128xf32, #tpu.memory_space<vmem_shared>>)
        tpu.yield
      }) : () -> ()
    }
    %scan3A_9 = arith.constant 125 : i32
    %barrier3A_10 = arith.constant 0 : index
    tpu.barrier barrier_id(%barrier3A_10)
    "tpu.region"() ({
      %run_scoped3A = tpu.sem_alloc : memref<!tpu.dma_semaphore, #tpu.memory_space<semaphore_mem>>
      %dma_start3A = arith.constant 0 : i32
      %dma_start3A_11 = tpu.memref_slice %arg7[%arg0, %mul3A_4, %dma_start3A] : memref<2x10112x128xf32, #tpu.memory_space<hbm>> -> memref<1x632x128xf32, #tpu.memory_space<hbm>>
      %dma_start3A_12 = tpu.memref_squeeze %dma_start3A_11 : memref<1x632x128xf32, #tpu.memory_space<hbm>> -> memref<632x128xf32, #tpu.memory_space<hbm>>
      %dma_start3A_13 = arith.constant 0 : i32
      %dma_start3A_14 = tpu.memref_slice %arg13[%mul3A_4, %dma_start3A_13] : memref<10112x128xf32, #tpu.memory_space<vmem_shared>> -> memref<632x128xf32, #tpu.memory_space<vmem_shared>>
      tpu.enqueue_dma source(%dma_start3A_14 : memref<632x128xf32, #tpu.memory_space<vmem_shared>>) target(%dma_start3A_12 : memref<632x128xf32, #tpu.memory_space<hbm>>) target_semaphore(%run_scoped3A : memref<!tpu.dma_semaphore, #tpu.memory_space<semaphore_mem>>)
      %dma_wait3A = arith.constant 0 : i32
      %dma_wait3A_15 = tpu.memref_slice %arg7[%arg0, %mul3A_4, %dma_wait3A] : memref<2x10112x128xf32, #tpu.memory_space<hbm>> -> memref<1x632x128xf32, #tpu.memory_space<hbm>>
      %dma_wait3A_16 = tpu.memref_squeeze %dma_wait3A_15 : memref<1x632x128xf32, #tpu.memory_space<hbm>> -> memref<632x128xf32, #tpu.memory_space<hbm>>
      %dma_wait3A_17 = arith.constant 0 : i32
      %dma_wait3A_18 = tpu.memref_slice %arg13[%mul3A_4, %dma_wait3A_17] : memref<10112x128xf32, #tpu.memory_space<vmem_shared>> -> memref<632x128xf32, #tpu.memory_space<vmem_shared>>
      tpu.wait_dma2 semaphore(%run_scoped3A : memref<!tpu.dma_semaphore, #tpu.memory_space<semaphore_mem>>) src(%dma_wait3A_18 : memref<632x128xf32, #tpu.memory_space<vmem_shared>>) dst(%dma_wait3A_16 : memref<632x128xf32, #tpu.memory_space<hbm>>)
      tpu.yield
    }) : () -> ()
    return
  }
}

#map = affine_map<(d0, d1) -> (0, 0)>
#map1 = affine_map<(d0, d1) -> (0)>
#map2 = affine_map<(d0, d1) -> (0, 0, 0)>
module attributes {stable_mosaic.version = 14 : i64} {
  func.func @body(%arg0: i32, %arg1: i32, %arg2: memref<10112x128xf32, #tpu.memory_space<hbm>>, %arg3: memref<10112x256xf32, #tpu.memory_space<hbm>>, %arg4: memref<320000xi32, #tpu.memory_space<hbm>>, %arg5: memref<320000xi32, #tpu.memory_space<hbm>>, %arg6: memref<632x128xf32, #tpu.memory_space<hbm>>, %arg7: memref<2x10112x128xf32, #tpu.memory_space<hbm>>, %arg8: memref<80xi32, #tpu.memory_space<vmem>>, %arg9: memref<80xi32, #tpu.memory_space<vmem>>, %arg10: memref<80x128xf32, #tpu.memory_space<vmem>>, %arg11: memref<80x256xf32, #tpu.memory_space<vmem>>, %arg12: memref<80x128xf32, #tpu.memory_space<vmem>>, %arg13: memref<10112x128xf32, #tpu.memory_space<vmem_shared>>, %arg14: memref<!tpu.dma_semaphore, #tpu.memory_space<semaphore_mem>>, %arg15: memref<!tpu.dma_semaphore, #tpu.memory_space<semaphore_mem>>) attributes {dimension_semantics = [#tpu.dimension_semantics<core_parallel>, #tpu.dimension_semantics<subcore_parallel>], iteration_bounds = array<i64: 2, 16>, scalar_prefetch = 0 : i64, scratch_operands = 8 : i64, tpu.core_type = #tpu.core_type<sc_vector_subcore>, window_params = [{transform_indices = #map}, {transform_indices = #map}, {transform_indices = #map1}, {transform_indices = #map1}, {transform_indices = #map}, {transform_indices = #map2}]} {
    %mul3A = arith.constant 16 : i32
    %mul3A_0 = arith.muli %arg0, %mul3A : i32
    %add3A = arith.addi %mul3A_0, %arg1 : i32
    %mul3A_1 = arith.constant 10000 : i32
    %mul3A_2 = arith.muli %add3A, %mul3A_1 : i32
    %mul3A_3 = arith.constant 632 : i32
    %mul3A_4 = arith.muli %arg1, %mul3A_3 : i32
    "tpu.region"() ({
      %run_scoped3A = tpu.sem_alloc : memref<!tpu.dma_semaphore, #tpu.memory_space<semaphore_mem>>
      %dma_start3A = arith.constant 0 : i32
      %dma_start3A_11 = tpu.memref_slice %arg13[%mul3A_4, %dma_start3A] : memref<10112x128xf32, #tpu.memory_space<vmem_shared>> -> memref<632x128xf32, #tpu.memory_space<vmem_shared>>
      tpu.enqueue_dma source(%arg6 : memref<632x128xf32, #tpu.memory_space<hbm>>) target(%dma_start3A_11 : memref<632x128xf32, #tpu.memory_space<vmem_shared>>) target_semaphore(%run_scoped3A : memref<!tpu.dma_semaphore, #tpu.memory_space<semaphore_mem>>)
      %dma_wait3A = arith.constant 0 : i32
      %dma_wait3A_12 = tpu.memref_slice %arg13[%mul3A_4, %dma_wait3A] : memref<10112x128xf32, #tpu.memory_space<vmem_shared>> -> memref<632x128xf32, #tpu.memory_space<vmem_shared>>
      tpu.wait_dma2 semaphore(%run_scoped3A : memref<!tpu.dma_semaphore, #tpu.memory_space<semaphore_mem>>) src(%arg6 : memref<632x128xf32, #tpu.memory_space<hbm>>) dst(%dma_wait3A_12 : memref<632x128xf32, #tpu.memory_space<vmem_shared>>)
      tpu.yield
    }) : () -> ()
    %barrier3A = arith.constant 0 : index
    tpu.barrier barrier_id(%barrier3A)
    %scan3A = arith.constant 0 : i32
    %scan3A_5 = arith.constant 0 : i32
    %scan3A_6 = arith.constant 125 : i32
    %scan3A_7 = arith.addi %scan3A_5, %scan3A_6 : i32
    %scan3A_8 = arith.constant 1 : i32
    scf.for %scan3A_11 = %scan3A_5 to %scan3A_7 step %scan3A_8  : i32 {
      %mul3A_12 = arith.constant 80 : i32
      %mul3A_13 = arith.muli %scan3A_11, %mul3A_12 : i32
      %add3A_14 = arith.addi %mul3A_2, %mul3A_13 : i32
      "tpu.region"() ({
        %run_scoped3A = tpu.sem_alloc : memref<!tpu.dma_semaphore, #tpu.memory_space<semaphore_mem>>
        %dma_start3A_31 = tpu.memref_slice %arg4[%add3A_14] : memref<320000xi32, #tpu.memory_space<hbm>> -> memref<80xi32, #tpu.memory_space<hbm>>
        %dma_start3A_32 = tpu.memref_slice %arg4[%add3A_14] : memref<320000xi32, #tpu.memory_space<hbm>> -> memref<80xi32, #tpu.memory_space<hbm>>
        tpu.enqueue_dma source(%dma_start3A_32 : memref<80xi32, #tpu.memory_space<hbm>>) target(%arg8 : memref<80xi32, #tpu.memory_space<vmem>>) target_semaphore(%run_scoped3A : memref<!tpu.dma_semaphore, #tpu.memory_space<semaphore_mem>>)
        %dma_wait3A_33 = tpu.memref_slice %arg4[%add3A_14] : memref<320000xi32, #tpu.memory_space<hbm>> -> memref<80xi32, #tpu.memory_space<hbm>>
        %dma_wait3A_34 = tpu.memref_slice %arg4[%add3A_14] : memref<320000xi32, #tpu.memory_space<hbm>> -> memref<80xi32, #tpu.memory_space<hbm>>
        tpu.wait_dma2 semaphore(%run_scoped3A : memref<!tpu.dma_semaphore, #tpu.memory_space<semaphore_mem>>) src(%dma_wait3A_34 : memref<80xi32, #tpu.memory_space<hbm>>) dst(%arg8 : memref<80xi32, #tpu.memory_space<vmem>>)
        tpu.yield
      }) : () -> ()
      "tpu.region"() ({
        %run_scoped3A = tpu.sem_alloc : memref<!tpu.dma_semaphore, #tpu.memory_space<semaphore_mem>>
        %dma_start3A_31 = tpu.memref_slice %arg5[%add3A_14] : memref<320000xi32, #tpu.memory_space<hbm>> -> memref<80xi32, #tpu.memory_space<hbm>>
        %dma_start3A_32 = tpu.memref_slice %arg5[%add3A_14] : memref<320000xi32, #tpu.memory_space<hbm>> -> memref<80xi32, #tpu.memory_space<hbm>>
        tpu.enqueue_dma source(%dma_start3A_32 : memref<80xi32, #tpu.memory_space<hbm>>) target(%arg9 : memref<80xi32, #tpu.memory_space<vmem>>) target_semaphore(%run_scoped3A : memref<!tpu.dma_semaphore, #tpu.memory_space<semaphore_mem>>)
        %dma_wait3A_33 = tpu.memref_slice %arg5[%add3A_14] : memref<320000xi32, #tpu.memory_space<hbm>> -> memref<80xi32, #tpu.memory_space<hbm>>
        %dma_wait3A_34 = tpu.memref_slice %arg5[%add3A_14] : memref<320000xi32, #tpu.memory_space<hbm>> -> memref<80xi32, #tpu.memory_space<hbm>>
        tpu.wait_dma2 semaphore(%run_scoped3A : memref<!tpu.dma_semaphore, #tpu.memory_space<semaphore_mem>>) src(%dma_wait3A_34 : memref<80xi32, #tpu.memory_space<hbm>>) dst(%arg9 : memref<80xi32, #tpu.memory_space<vmem>>)
        tpu.yield
      }) : () -> ()
      %dma_start3A = arith.constant 0 : i32
      %dma_start3A_15 = arith.constant 0 : i32
      %dma_start3A_16 = tpu.memref_slice %arg2[%dma_start3A, %dma_start3A_15] : memref<10112x128xf32, #tpu.memory_space<hbm>> -> memref<10112x128xf32, #tpu.memory_space<hbm>>
      tpu.enqueue_indirect_dma source(%dma_start3A_16 : memref<10112x128xf32, #tpu.memory_space<hbm>>) target(%arg10 : memref<80x128xf32, #tpu.memory_space<vmem>>) offsets(%arg8 : memref<80xi32, #tpu.memory_space<vmem>>) semaphore(%arg14 : memref<!tpu.dma_semaphore, #tpu.memory_space<semaphore_mem>>)
      %dma_start3A_17 = arith.constant 0 : i32
      %dma_start3A_18 = arith.constant 0 : i32
      %dma_start3A_19 = tpu.memref_slice %arg3[%dma_start3A_17, %dma_start3A_18] : memref<10112x256xf32, #tpu.memory_space<hbm>> -> memref<10112x256xf32, #tpu.memory_space<hbm>>
      tpu.enqueue_indirect_dma source(%dma_start3A_19 : memref<10112x256xf32, #tpu.memory_space<hbm>>) target(%arg11 : memref<80x256xf32, #tpu.memory_space<vmem>>) offsets(%arg9 : memref<80xi32, #tpu.memory_space<vmem>>) semaphore(%arg15 : memref<!tpu.dma_semaphore, #tpu.memory_space<semaphore_mem>>)
      %dma_wait3A = arith.constant 0 : i32
      %dma_wait3A_20 = arith.constant 0 : i32
      %dma_wait3A_21 = tpu.memref_slice %arg2[%dma_wait3A, %dma_wait3A_20] : memref<10112x128xf32, #tpu.memory_space<hbm>> -> memref<10112x128xf32, #tpu.memory_space<hbm>>
      tpu.wait_indirect_dma semaphore(%arg14 : memref<!tpu.dma_semaphore, #tpu.memory_space<semaphore_mem>>) src(%dma_wait3A_21 : memref<10112x128xf32, #tpu.memory_space<hbm>>) dst(%arg10 : memref<80x128xf32, #tpu.memory_space<vmem>>)
      %dma_wait3A_22 = arith.constant 0 : i32
      %dma_wait3A_23 = arith.constant 0 : i32
      %dma_wait3A_24 = tpu.memref_slice %arg3[%dma_wait3A_22, %dma_wait3A_23] : memref<10112x256xf32, #tpu.memory_space<hbm>> -> memref<10112x256xf32, #tpu.memory_space<hbm>>
      tpu.wait_indirect_dma semaphore(%arg15 : memref<!tpu.dma_semaphore, #tpu.memory_space<semaphore_mem>>) src(%dma_wait3A_24 : memref<10112x256xf32, #tpu.memory_space<hbm>>) dst(%arg11 : memref<80x256xf32, #tpu.memory_space<vmem>>)
      %scan3A_25 = arith.constant 0 : i32
      %scan3A_26 = arith.constant 0 : i32
      %scan3A_27 = arith.constant 80 : i32
      %scan3A_28 = arith.addi %scan3A_26, %scan3A_27 : i32
      %scan3A_29 = arith.constant 1 : i32
      scf.for %scan3A_31 = %scan3A_26 to %scan3A_28 step %scan3A_29  : i32 {
        %get3A = arith.index_cast %scan3A_31 : i32 to index
        %get3A_32 = arith.constant 0 : index
        %get3A_33 = tpu.vector_load %arg10[%get3A, %get3A_32] {strides = array<i32>} : memref<80x128xf32, #tpu.memory_space<vmem>>, vector<1x16xf32>,
        %get3A_34 = vector.shape_cast %get3A_33 : vector<1x16xf32> to vector<16xf32>
        %get3A_35 = arith.index_cast %scan3A_31 : i32 to index
        %get3A_36 = arith.constant 0 : index
        %get3A_37 = tpu.vector_load %arg11[%get3A_35, %get3A_36] {strides = array<i32>} : memref<80x256xf32, #tpu.memory_space<vmem>>, vector<1x16xf32>,
        %get3A_38 = vector.shape_cast %get3A_37 : vector<1x16xf32> to vector<16xf32>
        %get3A_39 = arith.index_cast %scan3A_31 : i32 to index
        %get3A_40 = arith.constant 128 : index
        %get3A_41 = tpu.vector_load %arg11[%get3A_39, %get3A_40] {strides = array<i32>} : memref<80x256xf32, #tpu.memory_space<vmem>>, vector<1x16xf32>,
        %get3A_42 = vector.shape_cast %get3A_41 : vector<1x16xf32> to vector<16xf32>
        %mul3A_43 = arith.mulf %get3A_42, %get3A_34 : vector<16xf32>
        %add3A_44 = arith.addf %mul3A_43, %get3A_38 : vector<16xf32>
        %max3A = arith.constant 0.000000e+00 : f32
        %max3A_45 = vector.broadcast %max3A : f32 to vector<16xf32>
        %max3A_46 = arith.maximumf %add3A_44, %max3A_45 : vector<16xf32>
        %swap3A = arith.index_cast %scan3A_31 : i32 to index
        %swap3A_47 = arith.constant 0 : index
        %swap3A_48 = tpu.vector_load %arg12[%swap3A, %swap3A_47] {strides = array<i32>} : memref<80x128xf32, #tpu.memory_space<vmem>>, vector<1x16xf32>,
        %swap3A_49 = vector.shape_cast %swap3A_48 : vector<1x16xf32> to vector<16xf32>
        %swap3A_50 = vector.shape_cast %max3A_46 : vector<16xf32> to vector<1x16xf32>
        tpu.vector_store %arg12[%swap3A, %swap3A_47], %swap3A_50 {strides = array<i32>} : memref<80x128xf32, #tpu.memory_space<vmem>>, vector<1x16xf32>,
        %get3A_51 = arith.index_cast %scan3A_31 : i32 to index
        %get3A_52 = arith.constant 16 : index
        %get3A_53 = tpu.vector_load %arg10[%get3A_51, %get3A_52] {strides = array<i32>} : memref<80x128xf32, #tpu.memory_space<vmem>>, vector<1x16xf32>,
        %get3A_54 = vector.shape_cast %get3A_53 : vector<1x16xf32> to vector<16xf32>
        %get3A_55 = arith.index_cast %scan3A_31 : i32 to index
        %get3A_56 = arith.constant 16 : index
        %get3A_57 = tpu.vector_load %arg11[%get3A_55, %get3A_56] {strides = array<i32>} : memref<80x256xf32, #tpu.memory_space<vmem>>, vector<1x16xf32>,
        %get3A_58 = vector.shape_cast %get3A_57 : vector<1x16xf32> to vector<16xf32>
        %get3A_59 = arith.index_cast %scan3A_31 : i32 to index
        %get3A_60 = arith.constant 144 : index
        %get3A_61 = tpu.vector_load %arg11[%get3A_59, %get3A_60] {strides = array<i32>} : memref<80x256xf32, #tpu.memory_space<vmem>>, vector<1x16xf32>,
        %get3A_62 = vector.shape_cast %get3A_61 : vector<1x16xf32> to vector<16xf32>
        %mul3A_63 = arith.mulf %get3A_62, %get3A_54 : vector<16xf32>
        %add3A_64 = arith.addf %mul3A_63, %get3A_58 : vector<16xf32>
        %max3A_65 = arith.constant 0.000000e+00 : f32
        %max3A_66 = vector.broadcast %max3A_65 : f32 to vector<16xf32>
        %max3A_67 = arith.maximumf %add3A_64, %max3A_66 : vector<16xf32>
        %swap3A_68 = arith.index_cast %scan3A_31 : i32 to index
        %swap3A_69 = arith.constant 16 : index
        %swap3A_70 = tpu.vector_load %arg12[%swap3A_68, %swap3A_69] {strides = array<i32>} : memref<80x128xf32, #tpu.memory_space<vmem>>, vector<1x16xf32>,
        %swap3A_71 = vector.shape_cast %swap3A_70 : vector<1x16xf32> to vector<16xf32>
        %swap3A_72 = vector.shape_cast %max3A_67 : vector<16xf32> to vector<1x16xf32>
        tpu.vector_store %arg12[%swap3A_68, %swap3A_69], %swap3A_72 {strides = array<i32>} : memref<80x128xf32, #tpu.memory_space<vmem>>, vector<1x16xf32>,
        %get3A_73 = arith.index_cast %scan3A_31 : i32 to index
        %get3A_74 = arith.constant 32 : index
        %get3A_75 = tpu.vector_load %arg10[%get3A_73, %get3A_74] {strides = array<i32>} : memref<80x128xf32, #tpu.memory_space<vmem>>, vector<1x16xf32>,
        %get3A_76 = vector.shape_cast %get3A_75 : vector<1x16xf32> to vector<16xf32>
        %get3A_77 = arith.index_cast %scan3A_31 : i32 to index
        %get3A_78 = arith.constant 32 : index
        %get3A_79 = tpu.vector_load %arg11[%get3A_77, %get3A_78] {strides = array<i32>} : memref<80x256xf32, #tpu.memory_space<vmem>>, vector<1x16xf32>,
        %get3A_80 = vector.shape_cast %get3A_79 : vector<1x16xf32> to vector<16xf32>
        %get3A_81 = arith.index_cast %scan3A_31 : i32 to index
        %get3A_82 = arith.constant 160 : index
        %get3A_83 = tpu.vector_load %arg11[%get3A_81, %get3A_82] {strides = array<i32>} : memref<80x256xf32, #tpu.memory_space<vmem>>, vector<1x16xf32>,
        %get3A_84 = vector.shape_cast %get3A_83 : vector<1x16xf32> to vector<16xf32>
        %mul3A_85 = arith.mulf %get3A_84, %get3A_76 : vector<16xf32>
        %add3A_86 = arith.addf %mul3A_85, %get3A_80 : vector<16xf32>
        %max3A_87 = arith.constant 0.000000e+00 : f32
        %max3A_88 = vector.broadcast %max3A_87 : f32 to vector<16xf32>
        %max3A_89 = arith.maximumf %add3A_86, %max3A_88 : vector<16xf32>
        %swap3A_90 = arith.index_cast %scan3A_31 : i32 to index
        %swap3A_91 = arith.constant 32 : index
        %swap3A_92 = tpu.vector_load %arg12[%swap3A_90, %swap3A_91] {strides = array<i32>} : memref<80x128xf32, #tpu.memory_space<vmem>>, vector<1x16xf32>,
        %swap3A_93 = vector.shape_cast %swap3A_92 : vector<1x16xf32> to vector<16xf32>
        %swap3A_94 = vector.shape_cast %max3A_89 : vector<16xf32> to vector<1x16xf32>
        tpu.vector_store %arg12[%swap3A_90, %swap3A_91], %swap3A_94 {strides = array<i32>} : memref<80x128xf32, #tpu.memory_space<vmem>>, vector<1x16xf32>,
        %get3A_95 = arith.index_cast %scan3A_31 : i32 to index
        %get3A_96 = arith.constant 48 : index
        %get3A_97 = tpu.vector_load %arg10[%get3A_95, %get3A_96] {strides = array<i32>} : memref<80x128xf32, #tpu.memory_space<vmem>>, vector<1x16xf32>,
        %get3A_98 = vector.shape_cast %get3A_97 : vector<1x16xf32> to vector<16xf32>
        %get3A_99 = arith.index_cast %scan3A_31 : i32 to index
        %get3A_100 = arith.constant 48 : index
        %get3A_101 = tpu.vector_load %arg11[%get3A_99, %get3A_100] {strides = array<i32>} : memref<80x256xf32, #tpu.memory_space<vmem>>, vector<1x16xf32>,
        %get3A_102 = vector.shape_cast %get3A_101 : vector<1x16xf32> to vector<16xf32>
        %get3A_103 = arith.index_cast %scan3A_31 : i32 to index
        %get3A_104 = arith.constant 176 : index
        %get3A_105 = tpu.vector_load %arg11[%get3A_103, %get3A_104] {strides = array<i32>} : memref<80x256xf32, #tpu.memory_space<vmem>>, vector<1x16xf32>,
        %get3A_106 = vector.shape_cast %get3A_105 : vector<1x16xf32> to vector<16xf32>
        %mul3A_107 = arith.mulf %get3A_106, %get3A_98 : vector<16xf32>
        %add3A_108 = arith.addf %mul3A_107, %get3A_102 : vector<16xf32>
        %max3A_109 = arith.constant 0.000000e+00 : f32
        %max3A_110 = vector.broadcast %max3A_109 : f32 to vector<16xf32>
        %max3A_111 = arith.maximumf %add3A_108, %max3A_110 : vector<16xf32>
        %swap3A_112 = arith.index_cast %scan3A_31 : i32 to index
        %swap3A_113 = arith.constant 48 : index
        %swap3A_114 = tpu.vector_load %arg12[%swap3A_112, %swap3A_113] {strides = array<i32>} : memref<80x128xf32, #tpu.memory_space<vmem>>, vector<1x16xf32>,
        %swap3A_115 = vector.shape_cast %swap3A_114 : vector<1x16xf32> to vector<16xf32>
        %swap3A_116 = vector.shape_cast %max3A_111 : vector<16xf32> to vector<1x16xf32>
        tpu.vector_store %arg12[%swap3A_112, %swap3A_113], %swap3A_116 {strides = array<i32>} : memref<80x128xf32, #tpu.memory_space<vmem>>, vector<1x16xf32>,
        %get3A_117 = arith.index_cast %scan3A_31 : i32 to index
        %get3A_118 = arith.constant 64 : index
        %get3A_119 = tpu.vector_load %arg10[%get3A_117, %get3A_118] {strides = array<i32>} : memref<80x128xf32, #tpu.memory_space<vmem>>, vector<1x16xf32>,
        %get3A_120 = vector.shape_cast %get3A_119 : vector<1x16xf32> to vector<16xf32>
        %get3A_121 = arith.index_cast %scan3A_31 : i32 to index
        %get3A_122 = arith.constant 64 : index
        %get3A_123 = tpu.vector_load %arg11[%get3A_121, %get3A_122] {strides = array<i32>} : memref<80x256xf32, #tpu.memory_space<vmem>>, vector<1x16xf32>,
        %get3A_124 = vector.shape_cast %get3A_123 : vector<1x16xf32> to vector<16xf32>
        %get3A_125 = arith.index_cast %scan3A_31 : i32 to index
        %get3A_126 = arith.constant 192 : index
        %get3A_127 = tpu.vector_load %arg11[%get3A_125, %get3A_126] {strides = array<i32>} : memref<80x256xf32, #tpu.memory_space<vmem>>, vector<1x16xf32>,
        %get3A_128 = vector.shape_cast %get3A_127 : vector<1x16xf32> to vector<16xf32>
        %mul3A_129 = arith.mulf %get3A_128, %get3A_120 : vector<16xf32>
        %add3A_130 = arith.addf %mul3A_129, %get3A_124 : vector<16xf32>
        %max3A_131 = arith.constant 0.000000e+00 : f32
        %max3A_132 = vector.broadcast %max3A_131 : f32 to vector<16xf32>
        %max3A_133 = arith.maximumf %add3A_130, %max3A_132 : vector<16xf32>
        %swap3A_134 = arith.index_cast %scan3A_31 : i32 to index
        %swap3A_135 = arith.constant 64 : index
        %swap3A_136 = tpu.vector_load %arg12[%swap3A_134, %swap3A_135] {strides = array<i32>} : memref<80x128xf32, #tpu.memory_space<vmem>>, vector<1x16xf32>,
        %swap3A_137 = vector.shape_cast %swap3A_136 : vector<1x16xf32> to vector<16xf32>
        %swap3A_138 = vector.shape_cast %max3A_133 : vector<16xf32> to vector<1x16xf32>
        tpu.vector_store %arg12[%swap3A_134, %swap3A_135], %swap3A_138 {strides = array<i32>} : memref<80x128xf32, #tpu.memory_space<vmem>>, vector<1x16xf32>,
        %get3A_139 = arith.index_cast %scan3A_31 : i32 to index
        %get3A_140 = arith.constant 80 : index
        %get3A_141 = tpu.vector_load %arg10[%get3A_139, %get3A_140] {strides = array<i32>} : memref<80x128xf32, #tpu.memory_space<vmem>>, vector<1x16xf32>,
        %get3A_142 = vector.shape_cast %get3A_141 : vector<1x16xf32> to vector<16xf32>
        %get3A_143 = arith.index_cast %scan3A_31 : i32 to index
        %get3A_144 = arith.constant 80 : index
        %get3A_145 = tpu.vector_load %arg11[%get3A_143, %get3A_144] {strides = array<i32>} : memref<80x256xf32, #tpu.memory_space<vmem>>, vector<1x16xf32>,
        %get3A_146 = vector.shape_cast %get3A_145 : vector<1x16xf32> to vector<16xf32>
        %get3A_147 = arith.index_cast %scan3A_31 : i32 to index
        %get3A_148 = arith.constant 208 : index
        %get3A_149 = tpu.vector_load %arg11[%get3A_147, %get3A_148] {strides = array<i32>} : memref<80x256xf32, #tpu.memory_space<vmem>>, vector<1x16xf32>,
        %get3A_150 = vector.shape_cast %get3A_149 : vector<1x16xf32> to vector<16xf32>
        %mul3A_151 = arith.mulf %get3A_150, %get3A_142 : vector<16xf32>
        %add3A_152 = arith.addf %mul3A_151, %get3A_146 : vector<16xf32>
        %max3A_153 = arith.constant 0.000000e+00 : f32
        %max3A_154 = vector.broadcast %max3A_153 : f32 to vector<16xf32>
        %max3A_155 = arith.maximumf %add3A_152, %max3A_154 : vector<16xf32>
        %swap3A_156 = arith.index_cast %scan3A_31 : i32 to index
        %swap3A_157 = arith.constant 80 : index
        %swap3A_158 = tpu.vector_load %arg12[%swap3A_156, %swap3A_157] {strides = array<i32>} : memref<80x128xf32, #tpu.memory_space<vmem>>, vector<1x16xf32>,
        %swap3A_159 = vector.shape_cast %swap3A_158 : vector<1x16xf32> to vector<16xf32>
        %swap3A_160 = vector.shape_cast %max3A_155 : vector<16xf32> to vector<1x16xf32>
        tpu.vector_store %arg12[%swap3A_156, %swap3A_157], %swap3A_160 {strides = array<i32>} : memref<80x128xf32, #tpu.memory_space<vmem>>, vector<1x16xf32>,
        %get3A_161 = arith.index_cast %scan3A_31 : i32 to index
        %get3A_162 = arith.constant 96 : index
        %get3A_163 = tpu.vector_load %arg10[%get3A_161, %get3A_162] {strides = array<i32>} : memref<80x128xf32, #tpu.memory_space<vmem>>, vector<1x16xf32>,
        %get3A_164 = vector.shape_cast %get3A_163 : vector<1x16xf32> to vector<16xf32>
        %get3A_165 = arith.index_cast %scan3A_31 : i32 to index
        %get3A_166 = arith.constant 96 : index
        %get3A_167 = tpu.vector_load %arg11[%get3A_165, %get3A_166] {strides = array<i32>} : memref<80x256xf32, #tpu.memory_space<vmem>>, vector<1x16xf32>,
        %get3A_168 = vector.shape_cast %get3A_167 : vector<1x16xf32> to vector<16xf32>
        %get3A_169 = arith.index_cast %scan3A_31 : i32 to index
        %get3A_170 = arith.constant 224 : index
        %get3A_171 = tpu.vector_load %arg11[%get3A_169, %get3A_170] {strides = array<i32>} : memref<80x256xf32, #tpu.memory_space<vmem>>, vector<1x16xf32>,
        %get3A_172 = vector.shape_cast %get3A_171 : vector<1x16xf32> to vector<16xf32>
        %mul3A_173 = arith.mulf %get3A_172, %get3A_164 : vector<16xf32>
        %add3A_174 = arith.addf %mul3A_173, %get3A_168 : vector<16xf32>
        %max3A_175 = arith.constant 0.000000e+00 : f32
        %max3A_176 = vector.broadcast %max3A_175 : f32 to vector<16xf32>
        %max3A_177 = arith.maximumf %add3A_174, %max3A_176 : vector<16xf32>
        %swap3A_178 = arith.index_cast %scan3A_31 : i32 to index
        %swap3A_179 = arith.constant 96 : index
        %swap3A_180 = tpu.vector_load %arg12[%swap3A_178, %swap3A_179] {strides = array<i32>} : memref<80x128xf32, #tpu.memory_space<vmem>>, vector<1x16xf32>,
        %swap3A_181 = vector.shape_cast %swap3A_180 : vector<1x16xf32> to vector<16xf32>
        %swap3A_182 = vector.shape_cast %max3A_177 : vector<16xf32> to vector<1x16xf32>
        tpu.vector_store %arg12[%swap3A_178, %swap3A_179], %swap3A_182 {strides = array<i32>} : memref<80x128xf32, #tpu.memory_space<vmem>>, vector<1x16xf32>,
        %get3A_183 = arith.index_cast %scan3A_31 : i32 to index
        %get3A_184 = arith.constant 112 : index
        %get3A_185 = tpu.vector_load %arg10[%get3A_183, %get3A_184] {strides = array<i32>} : memref<80x128xf32, #tpu.memory_space<vmem>>, vector<1x16xf32>,
        %get3A_186 = vector.shape_cast %get3A_185 : vector<1x16xf32> to vector<16xf32>
        %get3A_187 = arith.index_cast %scan3A_31 : i32 to index
        %get3A_188 = arith.constant 112 : index
        %get3A_189 = tpu.vector_load %arg11[%get3A_187, %get3A_188] {strides = array<i32>} : memref<80x256xf32, #tpu.memory_space<vmem>>, vector<1x16xf32>,
        %get3A_190 = vector.shape_cast %get3A_189 : vector<1x16xf32> to vector<16xf32>
        %get3A_191 = arith.index_cast %scan3A_31 : i32 to index
        %get3A_192 = arith.constant 240 : index
        %get3A_193 = tpu.vector_load %arg11[%get3A_191, %get3A_192] {strides = array<i32>} : memref<80x256xf32, #tpu.memory_space<vmem>>, vector<1x16xf32>,
        %get3A_194 = vector.shape_cast %get3A_193 : vector<1x16xf32> to vector<16xf32>
        %mul3A_195 = arith.mulf %get3A_194, %get3A_186 : vector<16xf32>
        %add3A_196 = arith.addf %mul3A_195, %get3A_190 : vector<16xf32>
        %max3A_197 = arith.constant 0.000000e+00 : f32
        %max3A_198 = vector.broadcast %max3A_197 : f32 to vector<16xf32>
        %max3A_199 = arith.maximumf %add3A_196, %max3A_198 : vector<16xf32>
        %swap3A_200 = arith.index_cast %scan3A_31 : i32 to index
        %swap3A_201 = arith.constant 112 : index
        %swap3A_202 = tpu.vector_load %arg12[%swap3A_200, %swap3A_201] {strides = array<i32>} : memref<80x128xf32, #tpu.memory_space<vmem>>, vector<1x16xf32>,
        %swap3A_203 = vector.shape_cast %swap3A_202 : vector<1x16xf32> to vector<16xf32>
        %swap3A_204 = vector.shape_cast %max3A_199 : vector<16xf32> to vector<1x16xf32>
        tpu.vector_store %arg12[%swap3A_200, %swap3A_201], %swap3A_204 {strides = array<i32>} : memref<80x128xf32, #tpu.memory_space<vmem>>, vector<1x16xf32>,
      }
      %scan3A_30 = arith.constant 80 : i32
      "tpu.region"() ({
        %run_scoped3A = tpu.sem_alloc : memref<!tpu.dma_semaphore, #tpu.memory_space<semaphore_mem>>
        %dma_start3A_31 = arith.constant 0 : i32
        %dma_start3A_32 = arith.constant 0 : i32
        %dma_start3A_33 = tpu.memref_slice %arg13[%dma_start3A_31, %dma_start3A_32] : memref<10112x128xf32, #tpu.memory_space<vmem_shared>> -> memref<10112x128xf32, #tpu.memory_space<vmem_shared>>
        tpu.enqueue_indirect_dma source(%arg12 : memref<80x128xf32, #tpu.memory_space<vmem>>) target(%dma_start3A_33 : memref<10112x128xf32, #tpu.memory_space<vmem_shared>>) offsets(%arg9 : memref<80xi32, #tpu.memory_space<vmem>>) semaphore(%run_scoped3A : memref<!tpu.dma_semaphore, #tpu.memory_space<semaphore_mem>>) {add = true}
        %dma_wait3A_34 = arith.constant 0 : i32
        %dma_wait3A_35 = arith.constant 0 : i32
        %dma_wait3A_36 = tpu.memref_slice %arg13[%dma_wait3A_34, %dma_wait3A_35] : memref<10112x128xf32, #tpu.memory_space<vmem_shared>> -> memref<10112x128xf32, #tpu.memory_space<vmem_shared>>
        tpu.wait_indirect_dma semaphore(%run_scoped3A : memref<!tpu.dma_semaphore, #tpu.memory_space<semaphore_mem>>) src(%arg12 : memref<80x128xf32, #tpu.memory_space<vmem>>) dst(%dma_wait3A_36 : memref<10112x128xf32, #tpu.memory_space<vmem_shared>>)
        tpu.yield
      }) : () -> ()
    }
    %scan3A_9 = arith.constant 125 : i32
    %barrier3A_10 = arith.constant 0 : index
    tpu.barrier barrier_id(%barrier3A_10)
    "tpu.region"() ({
      %run_scoped3A = tpu.sem_alloc : memref<!tpu.dma_semaphore, #tpu.memory_space<semaphore_mem>>
      %dma_start3A = arith.constant 0 : i32
      %dma_start3A_11 = tpu.memref_slice %arg7[%arg0, %mul3A_4, %dma_start3A] : memref<2x10112x128xf32, #tpu.memory_space<hbm>> -> memref<1x632x128xf32, #tpu.memory_space<hbm>>
      %dma_start3A_12 = tpu.memref_squeeze %dma_start3A_11 : memref<1x632x128xf32, #tpu.memory_space<hbm>> -> memref<632x128xf32, #tpu.memory_space<hbm>>
      %dma_start3A_13 = arith.constant 0 : i32
      %dma_start3A_14 = tpu.memref_slice %arg13[%mul3A_4, %dma_start3A_13] : memref<10112x128xf32, #tpu.memory_space<vmem_shared>> -> memref<632x128xf32, #tpu.memory_space<vmem_shared>>
      tpu.enqueue_dma source(%dma_start3A_14 : memref<632x128xf32, #tpu.memory_space<vmem_shared>>) target(%dma_start3A_12 : memref<632x128xf32, #tpu.memory_space<hbm>>) target_semaphore(%run_scoped3A : memref<!tpu.dma_semaphore, #tpu.memory_space<semaphore_mem>>)
      %dma_wait3A = arith.constant 0 : i32
      %dma_wait3A_15 = tpu.memref_slice %arg7[%arg0, %mul3A_4, %dma_wait3A] : memref<2x10112x128xf32, #tpu.memory_space<hbm>> -> memref<1x632x128xf32, #tpu.memory_space<hbm>>
      %dma_wait3A_16 = tpu.memref_squeeze %dma_wait3A_15 : memref<1x632x128xf32, #tpu.memory_space<hbm>> -> memref<632x128xf32, #tpu.memory_space<hbm>>
      %dma_wait3A_17 = arith.constant 0 : i32
      %dma_wait3A_18 = tpu.memref_slice %arg13[%mul3A_4, %dma_wait3A_17] : memref<10112x128xf32, #tpu.memory_space<vmem_shared>> -> memref<632x128xf32, #tpu.memory_space<vmem_shared>>
      tpu.wait_dma2 semaphore(%run_scoped3A : memref<!tpu.dma_semaphore, #tpu.memory_space<semaphore_mem>>) src(%dma_wait3A_18 : memref<632x128xf32, #tpu.memory_space<vmem_shared>>) dst(%dma_wait3A_16 : memref<632x128xf32, #tpu.memory_space<hbm>>)
      tpu.yield
    }) : () -> ()
    return
  }
}

module attributes {stable_mosaic.version = 14 : i64} {
  func.func @_dense0_body(%arg0: i32, %arg1: memref<1264x128xf32, #tpu.memory_space<vmem>>, %arg2: memref<128x512xf32, #tpu.memory_space<vmem>>, %arg3: memref<1x512xf32, #tpu.memory_space<vmem>>, %arg4: memref<1264x128xf32, #tpu.memory_space<vmem>>, %arg5: memref<1264x256xf32, #tpu.memory_space<vmem>>, %arg6: memref<1264x128xf32, #tpu.memory_space<vmem>>) attributes {dimension_semantics = [#tpu.dimension_semantics<arbitrary>], iteration_bounds = array<i64: 8>, scalar_prefetch = 0 : i64, scratch_operands = 0 : i64, tpu.core_type = #tpu.core_type<tc>, window_params = [{transform_indices = @transform_0, window_bounds = array<i64: 1264, 128>}, {pipeline_mode = #tpu.pipeline_mode<synchronous>, transform_indices = @transform_1, window_bounds = array<i64: 128, 512>}, {pipeline_mode = #tpu.pipeline_mode<synchronous>, transform_indices = @transform_2, window_bounds = array<i64: 1, 512>}, {transform_indices = @transform_3, window_bounds = array<i64: 1264, 128>}, {transform_indices = @transform_4, window_bounds = array<i64: 1264, 256>}, {transform_indices = @transform_5, window_bounds = array<i64: 1264, 128>}]} {
    %get3A = arith.constant 0 : index
    %get3A_0 = arith.constant 0 : index
    %get3A_1 = vector.load %arg1[%get3A, %get3A_0] : memref<1264x128xf32, #tpu.memory_space<vmem>>, vector<1264x128xf32>
    %get3A_2 = arith.constant 0 : index
    %get3A_3 = arith.constant 0 : index
    %get3A_4 = vector.load %arg2[%get3A_2, %get3A_3] : memref<128x512xf32, #tpu.memory_space<vmem>>, vector<128x512xf32>
    %dot_general3A = arith.constant dense<0.000000e+00> : vector<1264x512xf32>
    %dot_general3A_5 = tpu.matmul %get3A_1, %get3A_4, %dot_general3A {dimension_numbers = #tpu.dot_dimension_numbers<[1], [0], [0], [1], [0, 0, 1, 1], [], []>, transpose_lhs_hint = false} : vector<1264x128xf32>, vector<128x512xf32>, vector<1264x512xf32> -> vector<1264x512xf32>
    %get3A_6 = arith.constant 0 : index
    %get3A_7 = arith.constant 0 : index
    %get3A_8 = vector.load %arg3[%get3A_6, %get3A_7] : memref<1x512xf32, #tpu.memory_space<vmem>>, vector<1x512xf32>
    %add3A = vector.broadcast %get3A_8 : vector<1x512xf32> to vector<1264x512xf32>
    %add3A_9 = arith.addf %dot_general3A_5, %add3A : vector<1264x512xf32>
    %slice3A = vector.extract_strided_slice %add3A_9 {offsets = [0, 0], sizes = [1264, 128], strides = [1, 1]} : vector<1264x512xf32> to vector<1264x128xf32>
    %swap3A = arith.constant 0 : index
    %swap3A_10 = arith.constant 0 : index
    %swap3A_11 = vector.load %arg4[%swap3A, %swap3A_10] : memref<1264x128xf32, #tpu.memory_space<vmem>>, vector<1264x128xf32>
    tpu.vector_store %arg4[%swap3A, %swap3A_10], %slice3A {strides = array<i32>} : memref<1264x128xf32, #tpu.memory_space<vmem>>, vector<1264x128xf32>,
    %slice3A_12 = vector.extract_strided_slice %add3A_9 {offsets = [0, 128], sizes = [1264, 256], strides = [1, 1]} : vector<1264x512xf32> to vector<1264x256xf32>
    %swap3A_13 = arith.constant 0 : index
    %swap3A_14 = arith.constant 0 : index
    %swap3A_15 = vector.load %arg5[%swap3A_13, %swap3A_14] : memref<1264x256xf32, #tpu.memory_space<vmem>>, vector<1264x256xf32>
    tpu.vector_store %arg5[%swap3A_13, %swap3A_14], %slice3A_12 {strides = array<i32>} : memref<1264x256xf32, #tpu.memory_space<vmem>>, vector<1264x256xf32>,
    %slice3A_16 = vector.extract_strided_slice %add3A_9 {offsets = [0, 384], sizes = [1264, 128], strides = [1, 1]} : vector<1264x512xf32> to vector<1264x128xf32>
    %swap3A_17 = arith.constant 0 : index
    %swap3A_18 = arith.constant 0 : index
    %swap3A_19 = vector.load %arg6[%swap3A_17, %swap3A_18] : memref<1264x128xf32, #tpu.memory_space<vmem>>, vector<1264x128xf32>
    tpu.vector_store %arg6[%swap3A_17, %swap3A_18], %slice3A_16 {strides = array<i32>} : memref<1264x128xf32, #tpu.memory_space<vmem>>, vector<1264x128xf32>,
    return
  }
  func.func @transform_0(%arg0: i32) -> (i32, i32) {
    %c0_i32 = arith.constant 0 : i32
    %c0_i32_0 = arith.constant 0 : i32
    return %arg0, %c0_i32 : i32, i32
  }
  func.func @transform_1(%arg0: i32) -> (i32, i32) {
    %c0_i32 = arith.constant 0 : i32
    %c0_i32_0 = arith.constant 0 : i32
    %c0_i32_1 = arith.constant 0 : i32
    return %c0_i32, %c0_i32_0 : i32, i32
  }
  func.func @transform_2(%arg0: i32) -> (i32, i32) {
    %c0_i32 = arith.constant 0 : i32
    %c0_i32_0 = arith.constant 0 : i32
    %c0_i32_1 = arith.constant 0 : i32
    return %c0_i32, %c0_i32_0 : i32, i32
  }
  func.func @transform_3(%arg0: i32) -> (i32, i32) {
    %c0_i32 = arith.constant 0 : i32
    %c0_i32_0 = arith.constant 0 : i32
    return %arg0, %c0_i32 : i32, i32
  }
  func.func @transform_4(%arg0: i32) -> (i32, i32) {
    %c0_i32 = arith.constant 0 : i32
    %c0_i32_0 = arith.constant 0 : i32
    return %arg0, %c0_i32 : i32, i32
  }
  func.func @transform_5(%arg0: i32) -> (i32, i32) {
    %c0_i32 = arith.constant 0 : i32
    %c0_i32_0 = arith.constant 0 : i32
    return %arg0, %c0_i32 : i32, i32
  }
}

module attributes {stable_mosaic.version = 14 : i64} {
  func.func @_update_body(%arg0: i32, %arg1: memref<2x1264x128xf32, #tpu.memory_space<vmem>>, %arg2: memref<2x1264x128xf32, #tpu.memory_space<vmem>>, %arg3: memref<1264x128xf32, #tpu.memory_space<vmem>>, %arg4: memref<1x128xf32, #tpu.memory_space<vmem>>, %arg5: memref<1x128xf32, #tpu.memory_space<vmem>>, %arg6: memref<128x512xf32, #tpu.memory_space<vmem>>, %arg7: memref<1x512xf32, #tpu.memory_space<vmem>>, %arg8: memref<1264x128xf32, #tpu.memory_space<vmem>>, %arg9: memref<1264x256xf32, #tpu.memory_space<vmem>>, %arg10: memref<1264x128xf32, #tpu.memory_space<vmem>>) attributes {dimension_semantics = [#tpu.dimension_semantics<arbitrary>], iteration_bounds = array<i64: 8>, scalar_prefetch = 0 : i64, scratch_operands = 0 : i64, tpu.core_type = #tpu.core_type<tc>, window_params = [{transform_indices = @transform_0, window_bounds = array<i64: 2, 1264, 128>}, {transform_indices = @transform_1, window_bounds = array<i64: 2, 1264, 128>}, {transform_indices = @transform_2, window_bounds = array<i64: 1264, 128>}, {pipeline_mode = #tpu.pipeline_mode<synchronous>, transform_indices = @transform_3, window_bounds = array<i64: 1, 128>}, {pipeline_mode = #tpu.pipeline_mode<synchronous>, transform_indices = @transform_4, window_bounds = array<i64: 1, 128>}, {pipeline_mode = #tpu.pipeline_mode<synchronous>, transform_indices = @transform_5, window_bounds = array<i64: 128, 512>}, {pipeline_mode = #tpu.pipeline_mode<synchronous>, transform_indices = @transform_6, window_bounds = array<i64: 1, 512>}, {transform_indices = @transform_7, window_bounds = array<i64: 1264, 128>}, {transform_indices = @transform_8, window_bounds = array<i64: 1264, 256>}, {transform_indices = @transform_9, window_bounds = array<i64: 1264, 128>}]} {
    %get3A = arith.constant 0 : index
    %get3A_0 = arith.constant 0 : index
    %get3A_1 = arith.constant 0 : index
    %get3A_2 = vector.load %arg1[%get3A, %get3A_0, %get3A_1] : memref<2x1264x128xf32, #tpu.memory_space<vmem>>, vector<1x1264x128xf32>
    %get3A_3 = vector.shape_cast %get3A_2 : vector<1x1264x128xf32> to vector<1264x128xf32>
    %get3A_4 = arith.constant 1 : index
    %get3A_5 = arith.constant 0 : index
    %get3A_6 = arith.constant 0 : index
    %get3A_7 = vector.load %arg1[%get3A_4, %get3A_5, %get3A_6] : memref<2x1264x128xf32, #tpu.memory_space<vmem>>, vector<1x1264x128xf32>
    %get3A_8 = vector.shape_cast %get3A_7 : vector<1x1264x128xf32> to vector<1264x128xf32>
    %add3A = arith.addf %get3A_3, %get3A_8 : vector<1264x128xf32>
    %get3A_9 = arith.constant 0 : index
    %get3A_10 = arith.constant 0 : index
    %get3A_11 = arith.constant 0 : index
    %get3A_12 = vector.load %arg2[%get3A_9, %get3A_10, %get3A_11] : memref<2x1264x128xf32, #tpu.memory_space<vmem>>, vector<1x1264x128xf32>
    %get3A_13 = vector.shape_cast %get3A_12 : vector<1x1264x128xf32> to vector<1264x128xf32>
    %slice3A = vector.extract_strided_slice %get3A_13 {offsets = [0, 0], sizes = [1264, 1], strides = [1, 1]} : vector<1264x128xf32> to vector<1264x1xf32>
    %get3A_14 = arith.constant 1 : index
    %get3A_15 = arith.constant 0 : index
    %get3A_16 = arith.constant 0 : index
    %get3A_17 = vector.load %arg2[%get3A_14, %get3A_15, %get3A_16] : memref<2x1264x128xf32, #tpu.memory_space<vmem>>, vector<1x1264x128xf32>
    %get3A_18 = vector.shape_cast %get3A_17 : vector<1x1264x128xf32> to vector<1264x128xf32>
    %slice3A_19 = vector.extract_strided_slice %get3A_18 {offsets = [0, 0], sizes = [1264, 1], strides = [1, 1]} : vector<1264x128xf32> to vector<1264x1xf32>
    %add3A_20 = arith.addf %slice3A, %slice3A_19 : vector<1264x1xf32>
    %max3A = arith.constant 1.000000e+00 : f32
    %max3A_21 = vector.broadcast %max3A : f32 to vector<1264x1xf32>
    %max3A_22 = arith.maximumf %add3A_20, %max3A_21 : vector<1264x1xf32>
    %get3A_23 = arith.constant 0 : index
    %get3A_24 = arith.constant 0 : index
    %get3A_25 = vector.load %arg3[%get3A_23, %get3A_24] : memref<1264x128xf32, #tpu.memory_space<vmem>>, vector<1264x128xf32>
    %div3A = vector.broadcast %max3A_22 : vector<1264x1xf32> to vector<1264x128xf32>
    %div3A_26 = arith.divf %add3A, %div3A : vector<1264x128xf32>
    %add3A_27 = arith.addf %get3A_25, %div3A_26 : vector<1264x128xf32>
    %max3A_28 = arith.constant 0.000000e+00 : f32
    %max3A_29 = vector.broadcast %max3A_28 : f32 to vector<1264x128xf32>
    %max3A_30 = arith.maximumf %add3A_27, %max3A_29 : vector<1264x128xf32>
    %reduce_sum3A = arith.constant dense<0.000000e+00> : vector<1264xf32>
    %reduce_sum3A_31 = vector.multi_reduction <add>, %max3A_30, %reduce_sum3A [1] : vector<1264x128xf32> to vector<1264xf32>
    %broadcast_in_dim3A = vector.shape_cast %reduce_sum3A_31 : vector<1264xf32> to vector<1264x1xf32>
    %div3A_32 = arith.constant 1.280000e+02 : f32
    %div3A_33 = vector.broadcast %div3A_32 : f32 to vector<1264x1xf32>
    %div3A_34 = arith.divf %broadcast_in_dim3A, %div3A_33 : vector<1264x1xf32>
    %sub3A = vector.broadcast %div3A_34 : vector<1264x1xf32> to vector<1264x128xf32>
    %sub3A_35 = arith.subf %max3A_30, %sub3A : vector<1264x128xf32>
    %mul3A = arith.mulf %sub3A_35, %sub3A_35 : vector<1264x128xf32>
    %reduce_sum3A_36 = arith.constant dense<0.000000e+00> : vector<1264xf32>
    %reduce_sum3A_37 = vector.multi_reduction <add>, %mul3A, %reduce_sum3A_36 [1] : vector<1264x128xf32> to vector<1264xf32>
    %broadcast_in_dim3A_38 = vector.shape_cast %reduce_sum3A_37 : vector<1264xf32> to vector<1264x1xf32>
    %div3A_39 = arith.constant 1.280000e+02 : f32
    %div3A_40 = vector.broadcast %div3A_39 : f32 to vector<1264x1xf32>
    %div3A_41 = arith.divf %broadcast_in_dim3A_38, %div3A_40 : vector<1264x1xf32>
    %add3A_42 = arith.constant 9.99999974E-6 : f32
    %add3A_43 = vector.broadcast %add3A_42 : f32 to vector<1264x1xf32>
    %add3A_44 = arith.addf %div3A_41, %add3A_43 : vector<1264x1xf32>
    %rsqrt3A = math.rsqrt %add3A_44 : vector<1264x1xf32>
    %mul3A_45 = vector.broadcast %rsqrt3A : vector<1264x1xf32> to vector<1264x128xf32>
    %mul3A_46 = arith.mulf %sub3A_35, %mul3A_45 : vector<1264x128xf32>
    %get3A_47 = arith.constant 0 : index
    %get3A_48 = arith.constant 0 : index
    %get3A_49 = vector.load %arg4[%get3A_47, %get3A_48] : memref<1x128xf32, #tpu.memory_space<vmem>>, vector<1x128xf32>
    %mul3A_50 = vector.broadcast %get3A_49 : vector<1x128xf32> to vector<1264x128xf32>
    %mul3A_51 = arith.mulf %mul3A_46, %mul3A_50 : vector<1264x128xf32>
    %get3A_52 = arith.constant 0 : index
    %get3A_53 = arith.constant 0 : index
    %get3A_54 = vector.load %arg5[%get3A_52, %get3A_53] : memref<1x128xf32, #tpu.memory_space<vmem>>, vector<1x128xf32>
    %add3A_55 = vector.broadcast %get3A_54 : vector<1x128xf32> to vector<1264x128xf32>
    %add3A_56 = arith.addf %mul3A_51, %add3A_55 : vector<1264x128xf32>
    %get3A_57 = arith.constant 0 : index
    %get3A_58 = arith.constant 0 : index
    %get3A_59 = vector.load %arg6[%get3A_57, %get3A_58] : memref<128x512xf32, #tpu.memory_space<vmem>>, vector<128x512xf32>
    %dot_general3A = arith.constant dense<0.000000e+00> : vector<1264x512xf32>
    %dot_general3A_60 = tpu.matmul %add3A_56, %get3A_59, %dot_general3A {dimension_numbers = #tpu.dot_dimension_numbers<[1], [0], [0], [1], [0, 0, 1, 1], [], []>, transpose_lhs_hint = false} : vector<1264x128xf32>, vector<128x512xf32>, vector<1264x512xf32> -> vector<1264x512xf32>
    %get3A_61 = arith.constant 0 : index
    %get3A_62 = arith.constant 0 : index
    %get3A_63 = vector.load %arg7[%get3A_61, %get3A_62] : memref<1x512xf32, #tpu.memory_space<vmem>>, vector<1x512xf32>
    %add3A_64 = vector.broadcast %get3A_63 : vector<1x512xf32> to vector<1264x512xf32>
    %add3A_65 = arith.addf %dot_general3A_60, %add3A_64 : vector<1264x512xf32>
    %slice3A_66 = vector.extract_strided_slice %add3A_65 {offsets = [0, 0], sizes = [1264, 128], strides = [1, 1]} : vector<1264x512xf32> to vector<1264x128xf32>
    %swap3A = arith.constant 0 : index
    %swap3A_67 = arith.constant 0 : index
    %swap3A_68 = vector.load %arg8[%swap3A, %swap3A_67] : memref<1264x128xf32, #tpu.memory_space<vmem>>, vector<1264x128xf32>
    tpu.vector_store %arg8[%swap3A, %swap3A_67], %slice3A_66 {strides = array<i32>} : memref<1264x128xf32, #tpu.memory_space<vmem>>, vector<1264x128xf32>,
    %slice3A_69 = vector.extract_strided_slice %add3A_65 {offsets = [0, 128], sizes = [1264, 256], strides = [1, 1]} : vector<1264x512xf32> to vector<1264x256xf32>
    %swap3A_70 = arith.constant 0 : index
    %swap3A_71 = arith.constant 0 : index
    %swap3A_72 = vector.load %arg9[%swap3A_70, %swap3A_71] : memref<1264x256xf32, #tpu.memory_space<vmem>>, vector<1264x256xf32>
    tpu.vector_store %arg9[%swap3A_70, %swap3A_71], %slice3A_69 {strides = array<i32>} : memref<1264x256xf32, #tpu.memory_space<vmem>>, vector<1264x256xf32>,
    %slice3A_73 = vector.extract_strided_slice %add3A_65 {offsets = [0, 384], sizes = [1264, 128], strides = [1, 1]} : vector<1264x512xf32> to vector<1264x128xf32>
    %swap3A_74 = arith.constant 0 : index
    %swap3A_75 = arith.constant 0 : index
    %swap3A_76 = vector.load %arg10[%swap3A_74, %swap3A_75] : memref<1264x128xf32, #tpu.memory_space<vmem>>, vector<1264x128xf32>
    tpu.vector_store %arg10[%swap3A_74, %swap3A_75], %slice3A_73 {strides = array<i32>} : memref<1264x128xf32, #tpu.memory_space<vmem>>, vector<1264x128xf32>,
    return
  }
  func.func @transform_0(%arg0: i32) -> (i32, i32, i32) {
    %c0_i32 = arith.constant 0 : i32
    %c0_i32_0 = arith.constant 0 : i32
    %c0_i32_1 = arith.constant 0 : i32
    return %c0_i32, %arg0, %c0_i32_0 : i32, i32, i32
  }
  func.func @transform_1(%arg0: i32) -> (i32, i32, i32) {
    %c0_i32 = arith.constant 0 : i32
    %c0_i32_0 = arith.constant 0 : i32
    %c0_i32_1 = arith.constant 0 : i32
    return %c0_i32, %arg0, %c0_i32_0 : i32, i32, i32
  }
  func.func @transform_2(%arg0: i32) -> (i32, i32) {
    %c0_i32 = arith.constant 0 : i32
    %c0_i32_0 = arith.constant 0 : i32
    return %arg0, %c0_i32 : i32, i32
  }
  func.func @transform_3(%arg0: i32) -> (i32, i32) {
    %c0_i32 = arith.constant 0 : i32
    %c0_i32_0 = arith.constant 0 : i32
    %c0_i32_1 = arith.constant 0 : i32
    return %c0_i32, %c0_i32_0 : i32, i32
  }
  func.func @transform_4(%arg0: i32) -> (i32, i32) {
    %c0_i32 = arith.constant 0 : i32
    %c0_i32_0 = arith.constant 0 : i32
    %c0_i32_1 = arith.constant 0 : i32
    return %c0_i32, %c0_i32_0 : i32, i32
  }
  func.func @transform_5(%arg0: i32) -> (i32, i32) {
    %c0_i32 = arith.constant 0 : i32
    %c0_i32_0 = arith.constant 0 : i32
    %c0_i32_1 = arith.constant 0 : i32
    return %c0_i32, %c0_i32_0 : i32, i32
  }
  func.func @transform_6(%arg0: i32) -> (i32, i32) {
    %c0_i32 = arith.constant 0 : i32
    %c0_i32_0 = arith.constant 0 : i32
    %c0_i32_1 = arith.constant 0 : i32
    return %c0_i32, %c0_i32_0 : i32, i32
  }
  func.func @transform_7(%arg0: i32) -> (i32, i32) {
    %c0_i32 = arith.constant 0 : i32
    %c0_i32_0 = arith.constant 0 : i32
    return %arg0, %c0_i32 : i32, i32
  }
  func.func @transform_8(%arg0: i32) -> (i32, i32) {
    %c0_i32 = arith.constant 0 : i32
    %c0_i32_0 = arith.constant 0 : i32
    return %arg0, %c0_i32 : i32, i32
  }
  func.func @transform_9(%arg0: i32) -> (i32, i32) {
    %c0_i32 = arith.constant 0 : i32
    %c0_i32_0 = arith.constant 0 : i32
    return %arg0, %c0_i32 : i32, i32
  }
}

module attributes {stable_mosaic.version = 14 : i64} {
  func.func @_pool_body(%arg0: memref<2x10112x128xf32, #tpu.memory_space<vmem>>, %arg1: memref<2x10112x128xf32, #tpu.memory_space<vmem>>, %arg2: memref<10112x128xf32, #tpu.memory_space<vmem>>, %arg3: memref<1x10112xi32, #tpu.memory_space<vmem>>, %arg4: memref<128x1xf32, #tpu.memory_space<vmem>>, %arg5: memref<1x1xf32, #tpu.memory_space<vmem>>, %arg6: memref<64x1xf32, #tpu.memory_space<vmem>>) attributes {dimension_semantics = [], scalar_prefetch = 0 : i64, scratch_operands = 0 : i64, tpu.core_type = #tpu.core_type<tc>} {
    %get3A = arith.constant 0 : index
    %get3A_0 = arith.constant 0 : index
    %get3A_1 = arith.constant 0 : index
    %get3A_2 = vector.load %arg0[%get3A, %get3A_0, %get3A_1] : memref<2x10112x128xf32, #tpu.memory_space<vmem>>, vector<1x10112x128xf32>
    %get3A_3 = vector.shape_cast %get3A_2 : vector<1x10112x128xf32> to vector<10112x128xf32>
    %get3A_4 = arith.constant 1 : index
    %get3A_5 = arith.constant 0 : index
    %get3A_6 = arith.constant 0 : index
    %get3A_7 = vector.load %arg0[%get3A_4, %get3A_5, %get3A_6] : memref<2x10112x128xf32, #tpu.memory_space<vmem>>, vector<1x10112x128xf32>
    %get3A_8 = vector.shape_cast %get3A_7 : vector<1x10112x128xf32> to vector<10112x128xf32>
    %add3A = arith.addf %get3A_3, %get3A_8 : vector<10112x128xf32>
    %get3A_9 = arith.constant 0 : index
    %get3A_10 = arith.constant 0 : index
    %get3A_11 = arith.constant 0 : index
    %get3A_12 = vector.load %arg1[%get3A_9, %get3A_10, %get3A_11] : memref<2x10112x128xf32, #tpu.memory_space<vmem>>, vector<1x10112x128xf32>
    %get3A_13 = vector.shape_cast %get3A_12 : vector<1x10112x128xf32> to vector<10112x128xf32>
    %slice3A = vector.extract_strided_slice %get3A_13 {offsets = [0, 0], sizes = [10112, 1], strides = [1, 1]} : vector<10112x128xf32> to vector<10112x1xf32>
    %get3A_14 = arith.constant 1 : index
    %get3A_15 = arith.constant 0 : index
    %get3A_16 = arith.constant 0 : index
    %get3A_17 = vector.load %arg1[%get3A_14, %get3A_15, %get3A_16] : memref<2x10112x128xf32, #tpu.memory_space<vmem>>, vector<1x10112x128xf32>
    %get3A_18 = vector.shape_cast %get3A_17 : vector<1x10112x128xf32> to vector<10112x128xf32>
    %slice3A_19 = vector.extract_strided_slice %get3A_18 {offsets = [0, 0], sizes = [10112, 1], strides = [1, 1]} : vector<10112x128xf32> to vector<10112x1xf32>
    %add3A_20 = arith.addf %slice3A, %slice3A_19 : vector<10112x1xf32>
    %max3A = arith.constant 1.000000e+00 : f32
    %max3A_21 = vector.broadcast %max3A : f32 to vector<10112x1xf32>
    %max3A_22 = arith.maximumf %add3A_20, %max3A_21 : vector<10112x1xf32>
    %get3A_23 = arith.constant 0 : index
    %get3A_24 = arith.constant 0 : index
    %get3A_25 = vector.load %arg2[%get3A_23, %get3A_24] : memref<10112x128xf32, #tpu.memory_space<vmem>>, vector<10112x128xf32>
    %div3A = vector.broadcast %max3A_22 : vector<10112x1xf32> to vector<10112x128xf32>
    %div3A_26 = arith.divf %add3A, %div3A : vector<10112x128xf32>
    %add3A_27 = arith.addf %get3A_25, %div3A_26 : vector<10112x128xf32>
    %max3A_28 = arith.constant 0.000000e+00 : f32
    %max3A_29 = vector.broadcast %max3A_28 : f32 to vector<10112x128xf32>
    %max3A_30 = arith.maximumf %add3A_27, %max3A_29 : vector<10112x128xf32>
    %get3A_31 = arith.constant 0 : index
    %get3A_32 = arith.constant 0 : index
    %get3A_33 = vector.load %arg3[%get3A_31, %get3A_32] : memref<1x10112xi32, #tpu.memory_space<vmem>>, vector<1x10112xi32>
    %iota3A = tpu.iota {dimensions = array<i32: 0>} : vector<64x10112xi32>
    %eq3A = vector.broadcast %get3A_33 : vector<1x10112xi32> to vector<64x10112xi32>
    %eq3A_34 = arith.cmpi eq, %eq3A, %iota3A : vector<64x10112xi32>
    %convert_element_type3A = arith.extui %eq3A_34 : vector<64x10112xi1> to vector<64x10112xi32>
    %convert_element_type3A_35 = arith.sitofp %convert_element_type3A : vector<64x10112xi32> to vector<64x10112xf32>
    %dot_general3A = arith.constant dense<0.000000e+00> : vector<64x128xf32>
    %dot_general3A_36 = tpu.matmul %convert_element_type3A_35, %max3A_30, %dot_general3A {dimension_numbers = #tpu.dot_dimension_numbers<[1], [0], [0], [1], [0, 0, 1, 1], [], []>, transpose_lhs_hint = false} : vector<64x10112xf32>, vector<10112x128xf32>, vector<64x128xf32> -> vector<64x128xf32>
    %reduce_sum3A = arith.constant dense<0.000000e+00> : vector<64xf32>
    %reduce_sum3A_37 = vector.multi_reduction <add>, %convert_element_type3A_35, %reduce_sum3A [1] : vector<64x10112xf32> to vector<64xf32>
    %broadcast_in_dim3A = vector.shape_cast %reduce_sum3A_37 : vector<64xf32> to vector<64x1xf32>
    %max3A_38 = arith.constant 1.000000e+00 : f32
    %max3A_39 = vector.broadcast %max3A_38 : f32 to vector<64x1xf32>
    %max3A_40 = arith.maximumf %broadcast_in_dim3A, %max3A_39 : vector<64x1xf32>
    %div3A_41 = vector.broadcast %max3A_40 : vector<64x1xf32> to vector<64x128xf32>
    %div3A_42 = arith.divf %dot_general3A_36, %div3A_41 : vector<64x128xf32>
    %get3A_43 = arith.constant 0 : index
    %get3A_44 = arith.constant 0 : index
    %get3A_45 = vector.load %arg4[%get3A_43, %get3A_44] : memref<128x1xf32, #tpu.memory_space<vmem>>, vector<128x1xf32>
    %dot_general3A_46 = arith.constant dense<0.000000e+00> : vector<64x1xf32>
    %dot_general3A_47 = tpu.matmul %div3A_42, %get3A_45, %dot_general3A_46 {dimension_numbers = #tpu.dot_dimension_numbers<[1], [0], [0], [1], [0, 0, 1, 1], [], []>, transpose_lhs_hint = false} : vector<64x128xf32>, vector<128x1xf32>, vector<64x1xf32> -> vector<64x1xf32>
    %get3A_48 = arith.constant 0 : index
    %get3A_49 = arith.constant 0 : index
    %get3A_50 = vector.load %arg5[%get3A_48, %get3A_49] : memref<1x1xf32, #tpu.memory_space<vmem>>, vector<1x1xf32>
    %add3A_51 = vector.broadcast %get3A_50 : vector<1x1xf32> to vector<64x1xf32>
    %add3A_52 = arith.addf %dot_general3A_47, %add3A_51 : vector<64x1xf32>
    %swap3A = arith.constant 0 : index
    %swap3A_53 = arith.constant 0 : index
    %swap3A_54 = vector.load %arg6[%swap3A, %swap3A_53] : memref<64x1xf32, #tpu.memory_space<vmem>>, vector<64x1xf32>
    tpu.vector_store %arg6[%swap3A, %swap3A_53], %add3A_52 {strides = array<i32>} : memref<64x1xf32, #tpu.memory_space<vmem>>, vector<64x1xf32>,
    return
  }
}

</mosaic_0001>

<sc_bundles>
// kernel: kernel.12.cloned.1.call-start
scs
__scs_entry_jumppad:
0x0: {  	(pc) =	sbr.rel $0x88, $3  }
0x1: {  	(tag) =	ssettag $0x0;
	lr =	simm.s32 $0x1  }
0x2: {  	[smem:$0x3F89] =	sst lr;
	_ =	strace $0xD0000000  }
0x3: {  	_ = 	snop  }
0x4: {  	_ = 	snop  }
0x5: {  	_ = 	snop  }
0x6: {  	_ = 	snop  }
0x7: {  	_ = 	snop  }
__scs_overlays_trampoline_lowered:
0x8: {  	[smem:$0x3F98] =	sst s0  }
0x9: {  	[smem:$0x3F99] =	sst s1  }
0xa: {  	[smem:$0x3F9A] =	sst s2  }
0xb: {  	[smem:$0x3F9B] =	sst s3  }
0xc: {  	[smem:$0x3F9C] =	sst s4  }
0xd: {  	[smem:$0x3F9D] =	sst s5  }
0xe: {  	[smem:$0x3F9E] =	sst s6  }
0xf: {  	[smem:$0x3F9F] =	sst s7  }
0x10: {  	[smem:$0x3FA0] =	sst s8  }
0x11: {  	[smem:$0x3FA1] =	sst s9;
	s0 =	simm.s32 @!p0 $0x0  }
0x12: {  	s1 =	sld [smem:$0x3F87];
	s0 =	simm.s32 @p0 $0x1  }
0x13: {  	[smem:$0x3FA2] =	sst s0;
	s0 =	simm.s32 @!p1 $0x0  }
0x14: {  	s2 =	sld [smem:$0x3F86];
	s0 =	simm.s32 @p1 $0x1  }
0x15: {  	[smem:$0x3FA3] =	sst s0;
	s0 =	simm.s32 @!p2 $0x0  }
0x16: {  	s3 =	sld [smem:$0x3FDB];
	s0 =	simm.s32 @p2 $0x1  }
0x17: {  	s4 =	simm.s32 $0x1BF5;
	[smem:$0x3FA5] =	sst s0  }
0x18: {  	s0 =	sld [smem:$0x3F88];
	_ =	swait.ge [sflag:s4], $0x0  }
0x19: {  	s7 =	sld [smem:$0x3F89]  }
0x1a: {  	s8 =	sadd.s32 $0xFFFFE003, lr  }
0x1b: {  	s9 =	sadd.s32 $0xFFFFFEF7, lr;
	s5 =	simm.s32 $0xFFFFFFFF;
	p2 =	slt.u32 s8, $0xFFFFF086  }
0x1c: {  	p1 =	slt.u32 s9, $0xF7A;
	s5 =	simm.s32 @!p2 $0x0  }
0x1d: {  	s5 =	simm.s32 @p1 $0x1;
	p0 =	seq.s32 s7, s2  }
0x1e: {  	s7 =	smul.u32 @!p0 $0xF7A, s2;
	p2 =	seq.s32 @!p0 s5, $0x0  }
0x1f: {  	s9 =	smul.u32 $0xF7A, s1;
	s8 =	simm.s32 @!p0 $0x1BF5;
	p2 =	por !p2, p0  }
0x20: {  	[sflag:s8] =	ssyncset.s32 @!p0 $0xFFFFF086;
	s6 =	sadd.s32 @!p0 s3, s7;
	s7 =	simm.s32 @!p0 $0x108  }
0x21: {  	s3 =	sadd.s32 s3, s9;
	s6 =	sadd.s32 @!p0 $0x88, s6;
	s7 =	simm.s32 @p2 $0x1082  }
0x22: {  	[simem:s7], [sflag:s8] =	dma.local @!p0 [hbm:s6], $0xF7A  }
0x23: {  	s9 =	sor.u32 $0xD0000000, s2;
	s6 =	simm.s32 $0x108;
	_ =	swait.ge @!p0 [sflag:s8], $0x0  }
0x24: {  	s3 =	sadd.s32 $0x88, s3;
	s6 =	simm.s32 @!p1 $0x1082;
	[sflag:s4] =	ssyncset.s32 $0xFFFFF086  }
0x25: {  	[simem:s6], [sflag:s4] =	dma.local [hbm:s3], $0xF7A  }
0x26: {  	[smem:$0x3F89] =	sst s1;
	(tag) =	ssettag s2;
	_ =	strace s9  }
0x27: {  	s1 =	sld [smem:$0x3F99]  }
0x28: {  	s2 =	sld [smem:$0x3F9A]  }
0x29: {  	s4 =	sld [smem:$0x3F9C]  }
0x2a: {  	p0 =	seq.s32 s5, $0x0;
	s5 =	sld [smem:$0x3F9D]  }
0x2b: {  	s6 =	sld [smem:$0x3F9E]  }
0x2c: {  	s7 =	sld [smem:$0x3F9F]  }
0x2d: {  	s3 =	simm.s32 $0x108;
	s8 =	sld [smem:$0x3FA0]  }
0x2e: {  	s3 =	simm.s32 @!p0 $0x1082;
	s9 =	sld [smem:$0x3FA1]  }
0x2f: {  	lr =	sadd.s32 s0, s3;
	s0 =	sld [smem:$0x3F98]  }
0x30: {  	s3 =	sld [smem:$0x3F9B]  }
0x31: {  	[smem:$0x3FA4] =	sst s10  }
0x32: {  	s10 =	sld [smem:$0x3FA2];
	_ =	sdelay $0x3  }
0x33: {  	p0 =	seq.s32 s10, $0x1;
	s10 =	sld [smem:$0x3FA4];
	_ =	sdelay $0x3  }
0x34: {  	[smem:$0x3FA4] =	sst s10  }
0x35: {  	s10 =	sld [smem:$0x3FA3];
	_ =	sdelay $0x3  }
0x36: {  	p1 =	seq.s32 s10, $0x1;
	s10 =	sld [smem:$0x3FA4];
	_ =	sdelay $0x3  }
0x37: {  	[smem:$0x3FA4] =	sst s10  }
0x38: {  	s10 =	sld [smem:$0x3FA5]  }
0x39: {  	_ = 	snop;
	(pc) =	sbr.ind lr, $3  }
0x3a: {  	_ = 	snop  }
0x3b: {  	_ = 	snop  }
0x3c: {  	p2 =	seq.s32 s10, $0x1;
	s10 =	sld [smem:$0x3FA4]  }
0x3d: {  	_ =	shalt  }
0x3e: {  	_ =	shalt  }
0x3f: {  	_ =	shalt  }
0x40: {  	_ =	shalt  }
0x41: {  	_ =	shalt  }
0x42: {  	_ =	shalt  }
0x43: {  	_ =	shalt  }
0x44: {  	_ =	shalt  }
0x45: {  	_ =	shalt  }
0x46: {  	_ =	shalt  }
0x47: {  	_ =	shalt  }
0x48: {  	_ =	shalt  }
0x49: {  	_ =	shalt  }
0x4a: {  	_ =	shalt  }
0x4b: {  	_ =	shalt  }
0x4c: {  	_ =	shalt  }
0x4d: {  	_ =	shalt  }
0x4e: {  	_ =	shalt  }
0x4f: {  	_ =	shalt  }
0x50: {  	_ =	shalt  }
0x51: {  	_ =	shalt  }
0x52: {  	_ =	shalt  }
0x53: {  	_ =	shalt  }
0x54: {  	_ =	shalt  }
0x55: {  	_ =	shalt  }
0x56: {  	_ =	shalt  }
0x57: {  	_ =	shalt  }
0x58: {  	_ =	shalt  }
0x59: {  	_ =	shalt  }
0x5a: {  	_ =	shalt  }
0x5b: {  	_ =	shalt  }
0x5c: {  	_ =	shalt  }
0x5d: {  	_ =	shalt  }
0x5e: {  	_ =	shalt  }
0x5f: {  	_ =	shalt  }
0x60: {  	_ =	shalt  }
0x61: {  	_ =	shalt  }
0x62: {  	_ =	shalt  }
0x63: {  	_ =	shalt  }
0x64: {  	_ =	shalt  }
0x65: {  	_ =	shalt  }
0x66: {  	_ =	shalt  }
0x67: {  	_ =	shalt  }
0x68: {  	_ =	shalt  }
0x69: {  	_ =	shalt  }
0x6a: {  	_ =	shalt  }
0x6b: {  	_ =	shalt  }
0x6c: {  	_ =	shalt  }
0x6d: {  	_ =	shalt  }
0x6e: {  	_ =	shalt  }
0x6f: {  	_ =	shalt  }
0x70: {  	_ =	shalt  }
0x71: {  	_ =	shalt  }
0x72: {  	_ =	shalt  }
0x73: {  	_ =	shalt  }
0x74: {  	_ =	shalt  }
0x75: {  	_ =	shalt  }
0x76: {  	_ =	shalt  }
0x77: {  	_ =	shalt  }
0x78: {  	_ =	shalt  }
0x79: {  	_ =	shalt  }
0x7a: {  	_ =	shalt  }
0x7b: {  	_ =	shalt  }
0x7c: {  	_ =	shalt  }
0x7d: {  	_ =	shalt  }
0x7e: {  	_ =	shalt  }
0x7f: {  	_ =	shalt  }
0x80: {  	_ =	shalt  }
0x81: {  	_ =	shalt  }
0x82: {  	_ =	shalt  }
0x83: {  	_ =	shalt  }
0x84: {  	_ =	shalt  }
0x85: {  	_ =	shalt  }
0x86: {  	_ =	shalt  }
0x87: {  	_ =	shalt  }
.Lfunc_end0:
.L_simem_size_0:
called_computation.1_lowered:
.L_overlay_start_0:
0x88: {  	s2 =	sld [smem:$0x3FD9]  }
0x89: {  	s3 =	sld [smem:$0x3FFE];
	_ =	sdelay $0x1  }
0x8a: {  	s1 =	srdreg.scid  }
0x8b: {  	s0 =	sand.u32 $0x1, s1  }
0x8c: {  	s16 =	sshll.u32 s0, $0xA;
	s2 =	sadd.s32 s3, s2  }
0x8d: {  	s2 =	sadd.s32 s2, s16  }
0x8e: {  	[smem:$0x3FB0] =	sst s2  }
0x8f: {  	_ = 	snop  }
0x90: {  	(tm) =	ssettm $0x1  }
0x91: {  	s17 =	sld [smem:$0x3FFB];
	_ =	sdelay $0x3  }
0x92: {  	_ =	strace s17  }
0x93: {  	s2 =	sld [smem:$0x3FFC];
	_ =	sdelay $0x3  }
0x94: {  	_ =	strace s2  }
0x95: {  	s2 =	sld [smem:$0x3FFD];
	_ =	sdelay $0x3  }
0x96: {  	_ =	strace s2  }
0x97: {  	_ =	strace $0x8FFFFFFF  }
0x98: {  	s18 =	sld [smem:$0x3FDB];
	_ =	sdelay $0x1  }
0x99: {  	s19 =	simm.s32 $_scs_section_size  }
0x9a: {  	s4 =	simm.s32 $_size__tile_overlayer_lowered;
	s5 =	simm.s32 $_tile_overlayer_lowered  }
0x9b: {  	s22 =	simm.s32 $0x1BFF;
	s21 =	sshll.u32 s5, $0x1;
	s2 =	sadd.s32 s19, s18  }
0x9c: {  	s6 =	simm.s32 $0x0;
	s20 =	sshll.u32 s4, $0x1;
	s4 =	sadd.s32 s21, s2  }
0x9d: {  	[timem:s6], [sflag:s22] =	dma.local [hbm:s4], s20  }
0x9e: {  	_ =	swait.ge [sflag:s22], s20  }
0x9f: {  	s3 =	ssub.s32 $0x0, s20;
	[sflag:s22] =	ssyncset.done $0x0  }
0xa0: {  	[sflag:s22] =	ssyncadd.s32 s3;
	_ =	sdelay $0x1  }
0xa1: {  	s23 =	simm.s32 $0x1B8B  }
0xa2: {  	_ =	swait.ge [sflag:s23], $0x1  }
0xa3: {  	[sflag:s23] =	ssyncset.done $0x0  }
0xa4: {  	s25 =	simm.s32 $0x1B8E;
	s24 =	sld [smem:$0x3FFE];
	[sflag:s23] =	ssyncadd.s32 $0xFFFFFFFF  }
0xa5: {  	s26 =	simm.s32 $execute0_lowered;
	[smem:$0x3FD2] =	sst s25  }
0xa6: {  	s4 =	sshll.u32 s26, $0x1;
	_ =	strace $0x80000049;
	[dreg:$0x1] =	wrdreg $0xFFFFFFFF  }
0xa7: {  	s28 =	simm.s32 $_size_execute0_lowered;
	s2 =	sadd.s32 s2, s4;
	[dreg:$0x0] =	wrdreg $0x0  }
0xa8: {  	s4 =	sshll.u32 s28, $0x1;
	[dreg:$0x2] =	wrdreg s2  }
0xa9: {  	[dreg:$0x3] =	wrdreg s4  }
0xaa: {  	[dreg:$0x4] =	wrdreg $0xC0  }
0xab: {  	_ =	task [dreg:s6], $0x5FFFF  }
0xac: {  	[dreg:$0x1] =	wrdreg $0xFFFFFFFF  }
0xad: {  	[dreg:$0x0] =	wrdreg $0x60  }
0xae: {  	[dreg:$0x2] =	wrdreg s24  }
0xaf: {  	[dreg:$0x3] =	wrdreg $0xA1000  }
0xb0: {  	[dreg:$0x4] =	wrdreg $0x9  }
0xb1: {  	_ =	task.clear_ibuf [dreg:s6], $0x5FFFF;
	_ =	strace $0x90000049  }
0xb2: {  	s29 =	simm.s32 $0x9;
	_ =	strace $0x8000004B  }
0xb3: {  	_ =	swait.ge [sflag:s29], $0x1  }
0xb4: {  	[sflag:s29] =	ssyncadd.s32 $0xFFFFFFFF  }
0xb5: {  	_ =	strace $0x9000004B  }
0xb6: {  	_ =	sfence  }
0xb7: {  	s30 =	sld [smem:$0x0];
	_ =	sdelay $0x2  }
0xb8: {  	s31 =	sshll.u32 s1, $0xD;
	s1 =	sshrl.u32 s1, $0x2  }
0xb9: {  	s3 =	sand.u32 $0x4000, s31;
	s1 =	sadd.s32 s1, s30  }
0xba: {  	s0 =	sor.u32 s3, s0;
	s1 =	sshll.u32 s1, $0x11  }
0xbb: {  	s0 =	sor.u32 s1, s0  }
0xbc: {  	s0 =	sadd.s32 $0x8F2B, s0  }
0xbd: {  	[sflag:s0] =	ssyncadd.remote.s32 $0x1  }
0xbe: {  	_ =	sfence.sel $0xFFFF  }
0xbf: {  	[dreg:$0x0] =	wrdreg $0xFFFFFFFF;
	(pc) =	sbr.abs _section_cstart, $3  }
0xc0: {  	[dreg:$0x1] =	wrdreg $0xFFFFFFFF  }
0xc1: {  	_ =	task.clear_ibuf [dreg:s6], $0x2FFFF;
	_ =	strace $0x9FFFFFFF  }
0xc2: {  	(tm) =	ssettm $0x7FFFFFFF  }
0xc3: {  	_ =	shalt  }
tec
execute0_lowered:
.L_overlay_start_1:
0x0: {  	(tag) =	ssettag $0x1  }
0x1: {  	s0 =	rddreg [dreg:$0x0]  }
0x2: {  	s1 =	rddreg [dreg:$0x1];
	s11 =	simm.s32 $0x0  }
0x3: {  	s2 =	srdreg.scid;
	s3 =	stileid.u32;
	s14 =	simm.s32 $0x3  }
0x4: {  	s15 =	simm.s32 $0x80;
	s16 =	simm.s32 $0x50;
	s17 =	simm.s32 $0x100  }
0x5: {  	s18 =	simm.s32 $0x2900;
	s19 =	simm.s32 $0x3100;
	s20 =	simm.s32 $0x3900  }
0x6: {  	s28 =	simm.s32 $0x7100;
	s29 =	simm.s32 $0x1;
	s30 =	simm.s32 $0x2  }
0x7: {  	s31 =	simm.s32 $0x7900;
	[smem:$0x7FF] =	sst s11;
	s2 =	sand.u32 $0x1, s2  }
0x8: {  	s9 =	smul.u32 $0x13C00, s3;
	s4 =	sadd.s32 $0x66400, s0;
	s5 =	sadd.s32 $0x17400, s0  }
0x9: {  	s6 =	sadd.s32 $0xD600, s0;
	s7 =	sadd.s32 $0x3800, s0;
	s22 =	smul.u32 $0x4F000, s3  }
0xa: {  	s10 =	sadd.s32 $0x8DC00, s0;
	s25 =	sshll.u32 s3, $0x6;
	s8 =	smul.u32 $0x13C000, s2  }
0xb: {  	_ =	strace $0x8000004A;
	s21 =	ssub.s32 $0x2, s2;
	s2 =	sshll.u32 s2, $0x4  }
0xc: {  	[dreg:$0x4] =	wrdreg s10;
	s23 =	sshrl.u32 s21, $0x1;
	s2 =	sor.u32 s3, s2  }
0xd: {  	s10 =	sshrl.u32 s22, $0x2;
	s3 =	sor.u32 $0x1C03, s25;
	s22 =	simm.s32 $0x4900  }
0xe: {  	s25 =	simm.s32 $0x6100;
	s8 =	sadd.s32 s9, s8;
	s9 =	smul.u32 $0x2710, s2  }
0xf: {  	s24 =	sadd.s32 s10, s1;
	[dreg:$0x5] =	wrdreg s3;
	s8 =	sshrl.u32 s8, $0x3  }
0x10: {  	s2 =	sshrl.u32 s24, $0x3;
	s24 =	simm.s32 $0x5900;
	s0 =	sadd.s32 s8, s0  }
0x11: {  	v2 =	vlaneseq.u32;
	s8 =	ssub.s32 s21, s23;
	[dreg:$0x8] =	wrdreg s2;
	s0 =	sadd.s32 $0x90400, s0  }
0x12: {  	vm0 =	vmmov $0xffff;
	v1 =	vshrl.u32 v2, $0x3;
	s21 =	simm.s32 $0x4100;
	s26 =	smax.u32 s8, $0x1;
	[dreg:$0x6] =	wrdreg s0  }
0x13: {  	v0 =	vand.u32 $0x7, v2;
	v2 =	vor.u32 $0x8, v2;
	v1 =	vmul.u32 $0x8, v1;
	s23 =	simm.s32 $0x5100;
	[dreg:$0x7] =	wrdreg s26;
	s26 =	simm.s32 $0x6900  }
.LBB2_1:
0x14: {  	[dreg:$0x3] =	wrdreg s11  }
0x15: {  	s0 =	rddreg [dreg:$0x4]  }
0x16: {  	[spmem:s2], [sflag:s3] =	dma.local [hbm:s0], $0x2780  }
0x17: {  	_ =	swait.ge [sflag:s14], $0x2780  }
0x18: {  	[sflag:s14] =	ssyncset.done $0x0  }
0x19: {  	[sflag:s14] =	ssyncadd.s32 $0xFFFFD880  }
0x1a: {  	s0 =	simm.s32 $0x0;
	[bflag:$0x0] =	sbarrier.arrive $0xFFFF  }
.LBB2_2:
0x1b: {  	s2 =	smul.u32 $0x50, s0;
	_ =	sdelay $0x1  }
0x1c: {  	s2 =	sadd.s32 s9, s2  }
0x1d: {  	s8 =	sshrl.u32 s2, $0x3  }
0x1e: {  	s2 =	simm.s32 $0x0;
	s10 =	sadd.s32 s6, s8  }
0x1f: {  	[tilespmem:s2], [sflag:$0x3] =	stream.linear.gather [hbm4b:s10+s2], $0x50, $0x38;
	[tilespmem:$0x1DD00] =	vst v63  }
0x20: {  	_ =	swait.ge [sflag:s14], $0x50  }
0x21: {  	[sflag:s14] =	ssyncset.done $0x0  }
0x22: {  	s8 =	sadd.s32 s7, s8;
	[sflag:s14] =	ssyncadd.s32 $0xFFFFFFB0  }
0x23: {  	[tilespmem:s15], [sflag:$0x3] =	stream.linear.gather [hbm4b:s8+s2], $0x50, $0x38;
	[tilespmem:$0x1DD00] =	vst v63  }
0x24: {  	_ =	swait.ge [sflag:s14], $0x50  }
0x25: {  	[sflag:s14] =	ssyncset.done $0x0  }
0x26: {  	[sflag:s14] =	ssyncadd.s32 $0xFFFFFFB0  }
0x27: {  	[tilespmem:s17], [sflag:$0x1] =	stream.indirect.gather [hbm4b:s4+s16], $0x80, s2, s16, $0xb8;
	[tilespmem:$0x1DD00] =	vst v63  }
0x28: {  	v3 =	vld [tilespmem:$0x80];
	_ =	sdelay $0x4  }
0x29: {  	v4 =	vshll.u32 v3, $0x1  }
0x2a: {  	v3 =	vand.u32 $0x7, v3;
	v4 =	vand.u32 $0xFFFFFFF0, v4  }
0x2b: {  	v3 =	vor.u32 v3, v4  }
0x2c: {  	v4 =	vperm.xlane v3, v0;
	_ =	sdelay $0x1  }
0x2d: {  	v3 =	vperm.xlane v3, v2;
	v4 =	vadd.s32 v1, v4;
	_ =	sdelay $0x1  }
0x2e: {  	v3 =	vadd.s32 v1, v3;
	_ =	sdelay $0x2  }
0x2f: {  	[tilespmem:s18], [sflag:$0x2] =	stream.indirect_vreg.gather [hbm4b:s5+s2], $0x80, v4, vm0, $0xb8;
	[tilespmem:$0x1DD00] =	vst v63  }
0x30: {  	_ = 	snop  }
0x31: {  	[tilespmem:s19], [sflag:$0x2] =	stream.indirect_vreg.gather [hbm4b:s5+s2], $0x80, v3, vm0, $0xb8;
	[tilespmem:$0x1DD00] =	vst v63  }
0x32: {  	v3 =	vld [tilespmem:$0x90];
	_ =	sdelay $0x4  }
0x33: {  	v4 =	vshll.u32 v3, $0x1  }
0x34: {  	v3 =	vand.u32 $0x7, v3;
	v4 =	vand.u32 $0xFFFFFFF0, v4  }
0x35: {  	v3 =	vor.u32 v3, v4  }
0x36: {  	v4 =	vperm.xlane v3, v0;
	_ =	sdelay $0x1  }
0x37: {  	v3 =	vperm.xlane v3, v2;
	v4 =	vadd.s32 v1, v4;
	_ =	sdelay $0x1  }
0x38: {  	v3 =	vadd.s32 v1, v3;
	_ =	sdelay $0x2  }
0x39: {  	[tilespmem:s20], [sflag:$0x2] =	stream.indirect_vreg.gather [hbm4b:s5+s2], $0x80, v4, vm0, $0xb8;
	[tilespmem:$0x1DD00] =	vst v63  }
0x3a: {  	_ = 	snop  }
0x3b: {  	[tilespmem:s21], [sflag:$0x2] =	stream.indirect_vreg.gather [hbm4b:s5+s2], $0x80, v3, vm0, $0xb8;
	[tilespmem:$0x1DD00] =	vst v63  }
0x3c: {  	v3 =	vld [tilespmem:$0xA0];
	_ =	sdelay $0x4  }
0x3d: {  	v4 =	vshll.u32 v3, $0x1  }
0x3e: {  	v3 =	vand.u32 $0x7, v3;
	v4 =	vand.u32 $0xFFFFFFF0, v4  }
0x3f: {  	v3 =	vor.u32 v3, v4  }
0x40: {  	v4 =	vperm.xlane v3, v0;
	_ =	sdelay $0x1  }
0x41: {  	v3 =	vperm.xlane v3, v2;
	v4 =	vadd.s32 v1, v4;
	_ =	sdelay $0x1  }
0x42: {  	v3 =	vadd.s32 v1, v3;
	_ =	sdelay $0x2  }
0x43: {  	[tilespmem:s22], [sflag:$0x2] =	stream.indirect_vreg.gather [hbm4b:s5+s2], $0x80, v4, vm0, $0xb8;
	[tilespmem:$0x1DD00] =	vst v63  }
0x44: {  	_ = 	snop  }
0x45: {  	[tilespmem:s23], [sflag:$0x2] =	stream.indirect_vreg.gather [hbm4b:s5+s2], $0x80, v3, vm0, $0xb8;
	[tilespmem:$0x1DD00] =	vst v63  }
0x46: {  	v3 =	vld [tilespmem:$0xB0];
	_ =	sdelay $0x4  }
0x47: {  	v4 =	vshll.u32 v3, $0x1  }
0x48: {  	v3 =	vand.u32 $0x7, v3;
	v4 =	vand.u32 $0xFFFFFFF0, v4  }
0x49: {  	v3 =	vor.u32 v3, v4  }
0x4a: {  	v4 =	vperm.xlane v3, v0;
	_ =	sdelay $0x1  }
0x4b: {  	v3 =	vperm.xlane v3, v2;
	v4 =	vadd.s32 v1, v4;
	_ =	sdelay $0x1  }
0x4c: {  	v3 =	vadd.s32 v1, v3;
	_ =	sdelay $0x2  }
0x4d: {  	[tilespmem:s24], [sflag:$0x2] =	stream.indirect_vreg.gather [hbm4b:s5+s2], $0x80, v4, vm0, $0xb8;
	[tilespmem:$0x1DD00] =	vst v63  }
0x4e: {  	_ = 	snop  }
0x4f: {  	[tilespmem:s25], [sflag:$0x2] =	stream.indirect_vreg.gather [hbm4b:s5+s2], $0x80, v3, vm0, $0xb8;
	[tilespmem:$0x1DD00] =	vst v63  }
0x50: {  	v3 =	vld [tilespmem:$0xC0];
	_ =	sdelay $0x4  }
0x51: {  	v4 =	vshll.u32 v3, $0x1  }
0x52: {  	v3 =	vand.u32 $0x7, v3;
	v4 =	vand.u32 $0xFFFFFFF0, v4  }
0x53: {  	v3 =	vor.u32 v3, v4  }
0x54: {  	v4 =	vperm.xlane v3, v0;
	_ =	sdelay $0x1  }
0x55: {  	v3 =	vperm.xlane v3, v2;
	v4 =	vadd.s32 v1, v4;
	_ =	sdelay $0x1  }
0x56: {  	v3 =	vadd.s32 v1, v3;
	_ =	sdelay $0x2  }
0x57: {  	[tilespmem:s26], [sflag:$0x2] =	stream.indirect_vreg.gather [hbm4b:s5+s2], $0x80, v4, vm0, $0xb8;
	[tilespmem:$0x1DD00] =	vst v63  }
0x58: {  	_ = 	snop  }
0x59: {  	[tilespmem:s28], [sflag:$0x2] =	stream.indirect_vreg.gather [hbm4b:s5+s2], $0x80, v3, vm0, $0xb8;
	[tilespmem:$0x1DD00] =	vst v63  }
0x5a: {  	_ =	swait.ge [sflag:s29], $0x2800  }
0x5b: {  	[sflag:s29] =	ssyncset.done $0x0  }
0x5c: {  	[sflag:s29] =	ssyncadd.s32 $0xFFFFD800  }
0x5d: {  	_ =	swait.ge [sflag:s30], $0x5000  }
0x5e: {  	s12 =	sand.u32 $0x7800, s2;
	s13 =	sand.u32 $0x380, s2;
	[sflag:s30] =	ssyncset.done $0x0  }
0x5f: {  	s12 =	sor.u32 s13, s12;
	[sflag:s30] =	ssyncadd.s32 $0xFFFFB000  }
0x60: {  	s8 =	simm.s32 $0x140;
	v3 =	vld [tilespmem:s12+$0x2D00]  }
0x61: {  	v4 =	vld [tilespmem:s8+$0xFFFFFFC0];
	_ =	sdelay $0x1  }
0x62: {  	v5 =	vld [tilespmem:s12+$0x2900];
	_ =	sdelay $0x2  }
0x63: {  	v3 =	vmul.f32 v3, v4;
	_ =	sdelay $0x1  }
0x64: {  	v3 =	vadd.f32 v3, v5;
	_ =	sdelay $0x1  }
0x65: {  	s11 =	simm.s32 $0x7940;
	v3 =	vmax.f32 v3, $0.0e+00  }
0x66: {  	[tilespmem:s11+$0xFFFFFFC0] =	vst v3  }
0x67: {  	v3 =	vld [tilespmem:s8+$0xFFFFFFD0]  }
0x68: {  	v4 =	vld [tilespmem:s12+$0x2D10];
	_ =	sdelay $0x1  }
0x69: {  	v5 =	vld [tilespmem:s12+$0x2910];
	_ =	sdelay $0x2  }
0x6a: {  	v3 =	vmul.f32 v4, v3;
	_ =	sdelay $0x1  }
0x6b: {  	v3 =	vadd.f32 v3, v5;
	_ =	sdelay $0x1  }
0x6c: {  	v3 =	vmax.f32 v3, $0.0e+00  }
0x6d: {  	[tilespmem:s11+$0xFFFFFFD0] =	vst v3  }
0x6e: {  	v3 =	vld [tilespmem:s8+$0xFFFFFFE0]  }
0x6f: {  	v4 =	vld [tilespmem:s12+$0x2D20];
	_ =	sdelay $0x1  }
0x70: {  	v5 =	vld [tilespmem:s12+$0x2920];
	_ =	sdelay $0x2  }
0x71: {  	v3 =	vmul.f32 v4, v3;
	_ =	sdelay $0x1  }
0x72: {  	v3 =	vadd.f32 v3, v5;
	_ =	sdelay $0x1  }
0x73: {  	v3 =	vmax.f32 v3, $0.0e+00  }
0x74: {  	[tilespmem:s11+$0xFFFFFFE0] =	vst v3  }
0x75: {  	v3 =	vld [tilespmem:s8+$0xFFFFFFF0]  }
0x76: {  	v4 =	vld [tilespmem:s12+$0x2D30];
	_ =	sdelay $0x1  }
0x77: {  	v5 =	vld [tilespmem:s12+$0x2930];
	_ =	sdelay $0x2  }
0x78: {  	v3 =	vmul.f32 v4, v3;
	_ =	sdelay $0x1  }
0x79: {  	v3 =	vadd.f32 v3, v5;
	_ =	sdelay $0x1  }
0x7a: {  	v3 =	vmax.f32 v3, $0.0e+00  }
0x7b: {  	[tilespmem:s11+$0xFFFFFFF0] =	vst v3  }
0x7c: {  	v3 =	vld [tilespmem:s8+$0x0]  }
0x7d: {  	v4 =	vld [tilespmem:s12+$0x2D40];
	_ =	sdelay $0x1  }
0x7e: {  	v5 =	vld [tilespmem:s12+$0x2940];
	_ =	sdelay $0x2  }
0x7f: {  	v3 =	vmul.f32 v4, v3;
	_ =	sdelay $0x1  }
0x80: {  	v3 =	vadd.f32 v3, v5;
	_ =	sdelay $0x1  }
0x81: {  	v3 =	vmax.f32 v3, $0.0e+00  }
0x82: {  	[tilespmem:s11+$0x0] =	vst v3  }
0x83: {  	v3 =	vld [tilespmem:s8+$0x10]  }
0x84: {  	v4 =	vld [tilespmem:s12+$0x2D50];
	_ =	sdelay $0x1  }
0x85: {  	v5 =	vld [tilespmem:s12+$0x2950];
	_ =	sdelay $0x2  }
0x86: {  	v3 =	vmul.f32 v4, v3;
	_ =	sdelay $0x1  }
0x87: {  	v3 =	vadd.f32 v3, v5;
	_ =	sdelay $0x1  }
0x88: {  	v3 =	vmax.f32 v3, $0.0e+00  }
0x89: {  	[tilespmem:s11+$0x10] =	vst v3  }
0x8a: {  	v3 =	vld [tilespmem:s8+$0x20]  }
0x8b: {  	v4 =	vld [tilespmem:s12+$0x2D60];
	_ =	sdelay $0x1  }
0x8c: {  	v5 =	vld [tilespmem:s12+$0x2960];
	_ =	sdelay $0x2  }
0x8d: {  	v3 =	vmul.f32 v4, v3;
	_ =	sdelay $0x1  }
0x8e: {  	v3 =	vadd.f32 v3, v5;
	_ =	sdelay $0x1  }
0x8f: {  	v3 =	vmax.f32 v3, $0.0e+00  }
0x90: {  	[tilespmem:s11+$0x20] =	vst v3  }
0x91: {  	v3 =	vld [tilespmem:s8+$0x30]  }
0x92: {  	v4 =	vld [tilespmem:s12+$0x2D70]  }
0x93: {  	s10 =	simm.s32 $0x80;
	v5 =	vld [tilespmem:s12+$0x2970];
	s12 =	simm.s32 $0x7940  }
.LBB2_3:
0x94: {  	s2 =	sadd.s32 $0x100, s2;
	s8 =	sadd.s32 $0x80, s8;
	s11 =	sadd.s32 $0x80, s11  }
0x95: {  	p0 =	sne.s32 s10, $0x2780;
	s13 =	smov.u32 s10;
	s10 =	sadd.s32 $0x80, s10  }
0x96: {  	_ = 	snop  }
0x97: {  	v3 =	vmul.f32 v4, v3;
	_ =	sdelay $0x1  }
0x98: {  	v3 =	vadd.f32 v3, v5;
	_ =	sdelay $0x1  }
0x99: {  	s3 =	sand.u32 $0x7800, s2;
	s13 =	sand.u32 $0x380, s13;
	v3 =	vmax.f32 v3, $0.0e+00  }
0x9a: {  	s13 =	sor.u32 s13, s3;
	[tilespmem:s12+$0x30] =	vst v3;
	s12 =	smov.u32 s11  }
0x9b: {  	v3 =	vld [tilespmem:s13+$0x2D00]  }
0x9c: {  	v4 =	vld [tilespmem:s8+$0xFFFFFFC0]  }
0x9d: {  	v5 =	vld [tilespmem:s13+$0x2900];
	_ =	sdelay $0x3  }
0x9e: {  	v3 =	vmul.f32 v3, v4;
	_ =	sdelay $0x1  }
0x9f: {  	v3 =	vadd.f32 v3, v5;
	_ =	sdelay $0x1  }
0xa0: {  	v3 =	vmax.f32 v3, $0.0e+00  }
0xa1: {  	[tilespmem:s11+$0xFFFFFFC0] =	vst v3  }
0xa2: {  	v3 =	vld [tilespmem:s8+$0xFFFFFFD0]  }
0xa3: {  	v4 =	vld [tilespmem:s13+$0x2D10];
	_ =	sdelay $0x1  }
0xa4: {  	v5 =	vld [tilespmem:s13+$0x2910];
	_ =	sdelay $0x2  }
0xa5: {  	v3 =	vmul.f32 v4, v3;
	_ =	sdelay $0x1  }
0xa6: {  	v3 =	vadd.f32 v3, v5;
	_ =	sdelay $0x1  }
0xa7: {  	v3 =	vmax.f32 v3, $0.0e+00  }
0xa8: {  	[tilespmem:s11+$0xFFFFFFD0] =	vst v3  }
0xa9: {  	v3 =	vld [tilespmem:s8+$0xFFFFFFE0]  }
0xaa: {  	v4 =	vld [tilespmem:s13+$0x2D20];
	_ =	sdelay $0x1  }
0xab: {  	v5 =	vld [tilespmem:s13+$0x2920];
	_ =	sdelay $0x2  }
0xac: {  	v3 =	vmul.f32 v4, v3;
	_ =	sdelay $0x1  }
0xad: {  	v3 =	vadd.f32 v3, v5;
	_ =	sdelay $0x1  }
0xae: {  	v3 =	vmax.f32 v3, $0.0e+00  }
0xaf: {  	[tilespmem:s11+$0xFFFFFFE0] =	vst v3  }
0xb0: {  	v3 =	vld [tilespmem:s8+$0xFFFFFFF0]  }
0xb1: {  	v4 =	vld [tilespmem:s13+$0x2D30];
	_ =	sdelay $0x1  }
0xb2: {  	v5 =	vld [tilespmem:s13+$0x2930];
	_ =	sdelay $0x2  }
0xb3: {  	v3 =	vmul.f32 v4, v3;
	_ =	sdelay $0x1  }
0xb4: {  	v3 =	vadd.f32 v3, v5;
	_ =	sdelay $0x1  }
0xb5: {  	v3 =	vmax.f32 v3, $0.0e+00  }
0xb6: {  	[tilespmem:s11+$0xFFFFFFF0] =	vst v3  }
0xb7: {  	v3 =	vld [tilespmem:s8+$0x0]  }
0xb8: {  	v4 =	vld [tilespmem:s13+$0x2D40]  }
0xb9: {  	v5 =	vld [tilespmem:s13+$0x2940];
	_ =	sdelay $0x3  }
0xba: {  	v3 =	vmul.f32 v4, v3;
	_ =	sdelay $0x1  }
0xbb: {  	v3 =	vadd.f32 v3, v5;
	_ =	sdelay $0x1  }
0xbc: {  	v3 =	vmax.f32 v3, $0.0e+00  }
0xbd: {  	[tilespmem:s11+$0x0] =	vst v3  }
0xbe: {  	v3 =	vld [tilespmem:s8+$0x10]  }
0xbf: {  	v4 =	vld [tilespmem:s13+$0x2D50]  }
0xc0: {  	v5 =	vld [tilespmem:s13+$0x2950];
	_ =	sdelay $0x3  }
0xc1: {  	v3 =	vmul.f32 v4, v3;
	_ =	sdelay $0x1  }
0xc2: {  	v3 =	vadd.f32 v3, v5;
	_ =	sdelay $0x1  }
0xc3: {  	v3 =	vmax.f32 v3, $0.0e+00  }
0xc4: {  	[tilespmem:s11+$0x10] =	vst v3  }
0xc5: {  	v3 =	vld [tilespmem:s8+$0x20]  }
0xc6: {  	v4 =	vld [tilespmem:s13+$0x2D60]  }
0xc7: {  	v5 =	vld [tilespmem:s13+$0x2960];
	_ =	sdelay $0x3  }
0xc8: {  	v3 =	vmul.f32 v4, v3;
	_ =	sdelay $0x1  }
0xc9: {  	v3 =	vadd.f32 v3, v5;
	_ =	sdelay $0x1  }
.Ltmp0:
0xca: {  	v3 =	vmax.f32 v3, $0.0e+00;
	(pc) =	sbr.rel @p0 .LBB2_3-.Ltmp0, $4  }
0xcb: {  	[tilespmem:s11+$0x20] =	vst v3  }
0xcc: {  	v3 =	vld [tilespmem:s8+$0x30]  }
0xcd: {  	v4 =	vld [tilespmem:s13+$0x2D70]  }
0xce: {  	v5 =	vld [tilespmem:s13+$0x2970]  }
0xcf: {  	_ =	sdelay $0x2  }
0xd0: {  	v3 =	vmul.f32 v4, v3;
	_ =	sdelay $0x1  }
0xd1: {  	v3 =	vadd.f32 v3, v5  }
0xd2: {  	s0 =	sadd.s32 $0x1, s0  }
0xd3: {  	p0 =	sne.s32 s0, $0x7D;
	v3 =	vmax.f32 v3, $0.0e+00  }
.Ltmp1:
0xd4: {  	[tilespmem:s12+$0x30] =	vst v3;
	(pc) =	sbr.rel @p0 .LBB2_2-.Ltmp1, $4  }
0xd5: {  	[spmem:s1] =	stream.indirect.scatter.add.f32 [tilespmem:s31], [sflag:$0x3], $0x80, s15, s16, $0xb8;
	[tilespmem:$0x1DD00] =	vst v63  }
0xd6: {  	_ =	swait.ge [sflag:s14], $0x2800  }
0xd7: {  	[sflag:s14] =	ssyncset.done $0x0  }
0xd8: {  	[sflag:s14] =	ssyncadd.s32 $0xFFFFD800  }
0xd9: {  	[bflag:$0x0] =	sbarrier.arrive $0xFFFF  }
0xda: {  	s3 =	rddreg [dreg:$0x5]  }
0xdb: {  	s0 =	rddreg [dreg:$0x6]  }
0xdc: {  	s2 =	rddreg [dreg:$0x8]  }
0xdd: {  	[hbm:s0], [sflag:s3] =	dma.local [spmem:s2], $0x2780  }
0xde: {  	_ =	swait.ge [sflag:s14], $0x2780  }
0xdf: {  	s11 =	rddreg [dreg:$0x3]  }
0xe0: {  	s13 =	rddreg [dreg:$0x7];
	s11 =	sadd.s32 $0x1, s11  }
0xe1: {  	p0 =	sne.s32 s11, s13  }
.Ltmp2:
0xe2: {  	_ = 	snop;
	(pc) =	sbr.rel @p0 .LBB2_1-.Ltmp2, $3  }
0xe3: {  	_ =	sdelay $0x1  }
0xe4: {  	[sflag:s14] =	ssyncset.done $0x0  }
0xe5: {  	[sflag:s14] =	ssyncadd.s32 $0xFFFFD880  }
0xe6: {  	_ =	sfence.sel $0x180000  }
0xe7: {  	[bflag:$0x0] =	sbarrier.arrive $0xFFFF  }
0xe8: {  	_ =	strace $0x9000004A  }
0xe9: {  	s0 =	stileid.u32;
	[bflag:$0x2] =	sbarrier.arrive $0xFFFF  }
0xea: {  	p0 =	sne.s32 s0, $0x0;
	s0 =	rddreg [dreg:$0x2]  }
0xeb: {  	s0 =	sadd.s32 @!p0 $0x100000, s0  }
0xec: {  	[sflag:s0] =	ssyncadd.tile.s32 @!p0 $0x1;
	_ =	shalt  }
.Lfunc_end2:
_tile_overlayer_lowered:
.L_overlay_start_2:
0xed: {  	(tag) =	ssettag $0x2  }
0xee: {  	s0 =	rddreg [dreg:$0x0];
	s2 =	stileid.u32  }
0xef: {  	s1 =	rddreg [dreg:$0x1];
	p0 =	sne.s32 s2, $0x0  }
0xf0: {  	s3 =	rddreg [dreg:$0x2];
	[bflag:$0x3] =	sbarrier.arrive $0xFFFF;
	s2 =	simm.s32 @!p0 $0x1C03  }
0xf1: {  	[timem:s3], [sflag:s2] =	dma.local @!p0 [hbm:s0], s1  }
0xf2: {  	s0 =	simm.s32 @!p0 $0x3  }
0xf3: {  	_ =	swait.ge @!p0 [sflag:s0], s1  }
0xf4: {  	s1 =	ssub.s32 @!p0 $0x0, s1;
	[sflag:s0] =	ssyncset.done @!p0 $0x0  }
0xf5: {  	[sflag:s0] =	ssyncadd.s32 @!p0 s1  }
0xf6: {  	[bflag:$0x3] =	sbarrier.arrive $0xFFFF  }
0xf7: {  	_ =	shalt  }

// kernel: kernel.15.cloned.1.call-start
scs
__scs_entry_jumppad:
0x0: {  	(pc) =	sbr.rel $0x88, $3  }
0x1: {  	(tag) =	ssettag $0x0;
	lr =	simm.s32 $0x1  }
0x2: {  	[smem:$0x3F89] =	sst lr;
	_ =	strace $0xD0000000  }
0x3: {  	_ = 	snop  }
0x4: {  	_ = 	snop  }
0x5: {  	_ = 	snop  }
0x6: {  	_ = 	snop  }
0x7: {  	_ = 	snop  }
__scs_overlays_trampoline_lowered:
0x8: {  	[smem:$0x3F98] =	sst s0  }
0x9: {  	[smem:$0x3F99] =	sst s1  }
0xa: {  	[smem:$0x3F9A] =	sst s2  }
0xb: {  	[smem:$0x3F9B] =	sst s3  }
0xc: {  	[smem:$0x3F9C] =	sst s4  }
0xd: {  	[smem:$0x3F9D] =	sst s5  }
0xe: {  	[smem:$0x3F9E] =	sst s6  }
0xf: {  	[smem:$0x3F9F] =	sst s7  }
0x10: {  	[smem:$0x3FA0] =	sst s8  }
0x11: {  	[smem:$0x3FA1] =	sst s9;
	s0 =	simm.s32 @!p0 $0x0  }
0x12: {  	s1 =	sld [smem:$0x3F87];
	s0 =	simm.s32 @p0 $0x1  }
0x13: {  	[smem:$0x3FA2] =	sst s0;
	s0 =	simm.s32 @!p1 $0x0  }
0x14: {  	s2 =	sld [smem:$0x3F86];
	s0 =	simm.s32 @p1 $0x1  }
0x15: {  	[smem:$0x3FA3] =	sst s0;
	s0 =	simm.s32 @!p2 $0x0  }
0x16: {  	s3 =	sld [smem:$0x3FDB];
	s0 =	simm.s32 @p2 $0x1  }
0x17: {  	s4 =	simm.s32 $0x1BF5;
	[smem:$0x3FA5] =	sst s0  }
0x18: {  	s0 =	sld [smem:$0x3F88];
	_ =	swait.ge [sflag:s4], $0x0  }
0x19: {  	s7 =	sld [smem:$0x3F89]  }
0x1a: {  	s8 =	sadd.s32 $0xFFFFE003, lr  }
0x1b: {  	s9 =	sadd.s32 $0xFFFFFEF7, lr;
	s5 =	simm.s32 $0xFFFFFFFF;
	p2 =	slt.u32 s8, $0xFFFFF086  }
0x1c: {  	p1 =	slt.u32 s9, $0xF7A;
	s5 =	simm.s32 @!p2 $0x0  }
0x1d: {  	s5 =	simm.s32 @p1 $0x1;
	p0 =	seq.s32 s7, s2  }
0x1e: {  	s7 =	smul.u32 @!p0 $0xF7A, s2;
	p2 =	seq.s32 @!p0 s5, $0x0  }
0x1f: {  	s9 =	smul.u32 $0xF7A, s1;
	s8 =	simm.s32 @!p0 $0x1BF5;
	p2 =	por !p2, p0  }
0x20: {  	[sflag:s8] =	ssyncset.s32 @!p0 $0xFFFFF086;
	s6 =	sadd.s32 @!p0 s3, s7;
	s7 =	simm.s32 @!p0 $0x108  }
0x21: {  	s3 =	sadd.s32 s3, s9;
	s6 =	sadd.s32 @!p0 $0x88, s6;
	s7 =	simm.s32 @p2 $0x1082  }
0x22: {  	[simem:s7], [sflag:s8] =	dma.local @!p0 [hbm:s6], $0xF7A  }
0x23: {  	s9 =	sor.u32 $0xD0000000, s2;
	s6 =	simm.s32 $0x108;
	_ =	swait.ge @!p0 [sflag:s8], $0x0  }
0x24: {  	s3 =	sadd.s32 $0x88, s3;
	s6 =	simm.s32 @!p1 $0x1082;
	[sflag:s4] =	ssyncset.s32 $0xFFFFF086  }
0x25: {  	[simem:s6], [sflag:s4] =	dma.local [hbm:s3], $0xF7A  }
0x26: {  	[smem:$0x3F89] =	sst s1;
	(tag) =	ssettag s2;
	_ =	strace s9  }
0x27: {  	s1 =	sld [smem:$0x3F99]  }
0x28: {  	s2 =	sld [smem:$0x3F9A]  }
0x29: {  	s4 =	sld [smem:$0x3F9C]  }
0x2a: {  	p0 =	seq.s32 s5, $0x0;
	s5 =	sld [smem:$0x3F9D]  }
0x2b: {  	s6 =	sld [smem:$0x3F9E]  }
0x2c: {  	s7 =	sld [smem:$0x3F9F]  }
0x2d: {  	s3 =	simm.s32 $0x108;
	s8 =	sld [smem:$0x3FA0]  }
0x2e: {  	s3 =	simm.s32 @!p0 $0x1082;
	s9 =	sld [smem:$0x3FA1]  }
0x2f: {  	lr =	sadd.s32 s0, s3;
	s0 =	sld [smem:$0x3F98]  }
0x30: {  	s3 =	sld [smem:$0x3F9B]  }
0x31: {  	[smem:$0x3FA4] =	sst s10  }
0x32: {  	s10 =	sld [smem:$0x3FA2];
	_ =	sdelay $0x3  }
0x33: {  	p0 =	seq.s32 s10, $0x1;
	s10 =	sld [smem:$0x3FA4];
	_ =	sdelay $0x3  }
0x34: {  	[smem:$0x3FA4] =	sst s10  }
0x35: {  	s10 =	sld [smem:$0x3FA3];
	_ =	sdelay $0x3  }
0x36: {  	p1 =	seq.s32 s10, $0x1;
	s10 =	sld [smem:$0x3FA4];
	_ =	sdelay $0x3  }
0x37: {  	[smem:$0x3FA4] =	sst s10  }
0x38: {  	s10 =	sld [smem:$0x3FA5]  }
0x39: {  	_ = 	snop;
	(pc) =	sbr.ind lr, $3  }
0x3a: {  	_ = 	snop  }
0x3b: {  	_ = 	snop  }
0x3c: {  	p2 =	seq.s32 s10, $0x1;
	s10 =	sld [smem:$0x3FA4]  }
0x3d: {  	_ =	shalt  }
0x3e: {  	_ =	shalt  }
0x3f: {  	_ =	shalt  }
0x40: {  	_ =	shalt  }
0x41: {  	_ =	shalt  }
0x42: {  	_ =	shalt  }
0x43: {  	_ =	shalt  }
0x44: {  	_ =	shalt  }
0x45: {  	_ =	shalt  }
0x46: {  	_ =	shalt  }
0x47: {  	_ =	shalt  }
0x48: {  	_ =	shalt  }
0x49: {  	_ =	shalt  }
0x4a: {  	_ =	shalt  }
0x4b: {  	_ =	shalt  }
0x4c: {  	_ =	shalt  }
0x4d: {  	_ =	shalt  }
0x4e: {  	_ =	shalt  }
0x4f: {  	_ =	shalt  }
0x50: {  	_ =	shalt  }
0x51: {  	_ =	shalt  }
0x52: {  	_ =	shalt  }
0x53: {  	_ =	shalt  }
0x54: {  	_ =	shalt  }
0x55: {  	_ =	shalt  }
0x56: {  	_ =	shalt  }
0x57: {  	_ =	shalt  }
0x58: {  	_ =	shalt  }
0x59: {  	_ =	shalt  }
0x5a: {  	_ =	shalt  }
0x5b: {  	_ =	shalt  }
0x5c: {  	_ =	shalt  }
0x5d: {  	_ =	shalt  }
0x5e: {  	_ =	shalt  }
0x5f: {  	_ =	shalt  }
0x60: {  	_ =	shalt  }
0x61: {  	_ =	shalt  }
0x62: {  	_ =	shalt  }
0x63: {  	_ =	shalt  }
0x64: {  	_ =	shalt  }
0x65: {  	_ =	shalt  }
0x66: {  	_ =	shalt  }
0x67: {  	_ =	shalt  }
0x68: {  	_ =	shalt  }
0x69: {  	_ =	shalt  }
0x6a: {  	_ =	shalt  }
0x6b: {  	_ =	shalt  }
0x6c: {  	_ =	shalt  }
0x6d: {  	_ =	shalt  }
0x6e: {  	_ =	shalt  }
0x6f: {  	_ =	shalt  }
0x70: {  	_ =	shalt  }
0x71: {  	_ =	shalt  }
0x72: {  	_ =	shalt  }
0x73: {  	_ =	shalt  }
0x74: {  	_ =	shalt  }
0x75: {  	_ =	shalt  }
0x76: {  	_ =	shalt  }
0x77: {  	_ =	shalt  }
0x78: {  	_ =	shalt  }
0x79: {  	_ =	shalt  }
0x7a: {  	_ =	shalt  }
0x7b: {  	_ =	shalt  }
0x7c: {  	_ =	shalt  }
0x7d: {  	_ =	shalt  }
0x7e: {  	_ =	shalt  }
0x7f: {  	_ =	shalt  }
0x80: {  	_ =	shalt  }
0x81: {  	_ =	shalt  }
0x82: {  	_ =	shalt  }
0x83: {  	_ =	shalt  }
0x84: {  	_ =	shalt  }
0x85: {  	_ =	shalt  }
0x86: {  	_ =	shalt  }
0x87: {  	_ =	shalt  }
.Lfunc_end0:
.L_simem_size_0:
called_computation.2_lowered:
.L_overlay_start_0:
0x88: {  	s2 =	sld [smem:$0x3FD9]  }
0x89: {  	s3 =	sld [smem:$0x3FFE];
	_ =	sdelay $0x1  }
0x8a: {  	s1 =	srdreg.scid  }
0x8b: {  	s0 =	sand.u32 $0x1, s1  }
0x8c: {  	s16 =	sshll.u32 s0, $0xA;
	s2 =	sadd.s32 s3, s2  }
0x8d: {  	s2 =	sadd.s32 s2, s16  }
0x8e: {  	[smem:$0x3FB0] =	sst s2  }
0x8f: {  	_ = 	snop  }
0x90: {  	(tm) =	ssettm $0x1  }
0x91: {  	s17 =	sld [smem:$0x3FFB];
	_ =	sdelay $0x3  }
0x92: {  	_ =	strace s17  }
0x93: {  	s2 =	sld [smem:$0x3FFC];
	_ =	sdelay $0x3  }
0x94: {  	_ =	strace s2  }
0x95: {  	s2 =	sld [smem:$0x3FFD];
	_ =	sdelay $0x3  }
0x96: {  	_ =	strace s2  }
0x97: {  	_ =	strace $0x8FFFFFFF  }
0x98: {  	s18 =	sld [smem:$0x3FDB];
	_ =	sdelay $0x1  }
0x99: {  	s19 =	simm.s32 $_scs_section_size  }
0x9a: {  	s4 =	simm.s32 $_size__tile_overlayer_lowered;
	s5 =	simm.s32 $_tile_overlayer_lowered  }
0x9b: {  	s22 =	simm.s32 $0x1BFF;
	s21 =	sshll.u32 s5, $0x1;
	s2 =	sadd.s32 s19, s18  }
0x9c: {  	s6 =	simm.s32 $0x0;
	s20 =	sshll.u32 s4, $0x1;
	s4 =	sadd.s32 s21, s2  }
0x9d: {  	[timem:s6], [sflag:s22] =	dma.local [hbm:s4], s20  }
0x9e: {  	_ =	swait.ge [sflag:s22], s20  }
0x9f: {  	s3 =	ssub.s32 $0x0, s20;
	[sflag:s22] =	ssyncset.done $0x0  }
0xa0: {  	[sflag:s22] =	ssyncadd.s32 s3;
	_ =	sdelay $0x1  }
0xa1: {  	s23 =	simm.s32 $0x1B8B  }
0xa2: {  	_ =	swait.ge [sflag:s23], $0x1  }
0xa3: {  	[sflag:s23] =	ssyncset.done $0x0  }
0xa4: {  	s25 =	simm.s32 $0x1B8E;
	s24 =	sld [smem:$0x3FFE];
	[sflag:s23] =	ssyncadd.s32 $0xFFFFFFFF  }
0xa5: {  	s26 =	simm.s32 $execute0_lowered;
	[smem:$0x3FD2] =	sst s25  }
0xa6: {  	s4 =	sshll.u32 s26, $0x1;
	_ =	strace $0x8000004C;
	[dreg:$0x1] =	wrdreg $0xFFFFFFFF  }
0xa7: {  	s28 =	simm.s32 $_size_execute0_lowered;
	s2 =	sadd.s32 s2, s4;
	[dreg:$0x0] =	wrdreg $0x0  }
0xa8: {  	s4 =	sshll.u32 s28, $0x1;
	[dreg:$0x2] =	wrdreg s2  }
0xa9: {  	[dreg:$0x3] =	wrdreg s4  }
0xaa: {  	[dreg:$0x4] =	wrdreg $0xC0  }
0xab: {  	_ =	task [dreg:s6], $0x5FFFF  }
0xac: {  	[dreg:$0x1] =	wrdreg $0xFFFFFFFF  }
0xad: {  	[dreg:$0x0] =	wrdreg $0x60  }
0xae: {  	[dreg:$0x2] =	wrdreg s24  }
0xaf: {  	[dreg:$0x3] =	wrdreg $0xA1000  }
0xb0: {  	[dreg:$0x4] =	wrdreg $0x9  }
0xb1: {  	_ =	task.clear_ibuf [dreg:s6], $0x5FFFF;
	_ =	strace $0x9000004C  }
0xb2: {  	s29 =	simm.s32 $0x9;
	_ =	strace $0x8000004E  }
0xb3: {  	_ =	swait.ge [sflag:s29], $0x1  }
0xb4: {  	[sflag:s29] =	ssyncadd.s32 $0xFFFFFFFF  }
0xb5: {  	_ =	strace $0x9000004E  }
0xb6: {  	_ =	sfence  }
0xb7: {  	s30 =	sld [smem:$0x0];
	_ =	sdelay $0x2  }
0xb8: {  	s31 =	sshll.u32 s1, $0xD;
	s1 =	sshrl.u32 s1, $0x2  }
0xb9: {  	s3 =	sand.u32 $0x4000, s31;
	s1 =	sadd.s32 s1, s30  }
0xba: {  	s0 =	sor.u32 s3, s0;
	s1 =	sshll.u32 s1, $0x11  }
0xbb: {  	s0 =	sor.u32 s1, s0  }
0xbc: {  	s0 =	sadd.s32 $0x8F2B, s0  }
0xbd: {  	[sflag:s0] =	ssyncadd.remote.s32 $0x1  }
0xbe: {  	_ =	sfence.sel $0xFFFF  }
0xbf: {  	[dreg:$0x0] =	wrdreg $0xFFFFFFFF;
	(pc) =	sbr.abs _section_cstart, $3  }
0xc0: {  	[dreg:$0x1] =	wrdreg $0xFFFFFFFF  }
0xc1: {  	_ =	task.clear_ibuf [dreg:s6], $0x2FFFF;
	_ =	strace $0x9FFFFFFF  }
0xc2: {  	(tm) =	ssettm $0x7FFFFFFF  }
0xc3: {  	_ =	shalt  }
tec
execute0_lowered:
.L_overlay_start_1:
0x0: {  	(tag) =	ssettag $0x1  }
0x1: {  	s0 =	rddreg [dreg:$0x0]  }
0x2: {  	s1 =	rddreg [dreg:$0x1];
	s11 =	simm.s32 $0x0  }
0x3: {  	s2 =	srdreg.scid;
	s3 =	stileid.u32;
	s14 =	simm.s32 $0x3  }
0x4: {  	s15 =	simm.s32 $0x80;
	s16 =	simm.s32 $0x50;
	s17 =	simm.s32 $0x100  }
0x5: {  	s18 =	simm.s32 $0x2900;
	s19 =	simm.s32 $0x3100;
	s20 =	simm.s32 $0x3900  }
0x6: {  	s28 =	simm.s32 $0x7100;
	s29 =	simm.s32 $0x1;
	s30 =	simm.s32 $0x2  }
0x7: {  	s31 =	simm.s32 $0x7900;
	[smem:$0x7FF] =	sst s11;
	s2 =	sand.u32 $0x1, s2  }
0x8: {  	s9 =	smul.u32 $0x13C00, s3;
	s4 =	sadd.s32 $0x66400, s0;
	s5 =	sadd.s32 $0x17400, s0  }
0x9: {  	s6 =	sadd.s32 $0xD600, s0;
	s7 =	sadd.s32 $0x3800, s0;
	s22 =	smul.u32 $0x4F000, s3  }
0xa: {  	s10 =	sadd.s32 $0x8DC00, s0;
	s25 =	sshll.u32 s3, $0x6;
	s8 =	smul.u32 $0x13C000, s2  }
0xb: {  	_ =	strace $0x8000004D;
	s21 =	ssub.s32 $0x2, s2;
	s2 =	sshll.u32 s2, $0x4  }
0xc: {  	[dreg:$0x4] =	wrdreg s10;
	s23 =	sshrl.u32 s21, $0x1;
	s2 =	sor.u32 s3, s2  }
0xd: {  	s10 =	sshrl.u32 s22, $0x2;
	s3 =	sor.u32 $0x1C03, s25;
	s22 =	simm.s32 $0x4900  }
0xe: {  	s25 =	simm.s32 $0x6100;
	s8 =	sadd.s32 s9, s8;
	s9 =	smul.u32 $0x2710, s2  }
0xf: {  	s24 =	sadd.s32 s10, s1;
	[dreg:$0x5] =	wrdreg s3;
	s8 =	sshrl.u32 s8, $0x3  }
0x10: {  	s2 =	sshrl.u32 s24, $0x3;
	s24 =	simm.s32 $0x5900;
	s0 =	sadd.s32 s8, s0  }
0x11: {  	v2 =	vlaneseq.u32;
	s8 =	ssub.s32 s21, s23;
	[dreg:$0x8] =	wrdreg s2;
	s0 =	sadd.s32 $0x90400, s0  }
0x12: {  	vm0 =	vmmov $0xffff;
	v1 =	vshrl.u32 v2, $0x3;
	s21 =	simm.s32 $0x4100;
	s26 =	smax.u32 s8, $0x1;
	[dreg:$0x6] =	wrdreg s0  }
0x13: {  	v0 =	vand.u32 $0x7, v2;
	v2 =	vor.u32 $0x8, v2;
	v1 =	vmul.u32 $0x8, v1;
	s23 =	simm.s32 $0x5100;
	[dreg:$0x7] =	wrdreg s26;
	s26 =	simm.s32 $0x6900  }
.LBB2_1:
0x14: {  	[dreg:$0x3] =	wrdreg s11  }
0x15: {  	s0 =	rddreg [dreg:$0x4]  }
0x16: {  	[spmem:s2], [sflag:s3] =	dma.local [hbm:s0], $0x2780  }
0x17: {  	_ =	swait.ge [sflag:s14], $0x2780  }
0x18: {  	[sflag:s14] =	ssyncset.done $0x0  }
0x19: {  	[sflag:s14] =	ssyncadd.s32 $0xFFFFD880  }
0x1a: {  	s0 =	simm.s32 $0x0;
	[bflag:$0x0] =	sbarrier.arrive $0xFFFF  }
.LBB2_2:
0x1b: {  	s2 =	smul.u32 $0x50, s0;
	_ =	sdelay $0x1  }
0x1c: {  	s2 =	sadd.s32 s9, s2  }
0x1d: {  	s8 =	sshrl.u32 s2, $0x3  }
0x1e: {  	s2 =	simm.s32 $0x0;
	s10 =	sadd.s32 s6, s8  }
0x1f: {  	[tilespmem:s2], [sflag:$0x3] =	stream.linear.gather [hbm4b:s10+s2], $0x50, $0x38;
	[tilespmem:$0x1DD00] =	vst v63  }
0x20: {  	_ =	swait.ge [sflag:s14], $0x50  }
0x21: {  	[sflag:s14] =	ssyncset.done $0x0  }
0x22: {  	s8 =	sadd.s32 s7, s8;
	[sflag:s14] =	ssyncadd.s32 $0xFFFFFFB0  }
0x23: {  	[tilespmem:s15], [sflag:$0x3] =	stream.linear.gather [hbm4b:s8+s2], $0x50, $0x38;
	[tilespmem:$0x1DD00] =	vst v63  }
0x24: {  	_ =	swait.ge [sflag:s14], $0x50  }
0x25: {  	[sflag:s14] =	ssyncset.done $0x0  }
0x26: {  	[sflag:s14] =	ssyncadd.s32 $0xFFFFFFB0  }
0x27: {  	[tilespmem:s17], [sflag:$0x1] =	stream.indirect.gather [hbm4b:s4+s16], $0x80, s2, s16, $0xb8;
	[tilespmem:$0x1DD00] =	vst v63  }
0x28: {  	v3 =	vld [tilespmem:$0x80];
	_ =	sdelay $0x4  }
0x29: {  	v4 =	vshll.u32 v3, $0x1  }
0x2a: {  	v3 =	vand.u32 $0x7, v3;
	v4 =	vand.u32 $0xFFFFFFF0, v4  }
0x2b: {  	v3 =	vor.u32 v3, v4  }
0x2c: {  	v4 =	vperm.xlane v3, v0;
	_ =	sdelay $0x1  }
0x2d: {  	v3 =	vperm.xlane v3, v2;
	v4 =	vadd.s32 v1, v4;
	_ =	sdelay $0x1  }
0x2e: {  	v3 =	vadd.s32 v1, v3;
	_ =	sdelay $0x2  }
0x2f: {  	[tilespmem:s18], [sflag:$0x2] =	stream.indirect_vreg.gather [hbm4b:s5+s2], $0x80, v4, vm0, $0xb8;
	[tilespmem:$0x1DD00] =	vst v63  }
0x30: {  	_ = 	snop  }
0x31: {  	[tilespmem:s19], [sflag:$0x2] =	stream.indirect_vreg.gather [hbm4b:s5+s2], $0x80, v3, vm0, $0xb8;
	[tilespmem:$0x1DD00] =	vst v63  }
0x32: {  	v3 =	vld [tilespmem:$0x90];
	_ =	sdelay $0x4  }
0x33: {  	v4 =	vshll.u32 v3, $0x1  }
0x34: {  	v3 =	vand.u32 $0x7, v3;
	v4 =	vand.u32 $0xFFFFFFF0, v4  }
0x35: {  	v3 =	vor.u32 v3, v4  }
0x36: {  	v4 =	vperm.xlane v3, v0;
	_ =	sdelay $0x1  }
0x37: {  	v3 =	vperm.xlane v3, v2;
	v4 =	vadd.s32 v1, v4;
	_ =	sdelay $0x1  }
0x38: {  	v3 =	vadd.s32 v1, v3;
	_ =	sdelay $0x2  }
0x39: {  	[tilespmem:s20], [sflag:$0x2] =	stream.indirect_vreg.gather [hbm4b:s5+s2], $0x80, v4, vm0, $0xb8;
	[tilespmem:$0x1DD00] =	vst v63  }
0x3a: {  	_ = 	snop  }
0x3b: {  	[tilespmem:s21], [sflag:$0x2] =	stream.indirect_vreg.gather [hbm4b:s5+s2], $0x80, v3, vm0, $0xb8;
	[tilespmem:$0x1DD00] =	vst v63  }
0x3c: {  	v3 =	vld [tilespmem:$0xA0];
	_ =	sdelay $0x4  }
0x3d: {  	v4 =	vshll.u32 v3, $0x1  }
0x3e: {  	v3 =	vand.u32 $0x7, v3;
	v4 =	vand.u32 $0xFFFFFFF0, v4  }
0x3f: {  	v3 =	vor.u32 v3, v4  }
0x40: {  	v4 =	vperm.xlane v3, v0;
	_ =	sdelay $0x1  }
0x41: {  	v3 =	vperm.xlane v3, v2;
	v4 =	vadd.s32 v1, v4;
	_ =	sdelay $0x1  }
0x42: {  	v3 =	vadd.s32 v1, v3;
	_ =	sdelay $0x2  }
0x43: {  	[tilespmem:s22], [sflag:$0x2] =	stream.indirect_vreg.gather [hbm4b:s5+s2], $0x80, v4, vm0, $0xb8;
	[tilespmem:$0x1DD00] =	vst v63  }
0x44: {  	_ = 	snop  }
0x45: {  	[tilespmem:s23], [sflag:$0x2] =	stream.indirect_vreg.gather [hbm4b:s5+s2], $0x80, v3, vm0, $0xb8;
	[tilespmem:$0x1DD00] =	vst v63  }
0x46: {  	v3 =	vld [tilespmem:$0xB0];
	_ =	sdelay $0x4  }
0x47: {  	v4 =	vshll.u32 v3, $0x1  }
0x48: {  	v3 =	vand.u32 $0x7, v3;
	v4 =	vand.u32 $0xFFFFFFF0, v4  }
0x49: {  	v3 =	vor.u32 v3, v4  }
0x4a: {  	v4 =	vperm.xlane v3, v0;
	_ =	sdelay $0x1  }
0x4b: {  	v3 =	vperm.xlane v3, v2;
	v4 =	vadd.s32 v1, v4;
	_ =	sdelay $0x1  }
0x4c: {  	v3 =	vadd.s32 v1, v3;
	_ =	sdelay $0x2  }
0x4d: {  	[tilespmem:s24], [sflag:$0x2] =	stream.indirect_vreg.gather [hbm4b:s5+s2], $0x80, v4, vm0, $0xb8;
	[tilespmem:$0x1DD00] =	vst v63  }
0x4e: {  	_ = 	snop  }
0x4f: {  	[tilespmem:s25], [sflag:$0x2] =	stream.indirect_vreg.gather [hbm4b:s5+s2], $0x80, v3, vm0, $0xb8;
	[tilespmem:$0x1DD00] =	vst v63  }
0x50: {  	v3 =	vld [tilespmem:$0xC0];
	_ =	sdelay $0x4  }
0x51: {  	v4 =	vshll.u32 v3, $0x1  }
0x52: {  	v3 =	vand.u32 $0x7, v3;
	v4 =	vand.u32 $0xFFFFFFF0, v4  }
0x53: {  	v3 =	vor.u32 v3, v4  }
0x54: {  	v4 =	vperm.xlane v3, v0;
	_ =	sdelay $0x1  }
0x55: {  	v3 =	vperm.xlane v3, v2;
	v4 =	vadd.s32 v1, v4;
	_ =	sdelay $0x1  }
0x56: {  	v3 =	vadd.s32 v1, v3;
	_ =	sdelay $0x2  }
0x57: {  	[tilespmem:s26], [sflag:$0x2] =	stream.indirect_vreg.gather [hbm4b:s5+s2], $0x80, v4, vm0, $0xb8;
	[tilespmem:$0x1DD00] =	vst v63  }
0x58: {  	_ = 	snop  }
0x59: {  	[tilespmem:s28], [sflag:$0x2] =	stream.indirect_vreg.gather [hbm4b:s5+s2], $0x80, v3, vm0, $0xb8;
	[tilespmem:$0x1DD00] =	vst v63  }
0x5a: {  	_ =	swait.ge [sflag:s29], $0x2800  }
0x5b: {  	[sflag:s29] =	ssyncset.done $0x0  }
0x5c: {  	[sflag:s29] =	ssyncadd.s32 $0xFFFFD800  }
0x5d: {  	_ =	swait.ge [sflag:s30], $0x5000  }
0x5e: {  	s12 =	sand.u32 $0x7800, s2;
	s13 =	sand.u32 $0x380, s2;
	[sflag:s30] =	ssyncset.done $0x0  }
0x5f: {  	s12 =	sor.u32 s13, s12;
	[sflag:s30] =	ssyncadd.s32 $0xFFFFB000  }
0x60: {  	s8 =	simm.s32 $0x140;
	v3 =	vld [tilespmem:s12+$0x2D00]  }
0x61: {  	v4 =	vld [tilespmem:s8+$0xFFFFFFC0];
	_ =	sdelay $0x1  }
0x62: {  	v5 =	vld [tilespmem:s12+$0x2900];
	_ =	sdelay $0x2  }
0x63: {  	v3 =	vmul.f32 v3, v4;
	_ =	sdelay $0x1  }
0x64: {  	v3 =	vadd.f32 v3, v5;
	_ =	sdelay $0x1  }
0x65: {  	s11 =	simm.s32 $0x7940;
	v3 =	vmax.f32 v3, $0.0e+00  }
0x66: {  	[tilespmem:s11+$0xFFFFFFC0] =	vst v3  }
0x67: {  	v3 =	vld [tilespmem:s8+$0xFFFFFFD0]  }
0x68: {  	v4 =	vld [tilespmem:s12+$0x2D10];
	_ =	sdelay $0x1  }
0x69: {  	v5 =	vld [tilespmem:s12+$0x2910];
	_ =	sdelay $0x2  }
0x6a: {  	v3 =	vmul.f32 v4, v3;
	_ =	sdelay $0x1  }
0x6b: {  	v3 =	vadd.f32 v3, v5;
	_ =	sdelay $0x1  }
0x6c: {  	v3 =	vmax.f32 v3, $0.0e+00  }
0x6d: {  	[tilespmem:s11+$0xFFFFFFD0] =	vst v3  }
0x6e: {  	v3 =	vld [tilespmem:s8+$0xFFFFFFE0]  }
0x6f: {  	v4 =	vld [tilespmem:s12+$0x2D20];
	_ =	sdelay $0x1  }
0x70: {  	v5 =	vld [tilespmem:s12+$0x2920];
	_ =	sdelay $0x2  }
0x71: {  	v3 =	vmul.f32 v4, v3;
	_ =	sdelay $0x1  }
0x72: {  	v3 =	vadd.f32 v3, v5;
	_ =	sdelay $0x1  }
0x73: {  	v3 =	vmax.f32 v3, $0.0e+00  }
0x74: {  	[tilespmem:s11+$0xFFFFFFE0] =	vst v3  }
0x75: {  	v3 =	vld [tilespmem:s8+$0xFFFFFFF0]  }
0x76: {  	v4 =	vld [tilespmem:s12+$0x2D30];
	_ =	sdelay $0x1  }
0x77: {  	v5 =	vld [tilespmem:s12+$0x2930];
	_ =	sdelay $0x2  }
0x78: {  	v3 =	vmul.f32 v4, v3;
	_ =	sdelay $0x1  }
0x79: {  	v3 =	vadd.f32 v3, v5;
	_ =	sdelay $0x1  }
0x7a: {  	v3 =	vmax.f32 v3, $0.0e+00  }
0x7b: {  	[tilespmem:s11+$0xFFFFFFF0] =	vst v3  }
0x7c: {  	v3 =	vld [tilespmem:s8+$0x0]  }
0x7d: {  	v4 =	vld [tilespmem:s12+$0x2D40];
	_ =	sdelay $0x1  }
0x7e: {  	v5 =	vld [tilespmem:s12+$0x2940];
	_ =	sdelay $0x2  }
0x7f: {  	v3 =	vmul.f32 v4, v3;
	_ =	sdelay $0x1  }
0x80: {  	v3 =	vadd.f32 v3, v5;
	_ =	sdelay $0x1  }
0x81: {  	v3 =	vmax.f32 v3, $0.0e+00  }
0x82: {  	[tilespmem:s11+$0x0] =	vst v3  }
0x83: {  	v3 =	vld [tilespmem:s8+$0x10]  }
0x84: {  	v4 =	vld [tilespmem:s12+$0x2D50];
	_ =	sdelay $0x1  }
0x85: {  	v5 =	vld [tilespmem:s12+$0x2950];
	_ =	sdelay $0x2  }
0x86: {  	v3 =	vmul.f32 v4, v3;
	_ =	sdelay $0x1  }
0x87: {  	v3 =	vadd.f32 v3, v5;
	_ =	sdelay $0x1  }
0x88: {  	v3 =	vmax.f32 v3, $0.0e+00  }
0x89: {  	[tilespmem:s11+$0x10] =	vst v3  }
0x8a: {  	v3 =	vld [tilespmem:s8+$0x20]  }
0x8b: {  	v4 =	vld [tilespmem:s12+$0x2D60];
	_ =	sdelay $0x1  }
0x8c: {  	v5 =	vld [tilespmem:s12+$0x2960];
	_ =	sdelay $0x2  }
0x8d: {  	v3 =	vmul.f32 v4, v3;
	_ =	sdelay $0x1  }
0x8e: {  	v3 =	vadd.f32 v3, v5;
	_ =	sdelay $0x1  }
0x8f: {  	v3 =	vmax.f32 v3, $0.0e+00  }
0x90: {  	[tilespmem:s11+$0x20] =	vst v3  }
0x91: {  	v3 =	vld [tilespmem:s8+$0x30]  }
0x92: {  	v4 =	vld [tilespmem:s12+$0x2D70]  }
0x93: {  	s10 =	simm.s32 $0x80;
	v5 =	vld [tilespmem:s12+$0x2970];
	s12 =	simm.s32 $0x7940  }
.LBB2_3:
0x94: {  	s2 =	sadd.s32 $0x100, s2;
	s8 =	sadd.s32 $0x80, s8;
	s11 =	sadd.s32 $0x80, s11  }
0x95: {  	p0 =	sne.s32 s10, $0x2780;
	s13 =	smov.u32 s10;
	s10 =	sadd.s32 $0x80, s10  }
0x96: {  	_ = 	snop  }
0x97: {  	v3 =	vmul.f32 v4, v3;
	_ =	sdelay $0x1  }
0x98: {  	v3 =	vadd.f32 v3, v5;
	_ =	sdelay $0x1  }
0x99: {  	s3 =	sand.u32 $0x7800, s2;
	s13 =	sand.u32 $0x380, s13;
	v3 =	vmax.f32 v3, $0.0e+00  }
0x9a: {  	s13 =	sor.u32 s13, s3;
	[tilespmem:s12+$0x30] =	vst v3;
	s12 =	smov.u32 s11  }
0x9b: {  	v3 =	vld [tilespmem:s13+$0x2D00]  }
0x9c: {  	v4 =	vld [tilespmem:s8+$0xFFFFFFC0]  }
0x9d: {  	v5 =	vld [tilespmem:s13+$0x2900];
	_ =	sdelay $0x3  }
0x9e: {  	v3 =	vmul.f32 v3, v4;
	_ =	sdelay $0x1  }
0x9f: {  	v3 =	vadd.f32 v3, v5;
	_ =	sdelay $0x1  }
0xa0: {  	v3 =	vmax.f32 v3, $0.0e+00  }
0xa1: {  	[tilespmem:s11+$0xFFFFFFC0] =	vst v3  }
0xa2: {  	v3 =	vld [tilespmem:s8+$0xFFFFFFD0]  }
0xa3: {  	v4 =	vld [tilespmem:s13+$0x2D10];
	_ =	sdelay $0x1  }
0xa4: {  	v5 =	vld [tilespmem:s13+$0x2910];
	_ =	sdelay $0x2  }
0xa5: {  	v3 =	vmul.f32 v4, v3;
	_ =	sdelay $0x1  }
0xa6: {  	v3 =	vadd.f32 v3, v5;
	_ =	sdelay $0x1  }
0xa7: {  	v3 =	vmax.f32 v3, $0.0e+00  }
0xa8: {  	[tilespmem:s11+$0xFFFFFFD0] =	vst v3  }
0xa9: {  	v3 =	vld [tilespmem:s8+$0xFFFFFFE0]  }
0xaa: {  	v4 =	vld [tilespmem:s13+$0x2D20];
	_ =	sdelay $0x1  }
0xab: {  	v5 =	vld [tilespmem:s13+$0x2920];
	_ =	sdelay $0x2  }
0xac: {  	v3 =	vmul.f32 v4, v3;
	_ =	sdelay $0x1  }
0xad: {  	v3 =	vadd.f32 v3, v5;
	_ =	sdelay $0x1  }
0xae: {  	v3 =	vmax.f32 v3, $0.0e+00  }
0xaf: {  	[tilespmem:s11+$0xFFFFFFE0] =	vst v3  }
0xb0: {  	v3 =	vld [tilespmem:s8+$0xFFFFFFF0]  }
0xb1: {  	v4 =	vld [tilespmem:s13+$0x2D30];
	_ =	sdelay $0x1  }
0xb2: {  	v5 =	vld [tilespmem:s13+$0x2930];
	_ =	sdelay $0x2  }
0xb3: {  	v3 =	vmul.f32 v4, v3;
	_ =	sdelay $0x1  }
0xb4: {  	v3 =	vadd.f32 v3, v5;
	_ =	sdelay $0x1  }
0xb5: {  	v3 =	vmax.f32 v3, $0.0e+00  }
0xb6: {  	[tilespmem:s11+$0xFFFFFFF0] =	vst v3  }
0xb7: {  	v3 =	vld [tilespmem:s8+$0x0]  }
0xb8: {  	v4 =	vld [tilespmem:s13+$0x2D40]  }
0xb9: {  	v5 =	vld [tilespmem:s13+$0x2940];
	_ =	sdelay $0x3  }
0xba: {  	v3 =	vmul.f32 v4, v3;
	_ =	sdelay $0x1  }
0xbb: {  	v3 =	vadd.f32 v3, v5;
	_ =	sdelay $0x1  }
0xbc: {  	v3 =	vmax.f32 v3, $0.0e+00  }
0xbd: {  	[tilespmem:s11+$0x0] =	vst v3  }
0xbe: {  	v3 =	vld [tilespmem:s8+$0x10]  }
0xbf: {  	v4 =	vld [tilespmem:s13+$0x2D50]  }
0xc0: {  	v5 =	vld [tilespmem:s13+$0x2950];
	_ =	sdelay $0x3  }
0xc1: {  	v3 =	vmul.f32 v4, v3;
	_ =	sdelay $0x1  }
0xc2: {  	v3 =	vadd.f32 v3, v5;
	_ =	sdelay $0x1  }
0xc3: {  	v3 =	vmax.f32 v3, $0.0e+00  }
0xc4: {  	[tilespmem:s11+$0x10] =	vst v3  }
0xc5: {  	v3 =	vld [tilespmem:s8+$0x20]  }
0xc6: {  	v4 =	vld [tilespmem:s13+$0x2D60]  }
0xc7: {  	v5 =	vld [tilespmem:s13+$0x2960];
	_ =	sdelay $0x3  }
0xc8: {  	v3 =	vmul.f32 v4, v3;
	_ =	sdelay $0x1  }
0xc9: {  	v3 =	vadd.f32 v3, v5;
	_ =	sdelay $0x1  }
.Ltmp0:
0xca: {  	v3 =	vmax.f32 v3, $0.0e+00;
	(pc) =	sbr.rel @p0 .LBB2_3-.Ltmp0, $4  }
0xcb: {  	[tilespmem:s11+$0x20] =	vst v3  }
0xcc: {  	v3 =	vld [tilespmem:s8+$0x30]  }
0xcd: {  	v4 =	vld [tilespmem:s13+$0x2D70]  }
0xce: {  	v5 =	vld [tilespmem:s13+$0x2970]  }
0xcf: {  	_ =	sdelay $0x2  }
0xd0: {  	v3 =	vmul.f32 v4, v3;
	_ =	sdelay $0x1  }
0xd1: {  	v3 =	vadd.f32 v3, v5  }
0xd2: {  	s0 =	sadd.s32 $0x1, s0  }
0xd3: {  	p0 =	sne.s32 s0, $0x7D;
	v3 =	vmax.f32 v3, $0.0e+00  }
.Ltmp1:
0xd4: {  	[tilespmem:s12+$0x30] =	vst v3;
	(pc) =	sbr.rel @p0 .LBB2_2-.Ltmp1, $4  }
0xd5: {  	[spmem:s1] =	stream.indirect.scatter.add.f32 [tilespmem:s31], [sflag:$0x3], $0x80, s15, s16, $0xb8;
	[tilespmem:$0x1DD00] =	vst v63  }
0xd6: {  	_ =	swait.ge [sflag:s14], $0x2800  }
0xd7: {  	[sflag:s14] =	ssyncset.done $0x0  }
0xd8: {  	[sflag:s14] =	ssyncadd.s32 $0xFFFFD800  }
0xd9: {  	[bflag:$0x0] =	sbarrier.arrive $0xFFFF  }
0xda: {  	s3 =	rddreg [dreg:$0x5]  }
0xdb: {  	s0 =	rddreg [dreg:$0x6]  }
0xdc: {  	s2 =	rddreg [dreg:$0x8]  }
0xdd: {  	[hbm:s0], [sflag:s3] =	dma.local [spmem:s2], $0x2780  }
0xde: {  	_ =	swait.ge [sflag:s14], $0x2780  }
0xdf: {  	s11 =	rddreg [dreg:$0x3]  }
0xe0: {  	s13 =	rddreg [dreg:$0x7];
	s11 =	sadd.s32 $0x1, s11  }
0xe1: {  	p0 =	sne.s32 s11, s13  }
.Ltmp2:
0xe2: {  	_ = 	snop;
	(pc) =	sbr.rel @p0 .LBB2_1-.Ltmp2, $3  }
0xe3: {  	_ =	sdelay $0x1  }
0xe4: {  	[sflag:s14] =	ssyncset.done $0x0  }
0xe5: {  	[sflag:s14] =	ssyncadd.s32 $0xFFFFD880  }
0xe6: {  	_ =	sfence.sel $0x180000  }
0xe7: {  	[bflag:$0x0] =	sbarrier.arrive $0xFFFF  }
0xe8: {  	_ =	strace $0x9000004D  }
0xe9: {  	s0 =	stileid.u32;
	[bflag:$0x2] =	sbarrier.arrive $0xFFFF  }
0xea: {  	p0 =	sne.s32 s0, $0x0;
	s0 =	rddreg [dreg:$0x2]  }
0xeb: {  	s0 =	sadd.s32 @!p0 $0x100000, s0  }
0xec: {  	[sflag:s0] =	ssyncadd.tile.s32 @!p0 $0x1;
	_ =	shalt  }
.Lfunc_end2:
_tile_overlayer_lowered:
.L_overlay_start_2:
0xed: {  	(tag) =	ssettag $0x2  }
0xee: {  	s0 =	rddreg [dreg:$0x0];
	s2 =	stileid.u32  }
0xef: {  	s1 =	rddreg [dreg:$0x1];
	p0 =	sne.s32 s2, $0x0  }
0xf0: {  	s3 =	rddreg [dreg:$0x2];
	[bflag:$0x3] =	sbarrier.arrive $0xFFFF;
	s2 =	simm.s32 @!p0 $0x1C03  }
0xf1: {  	[timem:s3], [sflag:s2] =	dma.local @!p0 [hbm:s0], s1  }
0xf2: {  	s0 =	simm.s32 @!p0 $0x3  }
0xf3: {  	_ =	swait.ge @!p0 [sflag:s0], s1  }
0xf4: {  	s1 =	ssub.s32 @!p0 $0x0, s1;
	[sflag:s0] =	ssyncset.done @!p0 $0x0  }
0xf5: {  	[sflag:s0] =	ssyncadd.s32 @!p0 s1  }
0xf6: {  	[bflag:$0x3] =	sbarrier.arrive $0xFFFF  }
0xf7: {  	_ =	shalt  }

// kernel: kernel.9.cloned.1.call-start
scs
__scs_entry_jumppad:
0x0: {  	(pc) =	sbr.rel $0x88, $3  }
0x1: {  	(tag) =	ssettag $0x0;
	lr =	simm.s32 $0x1  }
0x2: {  	[smem:$0x3F89] =	sst lr;
	_ =	strace $0xD0000000  }
0x3: {  	_ = 	snop  }
0x4: {  	_ = 	snop  }
0x5: {  	_ = 	snop  }
0x6: {  	_ = 	snop  }
0x7: {  	_ = 	snop  }
__scs_overlays_trampoline_lowered:
0x8: {  	[smem:$0x3F98] =	sst s0  }
0x9: {  	[smem:$0x3F99] =	sst s1  }
0xa: {  	[smem:$0x3F9A] =	sst s2  }
0xb: {  	[smem:$0x3F9B] =	sst s3  }
0xc: {  	[smem:$0x3F9C] =	sst s4  }
0xd: {  	[smem:$0x3F9D] =	sst s5  }
0xe: {  	[smem:$0x3F9E] =	sst s6  }
0xf: {  	[smem:$0x3F9F] =	sst s7  }
0x10: {  	[smem:$0x3FA0] =	sst s8  }
0x11: {  	[smem:$0x3FA1] =	sst s9;
	s0 =	simm.s32 @!p0 $0x0  }
0x12: {  	s1 =	sld [smem:$0x3F87];
	s0 =	simm.s32 @p0 $0x1  }
0x13: {  	[smem:$0x3FA2] =	sst s0;
	s0 =	simm.s32 @!p1 $0x0  }
0x14: {  	s2 =	sld [smem:$0x3F86];
	s0 =	simm.s32 @p1 $0x1  }
0x15: {  	[smem:$0x3FA3] =	sst s0;
	s0 =	simm.s32 @!p2 $0x0  }
0x16: {  	s3 =	sld [smem:$0x3FDB];
	s0 =	simm.s32 @p2 $0x1  }
0x17: {  	s4 =	simm.s32 $0x1BF5;
	[smem:$0x3FA5] =	sst s0  }
0x18: {  	s0 =	sld [smem:$0x3F88];
	_ =	swait.ge [sflag:s4], $0x0  }
0x19: {  	s7 =	sld [smem:$0x3F89]  }
0x1a: {  	s8 =	sadd.s32 $0xFFFFE003, lr  }
0x1b: {  	s9 =	sadd.s32 $0xFFFFFEF7, lr;
	s5 =	simm.s32 $0xFFFFFFFF;
	p2 =	slt.u32 s8, $0xFFFFF086  }
0x1c: {  	p1 =	slt.u32 s9, $0xF7A;
	s5 =	simm.s32 @!p2 $0x0  }
0x1d: {  	s5 =	simm.s32 @p1 $0x1;
	p0 =	seq.s32 s7, s2  }
0x1e: {  	s7 =	smul.u32 @!p0 $0xF7A, s2;
	p2 =	seq.s32 @!p0 s5, $0x0  }
0x1f: {  	s9 =	smul.u32 $0xF7A, s1;
	s8 =	simm.s32 @!p0 $0x1BF5;
	p2 =	por !p2, p0  }
0x20: {  	[sflag:s8] =	ssyncset.s32 @!p0 $0xFFFFF086;
	s6 =	sadd.s32 @!p0 s3, s7;
	s7 =	simm.s32 @!p0 $0x108  }
0x21: {  	s3 =	sadd.s32 s3, s9;
	s6 =	sadd.s32 @!p0 $0x88, s6;
	s7 =	simm.s32 @p2 $0x1082  }
0x22: {  	[simem:s7], [sflag:s8] =	dma.local @!p0 [hbm:s6], $0xF7A  }
0x23: {  	s9 =	sor.u32 $0xD0000000, s2;
	s6 =	simm.s32 $0x108;
	_ =	swait.ge @!p0 [sflag:s8], $0x0  }
0x24: {  	s3 =	sadd.s32 $0x88, s3;
	s6 =	simm.s32 @!p1 $0x1082;
	[sflag:s4] =	ssyncset.s32 $0xFFFFF086  }
0x25: {  	[simem:s6], [sflag:s4] =	dma.local [hbm:s3], $0xF7A  }
0x26: {  	[smem:$0x3F89] =	sst s1;
	(tag) =	ssettag s2;
	_ =	strace s9  }
0x27: {  	s1 =	sld [smem:$0x3F99]  }
0x28: {  	s2 =	sld [smem:$0x3F9A]  }
0x29: {  	s4 =	sld [smem:$0x3F9C]  }
0x2a: {  	p0 =	seq.s32 s5, $0x0;
	s5 =	sld [smem:$0x3F9D]  }
0x2b: {  	s6 =	sld [smem:$0x3F9E]  }
0x2c: {  	s7 =	sld [smem:$0x3F9F]  }
0x2d: {  	s3 =	simm.s32 $0x108;
	s8 =	sld [smem:$0x3FA0]  }
0x2e: {  	s3 =	simm.s32 @!p0 $0x1082;
	s9 =	sld [smem:$0x3FA1]  }
0x2f: {  	lr =	sadd.s32 s0, s3;
	s0 =	sld [smem:$0x3F98]  }
0x30: {  	s3 =	sld [smem:$0x3F9B]  }
0x31: {  	[smem:$0x3FA4] =	sst s10  }
0x32: {  	s10 =	sld [smem:$0x3FA2];
	_ =	sdelay $0x3  }
0x33: {  	p0 =	seq.s32 s10, $0x1;
	s10 =	sld [smem:$0x3FA4];
	_ =	sdelay $0x3  }
0x34: {  	[smem:$0x3FA4] =	sst s10  }
0x35: {  	s10 =	sld [smem:$0x3FA3];
	_ =	sdelay $0x3  }
0x36: {  	p1 =	seq.s32 s10, $0x1;
	s10 =	sld [smem:$0x3FA4];
	_ =	sdelay $0x3  }
0x37: {  	[smem:$0x3FA4] =	sst s10  }
0x38: {  	s10 =	sld [smem:$0x3FA5]  }
0x39: {  	_ = 	snop;
	(pc) =	sbr.ind lr, $3  }
0x3a: {  	_ = 	snop  }
0x3b: {  	_ = 	snop  }
0x3c: {  	p2 =	seq.s32 s10, $0x1;
	s10 =	sld [smem:$0x3FA4]  }
0x3d: {  	_ =	shalt  }
0x3e: {  	_ =	shalt  }
0x3f: {  	_ =	shalt  }
0x40: {  	_ =	shalt  }
0x41: {  	_ =	shalt  }
0x42: {  	_ =	shalt  }
0x43: {  	_ =	shalt  }
0x44: {  	_ =	shalt  }
0x45: {  	_ =	shalt  }
0x46: {  	_ =	shalt  }
0x47: {  	_ =	shalt  }
0x48: {  	_ =	shalt  }
0x49: {  	_ =	shalt  }
0x4a: {  	_ =	shalt  }
0x4b: {  	_ =	shalt  }
0x4c: {  	_ =	shalt  }
0x4d: {  	_ =	shalt  }
0x4e: {  	_ =	shalt  }
0x4f: {  	_ =	shalt  }
0x50: {  	_ =	shalt  }
0x51: {  	_ =	shalt  }
0x52: {  	_ =	shalt  }
0x53: {  	_ =	shalt  }
0x54: {  	_ =	shalt  }
0x55: {  	_ =	shalt  }
0x56: {  	_ =	shalt  }
0x57: {  	_ =	shalt  }
0x58: {  	_ =	shalt  }
0x59: {  	_ =	shalt  }
0x5a: {  	_ =	shalt  }
0x5b: {  	_ =	shalt  }
0x5c: {  	_ =	shalt  }
0x5d: {  	_ =	shalt  }
0x5e: {  	_ =	shalt  }
0x5f: {  	_ =	shalt  }
0x60: {  	_ =	shalt  }
0x61: {  	_ =	shalt  }
0x62: {  	_ =	shalt  }
0x63: {  	_ =	shalt  }
0x64: {  	_ =	shalt  }
0x65: {  	_ =	shalt  }
0x66: {  	_ =	shalt  }
0x67: {  	_ =	shalt  }
0x68: {  	_ =	shalt  }
0x69: {  	_ =	shalt  }
0x6a: {  	_ =	shalt  }
0x6b: {  	_ =	shalt  }
0x6c: {  	_ =	shalt  }
0x6d: {  	_ =	shalt  }
0x6e: {  	_ =	shalt  }
0x6f: {  	_ =	shalt  }
0x70: {  	_ =	shalt  }
0x71: {  	_ =	shalt  }
0x72: {  	_ =	shalt  }
0x73: {  	_ =	shalt  }
0x74: {  	_ =	shalt  }
0x75: {  	_ =	shalt  }
0x76: {  	_ =	shalt  }
0x77: {  	_ =	shalt  }
0x78: {  	_ =	shalt  }
0x79: {  	_ =	shalt  }
0x7a: {  	_ =	shalt  }
0x7b: {  	_ =	shalt  }
0x7c: {  	_ =	shalt  }
0x7d: {  	_ =	shalt  }
0x7e: {  	_ =	shalt  }
0x7f: {  	_ =	shalt  }
0x80: {  	_ =	shalt  }
0x81: {  	_ =	shalt  }
0x82: {  	_ =	shalt  }
0x83: {  	_ =	shalt  }
0x84: {  	_ =	shalt  }
0x85: {  	_ =	shalt  }
0x86: {  	_ =	shalt  }
0x87: {  	_ =	shalt  }
.Lfunc_end0:
.L_simem_size_0:
called_computation_lowered:
.L_overlay_start_0:
0x88: {  	s2 =	sld [smem:$0x3FD9]  }
0x89: {  	s3 =	sld [smem:$0x3FFE];
	_ =	sdelay $0x1  }
0x8a: {  	s1 =	srdreg.scid  }
0x8b: {  	s0 =	sand.u32 $0x1, s1  }
0x8c: {  	s16 =	sshll.u32 s0, $0xA;
	s2 =	sadd.s32 s3, s2  }
0x8d: {  	s2 =	sadd.s32 s2, s16  }
0x8e: {  	[smem:$0x3FB0] =	sst s2  }
0x8f: {  	_ = 	snop  }
0x90: {  	(tm) =	ssettm $0x1  }
0x91: {  	s17 =	sld [smem:$0x3FFB];
	_ =	sdelay $0x3  }
0x92: {  	_ =	strace s17  }
0x93: {  	s2 =	sld [smem:$0x3FFC];
	_ =	sdelay $0x3  }
0x94: {  	_ =	strace s2  }
0x95: {  	s2 =	sld [smem:$0x3FFD];
	_ =	sdelay $0x3  }
0x96: {  	_ =	strace s2  }
0x97: {  	_ =	strace $0x8FFFFFFF  }
0x98: {  	s18 =	sld [smem:$0x3FDB];
	_ =	sdelay $0x1  }
0x99: {  	s19 =	simm.s32 $_scs_section_size  }
0x9a: {  	s4 =	simm.s32 $_size__tile_overlayer_lowered;
	s5 =	simm.s32 $_tile_overlayer_lowered  }
0x9b: {  	s22 =	simm.s32 $0x1BFF;
	s21 =	sshll.u32 s5, $0x1;
	s2 =	sadd.s32 s19, s18  }
0x9c: {  	s6 =	simm.s32 $0x0;
	s20 =	sshll.u32 s4, $0x1;
	s4 =	sadd.s32 s21, s2  }
0x9d: {  	[timem:s6], [sflag:s22] =	dma.local [hbm:s4], s20  }
0x9e: {  	_ =	swait.ge [sflag:s22], s20  }
0x9f: {  	s3 =	ssub.s32 $0x0, s20;
	[sflag:s22] =	ssyncset.done $0x0  }
0xa0: {  	[sflag:s22] =	ssyncadd.s32 s3;
	_ =	sdelay $0x1  }
0xa1: {  	s23 =	simm.s32 $0x1B8B  }
0xa2: {  	_ =	swait.ge [sflag:s23], $0x1  }
0xa3: {  	[sflag:s23] =	ssyncset.done $0x0  }
0xa4: {  	s25 =	simm.s32 $0x1B8E;
	s24 =	sld [smem:$0x3FFE];
	[sflag:s23] =	ssyncadd.s32 $0xFFFFFFFF  }
0xa5: {  	s26 =	simm.s32 $execute0_lowered;
	[smem:$0x3FD2] =	sst s25  }
0xa6: {  	s4 =	sshll.u32 s26, $0x1;
	_ =	strace $0x80000046;
	[dreg:$0x1] =	wrdreg $0xFFFFFFFF  }
0xa7: {  	s28 =	simm.s32 $_size_execute0_lowered;
	s2 =	sadd.s32 s2, s4;
	[dreg:$0x0] =	wrdreg $0x0  }
0xa8: {  	s4 =	sshll.u32 s28, $0x1;
	[dreg:$0x2] =	wrdreg s2  }
0xa9: {  	[dreg:$0x3] =	wrdreg s4  }
0xaa: {  	[dreg:$0x4] =	wrdreg $0xC0  }
0xab: {  	_ =	task [dreg:s6], $0x5FFFF  }
0xac: {  	[dreg:$0x1] =	wrdreg $0xFFFFFFFF  }
0xad: {  	[dreg:$0x0] =	wrdreg $0x60  }
0xae: {  	[dreg:$0x2] =	wrdreg s24  }
0xaf: {  	[dreg:$0x3] =	wrdreg $0xA1000  }
0xb0: {  	[dreg:$0x4] =	wrdreg $0x9  }
0xb1: {  	_ =	task.clear_ibuf [dreg:s6], $0x5FFFF;
	_ =	strace $0x90000046  }
0xb2: {  	s29 =	simm.s32 $0x9;
	_ =	strace $0x80000048  }
0xb3: {  	_ =	swait.ge [sflag:s29], $0x1  }
0xb4: {  	[sflag:s29] =	ssyncadd.s32 $0xFFFFFFFF  }
0xb5: {  	_ =	strace $0x90000048  }
0xb6: {  	_ =	sfence  }
0xb7: {  	s30 =	sld [smem:$0x0];
	_ =	sdelay $0x2  }
0xb8: {  	s31 =	sshll.u32 s1, $0xD;
	s1 =	sshrl.u32 s1, $0x2  }
0xb9: {  	s3 =	sand.u32 $0x4000, s31;
	s1 =	sadd.s32 s1, s30  }
0xba: {  	s0 =	sor.u32 s3, s0;
	s1 =	sshll.u32 s1, $0x11  }
0xbb: {  	s0 =	sor.u32 s1, s0  }
0xbc: {  	s0 =	sadd.s32 $0x8F2B, s0  }
0xbd: {  	[sflag:s0] =	ssyncadd.remote.s32 $0x1  }
0xbe: {  	_ =	sfence.sel $0xFFFF  }
0xbf: {  	[dreg:$0x0] =	wrdreg $0xFFFFFFFF;
	(pc) =	sbr.abs _section_cstart, $3  }
0xc0: {  	[dreg:$0x1] =	wrdreg $0xFFFFFFFF  }
0xc1: {  	_ =	task.clear_ibuf [dreg:s6], $0x2FFFF;
	_ =	strace $0x9FFFFFFF  }
0xc2: {  	(tm) =	ssettm $0x7FFFFFFF  }
0xc3: {  	_ =	shalt  }
tec
execute0_lowered:
.L_overlay_start_1:
0x0: {  	(tag) =	ssettag $0x1  }
0x1: {  	s0 =	rddreg [dreg:$0x0]  }
0x2: {  	s1 =	rddreg [dreg:$0x1]  }
0x3: {  	s2 =	srdreg.scid;
	s3 =	simm.s32 $0x0;
	s12 =	stileid.u32  }
0x4: {  	s16 =	simm.s32 $0x3;
	s17 =	simm.s32 $0x80;
	s18 =	simm.s32 $0x50  }
0x5: {  	s19 =	simm.s32 $0x7900;
	s28 =	simm.s32 $0x5900;
	s29 =	simm.s32 $0x6100  }
0x6: {  	s30 =	simm.s32 $0x6900;
	s31 =	simm.s32 $0x7100;
	s8 =	smul.u32 $0x13C00, s12  }
0x7: {  	s2 =	sand.u32 $0x1, s2;
	[smem:$0x7FF] =	sst s3;
	s10 =	smul.u32 $0x4F000, s12  }
0x8: {  	s4 =	sadd.s32 $0x66400, s0;
	s5 =	sadd.s32 $0x17400, s0;
	s23 =	smul.u32 $0x2710, s12  }
0x9: {  	s6 =	sadd.s32 $0xD600, s0;
	s13 =	sadd.s32 $0x8DC00, s0;
	s7 =	smul.u32 $0x13C000, s2  }
0xa: {  	_ =	strace $0x80000047;
	s21 =	ssub.s32 $0x2, s2;
	s11 =	sshll.u32 s2, $0x4  }
0xb: {  	s2 =	smul.u32 $0x27100, s2;
	[dreg:$0x3] =	wrdreg s13;
	s9 =	sshrl.u32 s21, $0x1  }
0xc: {  	s22 =	sor.u32 s12, s11;
	s10 =	sshrl.u32 s10, $0x2;
	s12 =	sshll.u32 s12, $0x6  }
0xd: {  	s8 =	sadd.s32 s8, s7;
	s7 =	sadd.s32 $0x3800, s0;
	s10 =	sadd.s32 s10, s1  }
0xe: {  	s15 =	sor.u32 $0x1C03, s12;
	s2 =	sadd.s32 s23, s2;
	s23 =	simm.s32 $0x3900  }
0xf: {  	s8 =	sshrl.u32 s8, $0x3;
	s25 =	sshrl.u32 s2, $0x3;
	s20 =	sshrl.u32 s10, $0x3  }
0x10: {  	s2 =	simm.s32 $0x2;
	[dreg:$0x4] =	wrdreg s15;
	s0 =	sadd.s32 s8, s0  }
0x11: {  	s10 =	simm.s32 $0x0;
	[dreg:$0x8] =	wrdreg s20;
	s24 =	sadd.s32 $0xDF400, s0  }
0x12: {  	s8 =	ssub.s32 s21, s9;
	s0 =	sadd.s32 $0x90400, s0;
	[dreg:$0x5] =	wrdreg s24  }
0x13: {  	v3 =	vlaneseq.u32;
	s9 =	smul.u32 $0x2710, s22;
	s26 =	smax.u32 s8, $0x1;
	[dreg:$0x6] =	wrdreg s0  }
0x14: {  	v0 =	vimm.f32 $1.000000000e+00;
	vm0 =	vmmov $0xffff;
	v2 =	vshrl.u32 v3, $0x3;
	s14 =	sadd.s32 s25, s7;
	s25 =	simm.s32 $0x4900;
	[dreg:$0x7] =	wrdreg s26  }
0x15: {  	v1 =	vand.u32 $0x7, v3;
	v3 =	vor.u32 $0x8, v3;
	v2 =	vmul.u32 $0x8, v2;
	s24 =	simm.s32 $0x4100;
	s26 =	simm.s32 $0x5100;
	s0 =	simm.s32 $0x1  }
.LBB2_1:
0x16: {  	[dreg:$0x9] =	wrdreg s10  }
0x17: {  	[spmem:s20], [sflag:s15] =	dma.local [hbm:s13], $0x2780  }
0x18: {  	_ =	swait.ge [sflag:s16], $0x2780  }
0x19: {  	[sflag:s16] =	ssyncset.done $0x0  }
0x1a: {  	s8 =	simm.s32 $0x0;
	s10 =	simm.s32 $0x200;
	[sflag:s16] =	ssyncadd.s32 $0xFFFFD880  }
.LBB2_2:
0x1b: {  	p0 =	sne.s32 s10, $0x9E00;
	[tilespmem:s8+$0x7970] =	vst v0  }
0x1c: {  	[tilespmem:s8+$0x7900] =	vst v0  }
0x1d: {  	[tilespmem:s8+$0x7910] =	vst v0  }
.Ltmp0:
0x1e: {  	[tilespmem:s8+$0x7920] =	vst v0;
	(pc) =	sbr.rel @p0 .LBB2_2-.Ltmp0, $4  }
0x1f: {  	[tilespmem:s8+$0x7930] =	vst v0  }
0x20: {  	[tilespmem:s8+$0x7940] =	vst v0  }
0x21: {  	[tilespmem:s8+$0x7950] =	vst v0  }
0x22: {  	[tilespmem:s8+$0x7960] =	vst v0;
	s8 =	sshra.s32 s10, $0x2;
	s10 =	sadd.s32 $0x200, s10  }
0x23: {  	[tilespmem:s8+$0x7970] =	vst v0  }
0x24: {  	[tilespmem:s8+$0x7900] =	vst v0  }
0x25: {  	[tilespmem:s8+$0x7910] =	vst v0  }
0x26: {  	[tilespmem:s8+$0x7920] =	vst v0  }
0x27: {  	[tilespmem:s8+$0x7930] =	vst v0  }
0x28: {  	[tilespmem:s8+$0x7940] =	vst v0  }
0x29: {  	[tilespmem:s8+$0x7950] =	vst v0  }
0x2a: {  	[tilespmem:s8+$0x7960] =	vst v0  }
0x2b: {  	s22 =	sadd.s32 $0x0, s14;
	[bflag:$0x0] =	sbarrier.arrive $0xFFFF  }
0x2c: {  	[tilespmem:s17], [sflag:$0x3] =	stream.linear.gather [hbm4b:s22+s3], $0x50, $0x38;
	[tilespmem:$0x1DD00] =	vst v63  }
0x2d: {  	_ =	swait.ge [sflag:s16], $0x50  }
0x2e: {  	[sflag:s16] =	ssyncset.done $0x0  }
0x2f: {  	[sflag:s16] =	ssyncadd.s32 $0xFFFFFFB0  }
0x30: {  	[spmem:s1] =	stream.indirect.scatter.add.f32 [tilespmem:s19], [sflag:$0x3], $0x80, s17, s18, $0xb8;
	[tilespmem:$0x1DD00] =	vst v63  }
0x31: {  	_ =	swait.ge [sflag:s16], $0x2800  }
0x32: {  	s8 =	simm.s32 $0xA;
	s10 =	simm.s32 $0x14;
	[sflag:s16] =	ssyncset.done $0x0  }
.LBB2_4:
0x33: {  	s11 =	sadd.s32 s8, s14  }
0x34: {  	[sflag:s16] =	ssyncadd.s32 $0xFFFFD800;
	s8 =	smov.u32 s10;
	s12 =	sadd.s32 $0xA, s10  }
0x35: {  	[tilespmem:s17], [sflag:$0x3] =	stream.linear.gather [hbm4b:s11+s3], $0x50, $0x38;
	[tilespmem:$0x1DD00] =	vst v63  }
0x36: {  	p0 =	sne.s32 s10, $0x4D8;
	_ =	swait.ge [sflag:s16], $0x50  }
.Ltmp1:
0x37: {  	[sflag:s16] =	ssyncset.done $0x0;
	(pc) =	sbr.rel @p0 .LBB2_4-.Ltmp1, $4  }
0x38: {  	[sflag:s16] =	ssyncadd.s32 $0xFFFFFFB0  }
0x39: {  	[spmem:s1] =	stream.indirect.scatter.add.f32 [tilespmem:s19], [sflag:$0x3], $0x80, s17, s18, $0xb8;
	[tilespmem:$0x1DD00] =	vst v63  }
0x3a: {  	_ =	swait.ge [sflag:s16], $0x2800  }
0x3b: {  	s10 =	smov.u32 s12;
	[sflag:s16] =	ssyncset.done $0x0  }
0x3c: {  	s8 =	sadd.s32 s8, s14;
	[sflag:s16] =	ssyncadd.s32 $0xFFFFD800  }
0x3d: {  	[tilespmem:s17], [sflag:$0x3] =	stream.linear.gather [hbm4b:s8+s3], $0x50, $0x38;
	[tilespmem:$0x1DD00] =	vst v63  }
0x3e: {  	_ =	swait.ge [sflag:s16], $0x50  }
0x3f: {  	[sflag:s16] =	ssyncset.done $0x0  }
0x40: {  	[sflag:s16] =	ssyncadd.s32 $0xFFFFFFB0  }
0x41: {  	[spmem:s1] =	stream.indirect.scatter.add.f32 [tilespmem:s19], [sflag:$0x3], $0x80, s17, s18, $0xb8;
	[tilespmem:$0x1DD00] =	vst v63  }
0x42: {  	_ =	swait.ge [sflag:s16], $0x2800  }
0x43: {  	[sflag:s16] =	ssyncset.done $0x0  }
0x44: {  	[sflag:s16] =	ssyncadd.s32 $0xFFFFD800  }
0x45: {  	[bflag:$0x0] =	sbarrier.arrive $0xFFFF  }
0x46: {  	s22 =	rddreg [dreg:$0x5]  }
0x47: {  	[hbm:s22], [sflag:s15] =	dma.local [spmem:s20], $0x2780  }
0x48: {  	_ =	swait.ge [sflag:s16], $0x2780  }
0x49: {  	[sflag:s16] =	ssyncset.done $0x0  }
0x4a: {  	[sflag:s16] =	ssyncadd.s32 $0xFFFFD880  }
0x4b: {  	[bflag:$0x0] =	sbarrier.arrive $0xFFFF  }
0x4c: {  	[spmem:s20], [sflag:s15] =	dma.local [hbm:s13], $0x2780  }
0x4d: {  	_ =	swait.ge [sflag:s16], $0x2780  }
0x4e: {  	[sflag:s16] =	ssyncset.done $0x0  }
0x4f: {  	[sflag:s16] =	ssyncadd.s32 $0xFFFFD880  }
0x50: {  	s12 =	simm.s32 $0x0;
	s13 =	simm.s32 $0x0;
	[bflag:$0x0] =	sbarrier.arrive $0xFFFF  }
.LBB2_6:
0x51: {  	s8 =	smul.u32 $0x50, s13;
	_ =	sdelay $0x1  }
0x52: {  	s8 =	sadd.s32 s9, s8  }
0x53: {  	s8 =	sshrl.u32 s8, $0x3  }
0x54: {  	s10 =	sadd.s32 s6, s8  }
0x55: {  	[tilespmem:s12], [sflag:$0x3] =	stream.linear.gather [hbm4b:s10+s12], $0x50, $0x38;
	[tilespmem:$0x1DD00] =	vst v63  }
0x56: {  	_ =	swait.ge [sflag:s16], $0x50  }
0x57: {  	[sflag:s16] =	ssyncset.done $0x0  }
0x58: {  	s8 =	sadd.s32 s7, s8;
	[sflag:s16] =	ssyncadd.s32 $0xFFFFFFB0  }
0x59: {  	[tilespmem:s17], [sflag:$0x3] =	stream.linear.gather [hbm4b:s8+s12], $0x50, $0x38;
	[tilespmem:$0x1DD00] =	vst v63  }
0x5a: {  	_ =	swait.ge [sflag:s16], $0x50  }
0x5b: {  	[sflag:s16] =	ssyncset.done $0x0  }
0x5c: {  	s11 =	simm.s32 $0x100;
	[sflag:s16] =	ssyncadd.s32 $0xFFFFFFB0  }
0x5d: {  	[tilespmem:s11], [sflag:$0x1] =	stream.indirect.gather [hbm4b:s4+s18], $0x80, s12, s18, $0xb8;
	[tilespmem:$0x1DD00] =	vst v63  }
0x5e: {  	v4 =	vld [tilespmem:$0x80];
	_ =	sdelay $0x4  }
0x5f: {  	v5 =	vshll.u32 v4, $0x1  }
0x60: {  	v4 =	vand.u32 $0x7, v4;
	v5 =	vand.u32 $0xFFFFFFF0, v5  }
0x61: {  	v4 =	vor.u32 v4, v5  }
0x62: {  	v5 =	vperm.xlane v4, v1;
	_ =	sdelay $0x1  }
0x63: {  	v4 =	vperm.xlane v4, v3;
	v5 =	vadd.s32 v2, v5;
	_ =	sdelay $0x1  }
0x64: {  	v4 =	vadd.s32 v2, v4;
	_ =	sdelay $0x1  }
0x65: {  	s15 =	simm.s32 $0x2900  }
0x66: {  	[tilespmem:s15], [sflag:$0x2] =	stream.indirect_vreg.gather [hbm4b:s5+s12], $0x80, v5, vm0, $0xb8;
	[tilespmem:$0x1DD00] =	vst v63  }
0x67: {  	s20 =	simm.s32 $0x3100  }
0x68: {  	[tilespmem:s20], [sflag:$0x2] =	stream.indirect_vreg.gather [hbm4b:s5+s12], $0x80, v4, vm0, $0xb8;
	[tilespmem:$0x1DD00] =	vst v63  }
0x69: {  	v4 =	vld [tilespmem:$0x90];
	_ =	sdelay $0x4  }
0x6a: {  	v5 =	vshll.u32 v4, $0x1  }
0x6b: {  	v4 =	vand.u32 $0x7, v4;
	v5 =	vand.u32 $0xFFFFFFF0, v5  }
0x6c: {  	v4 =	vor.u32 v4, v5  }
0x6d: {  	v5 =	vperm.xlane v4, v1;
	_ =	sdelay $0x1  }
0x6e: {  	v4 =	vperm.xlane v4, v3;
	v5 =	vadd.s32 v2, v5;
	_ =	sdelay $0x1  }
0x6f: {  	v4 =	vadd.s32 v2, v4;
	_ =	sdelay $0x2  }
0x70: {  	[tilespmem:s23], [sflag:$0x2] =	stream.indirect_vreg.gather [hbm4b:s5+s12], $0x80, v5, vm0, $0xb8;
	[tilespmem:$0x1DD00] =	vst v63  }
0x71: {  	_ = 	snop  }
0x72: {  	[tilespmem:s24], [sflag:$0x2] =	stream.indirect_vreg.gather [hbm4b:s5+s12], $0x80, v4, vm0, $0xb8;
	[tilespmem:$0x1DD00] =	vst v63  }
0x73: {  	v4 =	vld [tilespmem:$0xA0];
	_ =	sdelay $0x4  }
0x74: {  	v5 =	vshll.u32 v4, $0x1  }
0x75: {  	v4 =	vand.u32 $0x7, v4;
	v5 =	vand.u32 $0xFFFFFFF0, v5  }
0x76: {  	v4 =	vor.u32 v4, v5  }
0x77: {  	v5 =	vperm.xlane v4, v1;
	_ =	sdelay $0x1  }
0x78: {  	v4 =	vperm.xlane v4, v3;
	v5 =	vadd.s32 v2, v5;
	_ =	sdelay $0x1  }
0x79: {  	v4 =	vadd.s32 v2, v4;
	_ =	sdelay $0x2  }
0x7a: {  	[tilespmem:s25], [sflag:$0x2] =	stream.indirect_vreg.gather [hbm4b:s5+s12], $0x80, v5, vm0, $0xb8;
	[tilespmem:$0x1DD00] =	vst v63  }
0x7b: {  	_ = 	snop  }
0x7c: {  	[tilespmem:s26], [sflag:$0x2] =	stream.indirect_vreg.gather [hbm4b:s5+s12], $0x80, v4, vm0, $0xb8;
	[tilespmem:$0x1DD00] =	vst v63  }
0x7d: {  	v4 =	vld [tilespmem:$0xB0];
	_ =	sdelay $0x4  }
0x7e: {  	v5 =	vshll.u32 v4, $0x1  }
0x7f: {  	v4 =	vand.u32 $0x7, v4;
	v5 =	vand.u32 $0xFFFFFFF0, v5  }
0x80: {  	v4 =	vor.u32 v4, v5  }
0x81: {  	v5 =	vperm.xlane v4, v1;
	_ =	sdelay $0x1  }
0x82: {  	v4 =	vperm.xlane v4, v3;
	v5 =	vadd.s32 v2, v5;
	_ =	sdelay $0x1  }
0x83: {  	v4 =	vadd.s32 v2, v4;
	_ =	sdelay $0x2  }
0x84: {  	[tilespmem:s28], [sflag:$0x2] =	stream.indirect_vreg.gather [hbm4b:s5+s12], $0x80, v5, vm0, $0xb8;
	[tilespmem:$0x1DD00] =	vst v63  }
0x85: {  	_ = 	snop  }
0x86: {  	[tilespmem:s29], [sflag:$0x2] =	stream.indirect_vreg.gather [hbm4b:s5+s12], $0x80, v4, vm0, $0xb8;
	[tilespmem:$0x1DD00] =	vst v63  }
0x87: {  	v4 =	vld [tilespmem:$0xC0];
	_ =	sdelay $0x4  }
0x88: {  	v5 =	vshll.u32 v4, $0x1  }
0x89: {  	v4 =	vand.u32 $0x7, v4;
	v5 =	vand.u32 $0xFFFFFFF0, v5  }
0x8a: {  	v4 =	vor.u32 v4, v5  }
0x8b: {  	v5 =	vperm.xlane v4, v1;
	_ =	sdelay $0x1  }
0x8c: {  	v4 =	vperm.xlane v4, v3;
	v5 =	vadd.s32 v2, v5;
	_ =	sdelay $0x1  }
0x8d: {  	v4 =	vadd.s32 v2, v4;
	_ =	sdelay $0x2  }
0x8e: {  	[tilespmem:s30], [sflag:$0x2] =	stream.indirect_vreg.gather [hbm4b:s5+s12], $0x80, v5, vm0, $0xb8;
	[tilespmem:$0x1DD00] =	vst v63  }
0x8f: {  	_ = 	snop  }
0x90: {  	[tilespmem:s31], [sflag:$0x2] =	stream.indirect_vreg.gather [hbm4b:s5+s12], $0x80, v4, vm0, $0xb8;
	[tilespmem:$0x1DD00] =	vst v63  }
0x91: {  	_ =	swait.ge [sflag:s0], $0x2800  }
0x92: {  	[sflag:s0] =	ssyncset.done $0x0  }
0x93: {  	[sflag:s0] =	ssyncadd.s32 $0xFFFFD800  }
0x94: {  	_ =	swait.ge [sflag:s2], $0x5000  }
0x95: {  	s21 =	sand.u32 $0x7800, s12;
	s22 =	sand.u32 $0x380, s12;
	[sflag:s2] =	ssyncset.done $0x0  }
0x96: {  	s15 =	sor.u32 s22, s21;
	[sflag:s2] =	ssyncadd.s32 $0xFFFFB000  }
0x97: {  	s8 =	simm.s32 $0x140;
	v4 =	vld [tilespmem:s15+$0x2D00]  }
0x98: {  	v5 =	vld [tilespmem:s8+$0xFFFFFFC0];
	_ =	sdelay $0x1  }
0x99: {  	v6 =	vld [tilespmem:s15+$0x2900];
	_ =	sdelay $0x2  }
0x9a: {  	v4 =	vmul.f32 v4, v5;
	_ =	sdelay $0x1  }
0x9b: {  	v4 =	vadd.f32 v4, v6;
	_ =	sdelay $0x1  }
0x9c: {  	s10 =	simm.s32 $0x7940;
	v4 =	vmax.f32 v4, $0.0e+00  }
0x9d: {  	[tilespmem:s10+$0xFFFFFFC0] =	vst v4  }
0x9e: {  	v4 =	vld [tilespmem:s8+$0xFFFFFFD0]  }
0x9f: {  	v5 =	vld [tilespmem:s15+$0x2D10];
	_ =	sdelay $0x1  }
0xa0: {  	v6 =	vld [tilespmem:s15+$0x2910];
	_ =	sdelay $0x2  }
0xa1: {  	v4 =	vmul.f32 v5, v4;
	_ =	sdelay $0x1  }
0xa2: {  	v4 =	vadd.f32 v4, v6;
	_ =	sdelay $0x1  }
0xa3: {  	v4 =	vmax.f32 v4, $0.0e+00  }
0xa4: {  	[tilespmem:s10+$0xFFFFFFD0] =	vst v4  }
0xa5: {  	v4 =	vld [tilespmem:s8+$0xFFFFFFE0]  }
0xa6: {  	v5 =	vld [tilespmem:s15+$0x2D20];
	_ =	sdelay $0x1  }
0xa7: {  	v6 =	vld [tilespmem:s15+$0x2920];
	_ =	sdelay $0x2  }
0xa8: {  	v4 =	vmul.f32 v5, v4;
	_ =	sdelay $0x1  }
0xa9: {  	v4 =	vadd.f32 v4, v6;
	_ =	sdelay $0x1  }
0xaa: {  	v4 =	vmax.f32 v4, $0.0e+00  }
0xab: {  	[tilespmem:s10+$0xFFFFFFE0] =	vst v4  }
0xac: {  	v4 =	vld [tilespmem:s8+$0xFFFFFFF0]  }
0xad: {  	v5 =	vld [tilespmem:s15+$0x2D30];
	_ =	sdelay $0x1  }
0xae: {  	v6 =	vld [tilespmem:s15+$0x2930];
	_ =	sdelay $0x2  }
0xaf: {  	v4 =	vmul.f32 v5, v4;
	_ =	sdelay $0x1  }
0xb0: {  	v4 =	vadd.f32 v4, v6;
	_ =	sdelay $0x1  }
0xb1: {  	v4 =	vmax.f32 v4, $0.0e+00  }
0xb2: {  	[tilespmem:s10+$0xFFFFFFF0] =	vst v4  }
0xb3: {  	v4 =	vld [tilespmem:s8+$0x0]  }
0xb4: {  	v5 =	vld [tilespmem:s15+$0x2D40];
	_ =	sdelay $0x1  }
0xb5: {  	v6 =	vld [tilespmem:s15+$0x2940];
	_ =	sdelay $0x2  }
0xb6: {  	v4 =	vmul.f32 v5, v4;
	_ =	sdelay $0x1  }
0xb7: {  	v4 =	vadd.f32 v4, v6;
	_ =	sdelay $0x1  }
0xb8: {  	v4 =	vmax.f32 v4, $0.0e+00  }
0xb9: {  	[tilespmem:s10+$0x0] =	vst v4  }
0xba: {  	v4 =	vld [tilespmem:s8+$0x10]  }
0xbb: {  	v5 =	vld [tilespmem:s15+$0x2D50];
	_ =	sdelay $0x1  }
0xbc: {  	v6 =	vld [tilespmem:s15+$0x2950];
	_ =	sdelay $0x2  }
0xbd: {  	v4 =	vmul.f32 v5, v4;
	_ =	sdelay $0x1  }
0xbe: {  	v4 =	vadd.f32 v4, v6;
	_ =	sdelay $0x1  }
0xbf: {  	v4 =	vmax.f32 v4, $0.0e+00  }
0xc0: {  	[tilespmem:s10+$0x10] =	vst v4  }
0xc1: {  	v4 =	vld [tilespmem:s8+$0x20]  }
0xc2: {  	v5 =	vld [tilespmem:s15+$0x2D60];
	_ =	sdelay $0x1  }
0xc3: {  	v6 =	vld [tilespmem:s15+$0x2960];
	_ =	sdelay $0x2  }
0xc4: {  	v4 =	vmul.f32 v5, v4;
	_ =	sdelay $0x1  }
0xc5: {  	v4 =	vadd.f32 v4, v6;
	_ =	sdelay $0x1  }
0xc6: {  	v4 =	vmax.f32 v4, $0.0e+00  }
0xc7: {  	[tilespmem:s10+$0x20] =	vst v4  }
0xc8: {  	v4 =	vld [tilespmem:s8+$0x30]  }
0xc9: {  	v5 =	vld [tilespmem:s15+$0x2D70]  }
0xca: {  	s11 =	simm.s32 $0x80;
	s20 =	simm.s32 $0x0;
	v6 =	vld [tilespmem:s15+$0x2970];
	s15 =	simm.s32 $0x7940  }
.LBB2_7:
0xcb: {  	s20 =	sadd.s32 $0x100, s20;
	s8 =	sadd.s32 $0x80, s8;
	s10 =	sadd.s32 $0x80, s10  }
0xcc: {  	p0 =	sne.s32 s11, $0x2780;
	s21 =	smov.u32 s11;
	s11 =	sadd.s32 $0x80, s11  }
0xcd: {  	_ = 	snop  }
0xce: {  	v4 =	vmul.f32 v5, v4;
	_ =	sdelay $0x1  }
0xcf: {  	v4 =	vadd.f32 v4, v6;
	_ =	sdelay $0x1  }
0xd0: {  	s22 =	sand.u32 $0x7800, s20;
	s21 =	sand.u32 $0x380, s21;
	v4 =	vmax.f32 v4, $0.0e+00  }
0xd1: {  	s21 =	sor.u32 s21, s22;
	[tilespmem:s15+$0x30] =	vst v4;
	s15 =	smov.u32 s10  }
0xd2: {  	v4 =	vld [tilespmem:s21+$0x2D00]  }
0xd3: {  	v5 =	vld [tilespmem:s8+$0xFFFFFFC0]  }
0xd4: {  	v6 =	vld [tilespmem:s21+$0x2900];
	_ =	sdelay $0x3  }
0xd5: {  	v4 =	vmul.f32 v4, v5;
	_ =	sdelay $0x1  }
0xd6: {  	v4 =	vadd.f32 v4, v6;
	_ =	sdelay $0x1  }
0xd7: {  	v4 =	vmax.f32 v4, $0.0e+00  }
0xd8: {  	[tilespmem:s10+$0xFFFFFFC0] =	vst v4  }
0xd9: {  	v4 =	vld [tilespmem:s8+$0xFFFFFFD0]  }
0xda: {  	v5 =	vld [tilespmem:s21+$0x2D10];
	_ =	sdelay $0x1  }
0xdb: {  	v6 =	vld [tilespmem:s21+$0x2910];
	_ =	sdelay $0x2  }
0xdc: {  	v4 =	vmul.f32 v5, v4;
	_ =	sdelay $0x1  }
0xdd: {  	v4 =	vadd.f32 v4, v6;
	_ =	sdelay $0x1  }
0xde: {  	v4 =	vmax.f32 v4, $0.0e+00  }
0xdf: {  	[tilespmem:s10+$0xFFFFFFD0] =	vst v4  }
0xe0: {  	v4 =	vld [tilespmem:s8+$0xFFFFFFE0]  }
0xe1: {  	v5 =	vld [tilespmem:s21+$0x2D20];
	_ =	sdelay $0x1  }
0xe2: {  	v6 =	vld [tilespmem:s21+$0x2920];
	_ =	sdelay $0x2  }
0xe3: {  	v4 =	vmul.f32 v5, v4;
	_ =	sdelay $0x1  }
0xe4: {  	v4 =	vadd.f32 v4, v6;
	_ =	sdelay $0x1  }
0xe5: {  	v4 =	vmax.f32 v4, $0.0e+00  }
0xe6: {  	[tilespmem:s10+$0xFFFFFFE0] =	vst v4  }
0xe7: {  	v4 =	vld [tilespmem:s8+$0xFFFFFFF0]  }
0xe8: {  	v5 =	vld [tilespmem:s21+$0x2D30];
	_ =	sdelay $0x1  }
0xe9: {  	v6 =	vld [tilespmem:s21+$0x2930];
	_ =	sdelay $0x2  }
0xea: {  	v4 =	vmul.f32 v5, v4;
	_ =	sdelay $0x1  }
0xeb: {  	v4 =	vadd.f32 v4, v6;
	_ =	sdelay $0x1  }
0xec: {  	v4 =	vmax.f32 v4, $0.0e+00  }
0xed: {  	[tilespmem:s10+$0xFFFFFFF0] =	vst v4  }
0xee: {  	v4 =	vld [tilespmem:s8+$0x0]  }
0xef: {  	v5 =	vld [tilespmem:s21+$0x2D40]  }
0xf0: {  	v6 =	vld [tilespmem:s21+$0x2940];
	_ =	sdelay $0x3  }
0xf1: {  	v4 =	vmul.f32 v5, v4;
	_ =	sdelay $0x1  }
0xf2: {  	v4 =	vadd.f32 v4, v6;
	_ =	sdelay $0x1  }
0xf3: {  	v4 =	vmax.f32 v4, $0.0e+00  }
0xf4: {  	[tilespmem:s10+$0x0] =	vst v4  }
0xf5: {  	v4 =	vld [tilespmem:s8+$0x10]  }
0xf6: {  	v5 =	vld [tilespmem:s21+$0x2D50]  }
0xf7: {  	v6 =	vld [tilespmem:s21+$0x2950];
	_ =	sdelay $0x3  }
0xf8: {  	v4 =	vmul.f32 v5, v4;
	_ =	sdelay $0x1  }
0xf9: {  	v4 =	vadd.f32 v4, v6;
	_ =	sdelay $0x1  }
0xfa: {  	v4 =	vmax.f32 v4, $0.0e+00  }
0xfb: {  	[tilespmem:s10+$0x10] =	vst v4  }
0xfc: {  	v4 =	vld [tilespmem:s8+$0x20]  }
0xfd: {  	v5 =	vld [tilespmem:s21+$0x2D60]  }
0xfe: {  	v6 =	vld [tilespmem:s21+$0x2960];
	_ =	sdelay $0x3  }
0xff: {  	v4 =	vmul.f32 v5, v4;
	_ =	sdelay $0x1  }
0x100: {  	v4 =	vadd.f32 v4, v6;
	_ =	sdelay $0x1  }
.Ltmp2:
0x101: {  	v4 =	vmax.f32 v4, $0.0e+00;
	(pc) =	sbr.rel @p0 .LBB2_7-.Ltmp2, $4  }
0x102: {  	[tilespmem:s10+$0x20] =	vst v4  }
0x103: {  	v4 =	vld [tilespmem:s8+$0x30]  }
0x104: {  	v5 =	vld [tilespmem:s21+$0x2D70]  }
0x105: {  	v6 =	vld [tilespmem:s21+$0x2970]  }
0x106: {  	_ =	sdelay $0x2  }
0x107: {  	v4 =	vmul.f32 v5, v4;
	_ =	sdelay $0x1  }
0x108: {  	v4 =	vadd.f32 v4, v6  }
0x109: {  	s13 =	sadd.s32 $0x1, s13  }
0x10a: {  	p0 =	sne.s32 s13, $0x7D;
	v4 =	vmax.f32 v4, $0.0e+00  }
.Ltmp3:
0x10b: {  	[tilespmem:s15+$0x30] =	vst v4;
	(pc) =	sbr.rel @p0 .LBB2_6-.Ltmp3, $4  }
0x10c: {  	[spmem:s1] =	stream.indirect.scatter.add.f32 [tilespmem:s19], [sflag:$0x3], $0x80, s17, s18, $0xb8;
	[tilespmem:$0x1DD00] =	vst v63  }
0x10d: {  	_ =	swait.ge [sflag:s16], $0x2800  }
0x10e: {  	[sflag:s16] =	ssyncset.done $0x0  }
0x10f: {  	[sflag:s16] =	ssyncadd.s32 $0xFFFFD800  }
0x110: {  	[bflag:$0x0] =	sbarrier.arrive $0xFFFF  }
0x111: {  	s15 =	rddreg [dreg:$0x4]  }
0x112: {  	s8 =	rddreg [dreg:$0x6]  }
0x113: {  	s20 =	rddreg [dreg:$0x8]  }
0x114: {  	[hbm:s8], [sflag:s15] =	dma.local [spmem:s20], $0x2780  }
0x115: {  	_ =	swait.ge [sflag:s16], $0x2780  }
0x116: {  	s10 =	rddreg [dreg:$0x9]  }
0x117: {  	s22 =	rddreg [dreg:$0x7];
	s10 =	sadd.s32 $0x1, s10  }
0x118: {  	p0 =	sne.s32 s10, s22  }
.Ltmp4:
0x119: {  	_ = 	snop;
	(pc) =	sbr.rel @p0 .LBB2_1-.Ltmp4, $3  }
0x11a: {  	_ =	sdelay $0x1  }
0x11b: {  	[sflag:s16] =	ssyncset.done $0x0  }
0x11c: {  	s13 =	rddreg [dreg:$0x3];
	[sflag:s16] =	ssyncadd.s32 $0xFFFFD880  }
0x11d: {  	_ =	sfence.sel $0x180000  }
0x11e: {  	[bflag:$0x0] =	sbarrier.arrive $0xFFFF  }
0x11f: {  	_ =	strace $0x90000047  }
0x120: {  	s0 =	stileid.u32;
	[bflag:$0x2] =	sbarrier.arrive $0xFFFF  }
0x121: {  	p0 =	sne.s32 s0, $0x0;
	s0 =	rddreg [dreg:$0x2]  }
0x122: {  	s0 =	sadd.s32 @!p0 $0x100000, s0  }
0x123: {  	[sflag:s0] =	ssyncadd.tile.s32 @!p0 $0x1;
	_ =	shalt  }
.Lfunc_end2:
_tile_overlayer_lowered:
.L_overlay_start_2:
0x124: {  	(tag) =	ssettag $0x2  }
0x125: {  	s0 =	rddreg [dreg:$0x0];
	s2 =	stileid.u32  }
0x126: {  	s1 =	rddreg [dreg:$0x1];
	p0 =	sne.s32 s2, $0x0  }
0x127: {  	s3 =	rddreg [dreg:$0x2];
	[bflag:$0x3] =	sbarrier.arrive $0xFFFF;
	s2 =	simm.s32 @!p0 $0x1C03  }
0x128: {  	[timem:s3], [sflag:s2] =	dma.local @!p0 [hbm:s0], s1  }
0x129: {  	s0 =	simm.s32 @!p0 $0x3  }
0x12a: {  	_ =	swait.ge @!p0 [sflag:s0], s1  }
0x12b: {  	s1 =	ssub.s32 @!p0 $0x0, s1;
	[sflag:s0] =	ssyncset.done @!p0 $0x0  }
0x12c: {  	[sflag:s0] =	ssyncadd.s32 @!p0 s1  }
0x12d: {  	[bflag:$0x3] =	sbarrier.arrive $0xFFFF  }
0x12e: {  	_ =	shalt  }

</sc_bundles>
